<compile_context>
chip_gen: v7x
topology: tpu7x:2x2x1
jax: 0.10.2.dev20260603
libtpu: 0.0.44.dev20260713+nightly
codegen_flags: <defaults>
</compile_context>

<pallas_src>
import functools

import jax
import jax.numpy as jnp
from jax import lax
from jax.experimental import pallas as pl
from jax.experimental.pallas import tpu as pltpu
from jax.experimental.pallas import tpu_sc as plsc

N = 10000
NPAD = 10112
E_RAW = 320000
E_TOT = E_RAW + N
NW = 32
CB = 80
NCHUNK = 130
EPAD = NW * CB * (NCHUNK + 1)
RW = 144
ROWS_PER_TILE = NPAD // 16
NEG_SLOPE = 0.2
NBLK = NPAD // 128


def _splat(w, v):
  idx = jnp.full((16, 1), v, jnp.int32)
  dnums = lax.GatherDimensionNumbers(
      offset_dims=(), collapsed_slice_dims=(0,), start_index_map=(0,))
  return lax.gather(w, idx, dnums, slice_sizes=(1,),
                    mode=lax.GatherScatterMode.PROMISE_IN_BOUNDS)


def _make_edge_kernel(heads8):

  def body(hx_hbm, ad_hbm, src_hbm, dst_hbm, zeros_hbm, out_hbm,
           acc_sh, srcv0, srcv1, dstv0, dstv1, hxb0, hxb1, adb0, adb1,
           msgb, sem_h0, sem_h1, sem_a0, sem_a1):
    c = lax.axis_index("c")
    s = lax.axis_index("s")
    wid = c * 16 + s
    r0 = s * ROWS_PER_TILE
    srcv = (srcv0, srcv1)
    dstv = (dstv0, dstv1)
    hxb = (hxb0, hxb1)
    adb = (adb0, adb1)
    sem_h = (sem_h0, sem_h1)
    sem_a = (sem_a0, sem_a1)

    pltpu.sync_copy(zeros_hbm.at[pl.ds(r0, ROWS_PER_TILE)],
                    acc_sh.at[pl.ds(r0, ROWS_PER_TILE)])
    plsc.subcore_barrier()

    def fetch(j, b):
      pltpu.sync_copy(src_hbm.at[wid, j], srcv[b])
      pltpu.sync_copy(dst_hbm.at[wid, j], dstv[b])
      pltpu.async_copy(hx_hbm.at[srcv[b]], hxb[b], sem_h[b])
      pltpu.async_copy(ad_hbm.at[dstv[b]], adb[b], sem_a[b])

    def phase(j, b):
      fetch(j + 1, 1 - b)
      pltpu.make_async_copy(hx_hbm.at[srcv[b]], hxb[b], sem_h[b]).wait()
      pltpu.make_async_copy(ad_hbm.at[dstv[b]], adb[b], sem_a[b]).wait()

      @plsc.parallel_loop(0, CB, unroll=2)
      def _(e):
        a = adb[b][e, :] + hxb[b][e, pl.ds(128, 16)]
        w = jnp.exp(jnp.maximum(a, NEG_SLOPE * a))
        msgb[e, pl.ds(128, 16)] = w
        for v in range(8):
          hv = hxb[b][e, pl.ds(16 * v, 16)]
          wv = _splat(w, v if heads8 else 0)
          msgb[e, pl.ds(16 * v, 16)] = hv * wv

      pltpu.sync_copy(msgb, acc_sh.at[dstv[b]], add=True)

    fetch(0, 0)

    def chunk2(g, _):
      phase(2 * g, 0)
      phase(2 * g + 1, 1)
      return 0

    lax.fori_loop(0, NCHUNK // 2, chunk2, 0)
    pltpu.make_async_copy(hx_hbm.at[srcv[0]], hxb[0], sem_h[0]).wait()
    pltpu.make_async_copy(ad_hbm.at[dstv[0]], adb[0], sem_a[0]).wait()
    plsc.subcore_barrier()
    pltpu.sync_copy(acc_sh.at[pl.ds(r0, ROWS_PER_TILE)],
                    out_hbm.at[c, pl.ds(r0, ROWS_PER_TILE)])

  return pl.kernel(
      body,
      out_type=jax.ShapeDtypeStruct((2, NPAD, RW), jnp.float32),
      mesh=plsc.VectorSubcoreMesh(
          core_axis_name="c", subcore_axis_name="s",
          num_cores=2, num_subcores=16),
      scratch_types=[
          pltpu.VMEM_SHARED((NPAD, RW), jnp.float32),
          pltpu.VMEM((CB,), jnp.int32),
          pltpu.VMEM((CB,), jnp.int32),
          pltpu.VMEM((CB,), jnp.int32),
          pltpu.VMEM((CB,), jnp.int32),
          pltpu.VMEM((CB, RW), jnp.float32),
          pltpu.VMEM((CB, RW), jnp.float32),
          pltpu.VMEM((CB, 16), jnp.float32),
          pltpu.VMEM((CB, 16), jnp.float32),
          pltpu.VMEM((CB, RW), jnp.float32),
          pltpu.SemaphoreType.DMA,
          pltpu.SemaphoreType.DMA,
          pltpu.SemaphoreType.DMA,
          pltpu.SemaphoreType.DMA,
      ],
      compiler_params=pltpu.CompilerParams(use_tc_tiling_on_sc=False),
  )


_edge_kernel_l1 = _make_edge_kernel(True)
_edge_kernel_l2 = _make_edge_kernel(False)


def _proj1_body(x_ref, w_ref, as_ref, ad_ref, hx_ref, ado_ref):
  h = jnp.dot(x_ref[...], w_ref[...], preferred_element_type=jnp.float32)
  hx_ref[:, pl.ds(0, 128)] = h
  hx_ref[:, pl.ds(128, 16)] = jnp.dot(h, as_ref[...],
                                      preferred_element_type=jnp.float32)
  ado_ref[...] = jnp.dot(h, ad_ref[...], preferred_element_type=jnp.float32)


def _proj1(xp, w1, as16, ad16):
  return pl.pallas_call(
      _proj1_body,
      grid=(NBLK,),
      in_specs=[
          pl.BlockSpec((128, 128), lambda i: (i, 0)),
          pl.BlockSpec((128, 128), lambda i: (0, 0)),
          pl.BlockSpec((128, 16), lambda i: (0, 0)),
          pl.BlockSpec((128, 16), lambda i: (0, 0)),
      ],
      out_specs=[
          pl.BlockSpec((128, RW), lambda i: (i, 0)),
          pl.BlockSpec((128, 16), lambda i: (i, 0)),
      ],
      out_shape=[
          jax.ShapeDtypeStruct((NPAD, RW), jnp.float32),
          jax.ShapeDtypeStruct((NPAD, 16), jnp.float32),
      ],
  )(xp, w1, as16, ad16)


def _mid_body(p0_ref, p1_ref, rep_ref, w2_ref, as_ref, ad_ref, b1_ref,
              hx_ref, ado_ref):
  num = p0_ref[:, pl.ds(0, 128)] + p1_ref[:, pl.ds(0, 128)]
  den = p0_ref[:, pl.ds(128, 16)] + p1_ref[:, pl.ds(128, 16)]
  den_rep = jnp.dot(den, rep_ref[...], preferred_element_type=jnp.float32)
  h1 = num / (den_rep + 1e-16) + b1_ref[...]
  h1 = jnp.where(h1 > 0, h1, jnp.exp(jnp.minimum(h1, 0.0)) - 1.0)
  h2 = jnp.dot(h1, w2_ref[...], preferred_element_type=jnp.float32)
  hx_ref[:, pl.ds(0, 128)] = h2
  hx_ref[:, pl.ds(128, 16)] = jnp.dot(h2, as_ref[...],
                                      preferred_element_type=jnp.float32)
  ado_ref[...] = jnp.dot(h2, ad_ref[...], preferred_element_type=jnp.float32)


def _mid(p0, p1, rep, w2, as2, ad2, b1r):
  return pl.pallas_call(
      _mid_body,
      grid=(NBLK,),
      in_specs=[
          pl.BlockSpec((128, RW), lambda i: (i, 0)),
          pl.BlockSpec((128, RW), lambda i: (i, 0)),
          pl.BlockSpec((16, 128), lambda i: (0, 0)),
          pl.BlockSpec((128, 128), lambda i: (0, 0)),
          pl.BlockSpec((128, 16), lambda i: (0, 0)),
          pl.BlockSpec((128, 16), lambda i: (0, 0)),
          pl.BlockSpec((1, 128), lambda i: (0, 0)),
      ],
      out_specs=[
          pl.BlockSpec((128, RW), lambda i: (i, 0)),
          pl.BlockSpec((128, 16), lambda i: (i, 0)),
      ],
      out_shape=[
          jax.ShapeDtypeStruct((NPAD, RW), jnp.float32),
          jax.ShapeDtypeStruct((NPAD, 16), jnp.float32),
      ],
  )(p0, p1, rep, w2, as2, ad2, b1r)


def _fin_body(q0_ref, q1_ref, b2_ref, out_ref):
  num = q0_ref[:, pl.ds(0, 128)] + q1_ref[:, pl.ds(0, 128)]
  den = q0_ref[:, pl.ds(128, 1)] + q1_ref[:, pl.ds(128, 1)]
  out_ref[...] = num / (den + 1e-16) + b2_ref[...]


def _fin(q0, q1, b2r):
  return pl.pallas_call(
      _fin_body,
      grid=(NBLK,),
      in_specs=[
          pl.BlockSpec((128, RW), lambda i: (i, 0)),
          pl.BlockSpec((128, RW), lambda i: (i, 0)),
          pl.BlockSpec((1, 128), lambda i: (0, 0)),
      ],
      out_specs=pl.BlockSpec((128, 128), lambda i: (i, 0)),
      out_shape=jax.ShapeDtypeStruct((NPAD, 128), jnp.float32),
  )(q0, q1, b2r)


@jax.jit
def kernel(x, edge_index, W1, att1, b1, W2, att2, b2):
  ei = edge_index.astype(jnp.int32)
  src0, dst0 = ei[0], ei[1]
  dst0 = jnp.where(src0 != dst0, dst0, N)
  loops = jnp.arange(N, dtype=jnp.int32)
  pad = NW * CB * NCHUNK - E_TOT
  src = jnp.concatenate([src0, loops, jnp.zeros((pad,), jnp.int32)])
  dst = jnp.concatenate([dst0, loops, jnp.full((pad,), N, jnp.int32)])
  src_r = jnp.concatenate(
      [src.reshape(NW, NCHUNK, CB), jnp.zeros((NW, 1, CB), jnp.int32)], axis=1)
  dst_r = jnp.concatenate(
      [dst.reshape(NW, NCHUNK, CB), jnp.full((NW, 1, CB), N, jnp.int32)],
      axis=1)

  xp = jnp.pad(x.astype(jnp.float32), ((0, NPAD - N), (0, 0)))
  zeros_hbm = jnp.zeros((NPAD, RW), jnp.float32)

  att_i = att1[0, :, :16]
  att_j = att1[0, :, 16:]
  eye8 = jnp.eye(8, dtype=jnp.float32)
  ad16 = jnp.pad((att_i[:, :, None] * eye8[:, None, :]).reshape(128, 8),
                 ((0, 0), (0, 8)))
  as16 = jnp.pad((att_j[:, :, None] * eye8[:, None, :]).reshape(128, 8),
                 ((0, 0), (0, 8)))
  ad2 = jnp.pad(att2[0, 0, :128][:, None], ((0, 0), (0, 15)))
  as2 = jnp.pad(att2[0, 0, 128:][:, None], ((0, 0), (0, 15)))
  rep = jnp.pad(jnp.kron(eye8, jnp.ones((1, 16), jnp.float32)),
                ((0, 8), (0, 0)))
  b1r = b1.reshape(1, 128)
  b2r = b2.reshape(1, 128)

  hx1, adst1 = _proj1(xp, W1, as16, ad16)
  part1 = _edge_kernel_l1(hx1, adst1, src_r, dst_r, zeros_hbm)
  hx2, adst2 = _mid(part1[0], part1[1], rep, W2, as2, ad2, b1r)
  part2 = _edge_kernel_l2(hx2, adst2, src_r, dst_r, zeros_hbm)
  out = _fin(part2[0], part2[1], b2r)
  return out[:N]

# --- scband reference (transcript-rebuilt; emitter-appended) ---
"""Pipeline reference for scband-multi-gat-69106023793066 (READ-ONLY COPY).

The authoritative reference and input builder live on the scoring server;
editing this copy changes nothing except your own understanding.
"""

import jax, jax.numpy as jnp
import numpy as np

N_NODES = 10000
N_EDGES = 320000
D_IN = 128
HIDDEN = 128
D_OUT = 128
HEADS1 = 8
OUT1 = HIDDEN // HEADS1  # 16
NEG_SLOPE = 0.2


def setup_inputs(seed: int = 0) -> dict:
    key = jax.random.key(seed)
    ks = jax.random.split(key, 8)
    x = jax.random.normal(ks[0], (N_NODES, D_IN), dtype=jnp.float32)
    edge_index = jax.random.randint(ks[1], (2, N_EDGES), 0, N_NODES, dtype=jnp.int64)
    def glorot(k, shape):
        stdv = float(np.sqrt(6.0 / (shape[-2] + shape[-1])))
        return jax.random.uniform(k, shape, dtype=jnp.float32, minval=-stdv, maxval=stdv)
    W1 = glorot(ks[2], (D_IN, HEADS1 * OUT1))
    att1 = glorot(ks[3], (1, HEADS1, 2 * OUT1))
    b1 = jnp.zeros((HEADS1 * OUT1,), dtype=jnp.float32)
    W2 = glorot(ks[4], (HIDDEN, 1 * D_OUT))
    att2 = glorot(ks[5], (1, 1, 2 * D_OUT))
    b2 = jnp.zeros((D_OUT,), dtype=jnp.float32)
    return {"x": x, "edge_index": edge_index, "W1": W1, "att1": att1, "b1": b1,
            "W2": W2, "att2": att2, "b2": b2}


def _prep_edges(edge_index, num_nodes):
    # remove self loops then add self loops (as in the torch module)
    src, dst = edge_index[0], edge_index[1]
    mask = src != dst
    dst = jnp.where(mask, dst, jnp.asarray(num_nodes, dtype=dst.dtype))
    loops = jnp.arange(num_nodes, dtype=edge_index.dtype)
    ei = jnp.concatenate(
        [jnp.stack([src, dst], axis=0), jnp.stack([loops, loops], axis=0)], axis=1
    )
    return ei


def _gat_conv(x, ei, W, att, bias, heads, out_ch, concat):
    N = x.shape[0]
    S = N + 1
    h = x @ W  # (N, heads*out_ch)
    src, dst = ei[0], ei[1]
    x_j = h[src].reshape(-1, heads, out_ch)
    x_i = h[dst].reshape(-1, heads, out_ch)
    alpha = (jnp.concatenate([x_i, x_j], axis=-1) * att).sum(axis=-1)  # (E, heads)
    alpha = jax.nn.leaky_relu(alpha, NEG_SLOPE)
    amax = jax.ops.segment_max(alpha, dst, num_segments=S)
    amax = jnp.where(jnp.isfinite(amax), amax, 0.0)
    alpha = jnp.exp(alpha - amax[dst])
    denom = jax.ops.segment_sum(alpha, dst, num_segments=S)
    alpha = alpha / (denom[dst] + 1e-16)
    # dropout p=0 (eval) -> identity
    msg = x_j * alpha[:, :, None]
    out = jax.ops.segment_sum(msg, dst, num_segments=S)[:N]
    if concat:
        out = out.reshape(N, heads * out_ch)
    else:
        out = out.mean(axis=1)
    return out + bias


def reference(x, edge_index, W1, att1, b1, W2, att2, b2):
    N = x.shape[0]
    ei = _prep_edges(edge_index, N)
    # GATBlock: dropout(p=0) -> conv -> elu (no residual)
    h = _gat_conv(x, ei, W1, att1, b1, HEADS1, OUT1, True)
    h = jax.nn.elu(h)
    # final dropout(p=0) -> conv (heads=1, concat=False)
    out = _gat_conv(h, ei, W2, att2, b2, 1, D_OUT, False)
    return out

if __name__ == "__main__":
    import jax
    _d = setup_inputs()
    print(jax.jit(kernel)(*tuple(_d.values())))

</pallas_src>

<mosaic_0001>
#map = affine_map<(d0, d1) -> (0, 0)>
#map1 = affine_map<(d0, d1) -> (0, 0, 0)>
module attributes {stable_mosaic.version = 14 : i64} {
  func.func @body(%arg0: i32, %arg1: i32, %arg2: memref<10112x144xf32, #tpu.memory_space<hbm>>, %arg3: memref<10112x16xf32, #tpu.memory_space<hbm>>, %arg4: memref<32x131x80xi32, #tpu.memory_space<hbm>>, %arg5: memref<32x131x80xi32, #tpu.memory_space<hbm>>, %arg6: memref<10112x144xf32, #tpu.memory_space<hbm>>, %arg7: memref<2x10112x144xf32, #tpu.memory_space<hbm>>, %arg8: memref<10112x144xf32, #tpu.memory_space<vmem_shared>>, %arg9: memref<80xi32, #tpu.memory_space<vmem>>, %arg10: memref<80xi32, #tpu.memory_space<vmem>>, %arg11: memref<80xi32, #tpu.memory_space<vmem>>, %arg12: memref<80xi32, #tpu.memory_space<vmem>>, %arg13: memref<80x144xf32, #tpu.memory_space<vmem>>, %arg14: memref<80x144xf32, #tpu.memory_space<vmem>>, %arg15: memref<80x16xf32, #tpu.memory_space<vmem>>, %arg16: memref<80x16xf32, #tpu.memory_space<vmem>>, %arg17: memref<80x144xf32, #tpu.memory_space<vmem>>, %arg18: memref<!tpu.dma_semaphore, #tpu.memory_space<semaphore_mem>>, %arg19: memref<!tpu.dma_semaphore, #tpu.memory_space<semaphore_mem>>, %arg20: memref<!tpu.dma_semaphore, #tpu.memory_space<semaphore_mem>>, %arg21: memref<!tpu.dma_semaphore, #tpu.memory_space<semaphore_mem>>) attributes {dimension_semantics = [#tpu.dimension_semantics<core_parallel>, #tpu.dimension_semantics<subcore_parallel>], iteration_bounds = array<i64: 2, 16>, scalar_prefetch = 0 : i64, scratch_operands = 14 : i64, tpu.core_type = #tpu.core_type<sc_vector_subcore>, window_params = [{transform_indices = #map}, {transform_indices = #map}, {transform_indices = #map1}, {transform_indices = #map1}, {transform_indices = #map}, {transform_indices = #map1}]} {
    %mul3A = arith.constant 16 : i32
    %mul3A_0 = arith.muli %arg0, %mul3A : i32
    %add3A = arith.addi %mul3A_0, %arg1 : i32
    %mul3A_1 = arith.constant 632 : i32
    %mul3A_2 = arith.muli %arg1, %mul3A_1 : i32
    "tpu.region"() ({
      %run_scoped3A_21 = tpu.sem_alloc : memref<!tpu.dma_semaphore, #tpu.memory_space<semaphore_mem>>
      %dma_start3A_22 = arith.constant 0 : i32
      %dma_start3A_23 = tpu.memref_slice %arg8[%mul3A_2, %dma_start3A_22] : memref<10112x144xf32, #tpu.memory_space<vmem_shared>> -> memref<632x144xf32, #tpu.memory_space<vmem_shared>>
      %dma_start3A_24 = arith.constant 0 : i32
      %dma_start3A_25 = tpu.memref_slice %arg6[%mul3A_2, %dma_start3A_24] : memref<10112x144xf32, #tpu.memory_space<hbm>> -> memref<632x144xf32, #tpu.memory_space<hbm>>
      tpu.enqueue_dma source(%dma_start3A_25 : memref<632x144xf32, #tpu.memory_space<hbm>>) target(%dma_start3A_23 : memref<632x144xf32, #tpu.memory_space<vmem_shared>>) target_semaphore(%run_scoped3A_21 : memref<!tpu.dma_semaphore, #tpu.memory_space<semaphore_mem>>)
      %dma_wait3A_26 = arith.constant 0 : i32
      %dma_wait3A_27 = tpu.memref_slice %arg8[%mul3A_2, %dma_wait3A_26] : memref<10112x144xf32, #tpu.memory_space<vmem_shared>> -> memref<632x144xf32, #tpu.memory_space<vmem_shared>>
      %dma_wait3A_28 = arith.constant 0 : i32
      %dma_wait3A_29 = tpu.memref_slice %arg6[%mul3A_2, %dma_wait3A_28] : memref<10112x144xf32, #tpu.memory_space<hbm>> -> memref<632x144xf32, #tpu.memory_space<hbm>>
      tpu.wait_dma2 semaphore(%run_scoped3A_21 : memref<!tpu.dma_semaphore, #tpu.memory_space<semaphore_mem>>) src(%dma_wait3A_29 : memref<632x144xf32, #tpu.memory_space<hbm>>) dst(%dma_wait3A_27 : memref<632x144xf32, #tpu.memory_space<vmem_shared>>)
      tpu.yield
    }) : () -> ()
    %barrier3A = arith.constant 0 : index
    tpu.barrier barrier_id(%barrier3A)
    %run_scoped3A = arith.constant 0 : i32
    "tpu.region"() ({
      %run_scoped3A_21 = tpu.sem_alloc : memref<!tpu.dma_semaphore, #tpu.memory_space<semaphore_mem>>
      %dma_start3A_22 = arith.constant 0 : i32
      %dma_start3A_23 = tpu.memref_slice %arg4[%add3A, %run_scoped3A, %dma_start3A_22] : memref<32x131x80xi32, #tpu.memory_space<hbm>> -> memref<1x1x80xi32, #tpu.memory_space<hbm>>
      %dma_start3A_24 = tpu.memref_squeeze %dma_start3A_23 : memref<1x1x80xi32, #tpu.memory_space<hbm>> -> memref<80xi32, #tpu.memory_space<hbm>>
      %dma_start3A_25 = arith.constant 0 : i32
      %dma_start3A_26 = tpu.memref_slice %arg4[%add3A, %run_scoped3A, %dma_start3A_25] : memref<32x131x80xi32, #tpu.memory_space<hbm>> -> memref<1x1x80xi32, #tpu.memory_space<hbm>>
      %dma_start3A_27 = tpu.memref_squeeze %dma_start3A_26 : memref<1x1x80xi32, #tpu.memory_space<hbm>> -> memref<80xi32, #tpu.memory_space<hbm>>
      tpu.enqueue_dma source(%dma_start3A_27 : memref<80xi32, #tpu.memory_space<hbm>>) target(%arg9 : memref<80xi32, #tpu.memory_space<vmem>>) target_semaphore(%run_scoped3A_21 : memref<!tpu.dma_semaphore, #tpu.memory_space<semaphore_mem>>)
      %dma_wait3A_28 = arith.constant 0 : i32
      %dma_wait3A_29 = tpu.memref_slice %arg4[%add3A, %run_scoped3A, %dma_wait3A_28] : memref<32x131x80xi32, #tpu.memory_space<hbm>> -> memref<1x1x80xi32, #tpu.memory_space<hbm>>
      %dma_wait3A_30 = tpu.memref_squeeze %dma_wait3A_29 : memref<1x1x80xi32, #tpu.memory_space<hbm>> -> memref<80xi32, #tpu.memory_space<hbm>>
      %dma_wait3A_31 = arith.constant 0 : i32
      %dma_wait3A_32 = tpu.memref_slice %arg4[%add3A, %run_scoped3A, %dma_wait3A_31] : memref<32x131x80xi32, #tpu.memory_space<hbm>> -> memref<1x1x80xi32, #tpu.memory_space<hbm>>
      %dma_wait3A_33 = tpu.memref_squeeze %dma_wait3A_32 : memref<1x1x80xi32, #tpu.memory_space<hbm>> -> memref<80xi32, #tpu.memory_space<hbm>>
      tpu.wait_dma2 semaphore(%run_scoped3A_21 : memref<!tpu.dma_semaphore, #tpu.memory_space<semaphore_mem>>) src(%dma_wait3A_33 : memref<80xi32, #tpu.memory_space<hbm>>) dst(%arg9 : memref<80xi32, #tpu.memory_space<vmem>>)
      tpu.yield
    }) : () -> ()
    %run_scoped3A_3 = arith.constant 0 : i32
    "tpu.region"() ({
      %run_scoped3A_21 = tpu.sem_alloc : memref<!tpu.dma_semaphore, #tpu.memory_space<semaphore_mem>>
      %dma_start3A_22 = arith.constant 0 : i32
      %dma_start3A_23 = tpu.memref_slice %arg5[%add3A, %run_scoped3A_3, %dma_start3A_22] : memref<32x131x80xi32, #tpu.memory_space<hbm>> -> memref<1x1x80xi32, #tpu.memory_space<hbm>>
      %dma_start3A_24 = tpu.memref_squeeze %dma_start3A_23 : memref<1x1x80xi32, #tpu.memory_space<hbm>> -> memref<80xi32, #tpu.memory_space<hbm>>
      %dma_start3A_25 = arith.constant 0 : i32
      %dma_start3A_26 = tpu.memref_slice %arg5[%add3A, %run_scoped3A_3, %dma_start3A_25] : memref<32x131x80xi32, #tpu.memory_space<hbm>> -> memref<1x1x80xi32, #tpu.memory_space<hbm>>
      %dma_start3A_27 = tpu.memref_squeeze %dma_start3A_26 : memref<1x1x80xi32, #tpu.memory_space<hbm>> -> memref<80xi32, #tpu.memory_space<hbm>>
      tpu.enqueue_dma source(%dma_start3A_27 : memref<80xi32, #tpu.memory_space<hbm>>) target(%arg11 : memref<80xi32, #tpu.memory_space<vmem>>) target_semaphore(%run_scoped3A_21 : memref<!tpu.dma_semaphore, #tpu.memory_space<semaphore_mem>>)
      %dma_wait3A_28 = arith.constant 0 : i32
      %dma_wait3A_29 = tpu.memref_slice %arg5[%add3A, %run_scoped3A_3, %dma_wait3A_28] : memref<32x131x80xi32, #tpu.memory_space<hbm>> -> memref<1x1x80xi32, #tpu.memory_space<hbm>>
      %dma_wait3A_30 = tpu.memref_squeeze %dma_wait3A_29 : memref<1x1x80xi32, #tpu.memory_space<hbm>> -> memref<80xi32, #tpu.memory_space<hbm>>
      %dma_wait3A_31 = arith.constant 0 : i32
      %dma_wait3A_32 = tpu.memref_slice %arg5[%add3A, %run_scoped3A_3, %dma_wait3A_31] : memref<32x131x80xi32, #tpu.memory_space<hbm>> -> memref<1x1x80xi32, #tpu.memory_space<hbm>>
      %dma_wait3A_33 = tpu.memref_squeeze %dma_wait3A_32 : memref<1x1x80xi32, #tpu.memory_space<hbm>> -> memref<80xi32, #tpu.memory_space<hbm>>
      tpu.wait_dma2 semaphore(%run_scoped3A_21 : memref<!tpu.dma_semaphore, #tpu.memory_space<semaphore_mem>>) src(%dma_wait3A_33 : memref<80xi32, #tpu.memory_space<hbm>>) dst(%arg11 : memref<80xi32, #tpu.memory_space<vmem>>)
      tpu.yield
    }) : () -> ()
    %dma_start3A = arith.constant 0 : i32
    %dma_start3A_4 = arith.constant 0 : i32
    %dma_start3A_5 = tpu.memref_slice %arg2[%dma_start3A, %dma_start3A_4] : memref<10112x144xf32, #tpu.memory_space<hbm>> -> memref<10112x144xf32, #tpu.memory_space<hbm>>
    tpu.enqueue_indirect_dma source(%dma_start3A_5 : memref<10112x144xf32, #tpu.memory_space<hbm>>) target(%arg13 : memref<80x144xf32, #tpu.memory_space<vmem>>) offsets(%arg9 : memref<80xi32, #tpu.memory_space<vmem>>) semaphore(%arg18 : memref<!tpu.dma_semaphore, #tpu.memory_space<semaphore_mem>>)
    %dma_start3A_6 = arith.constant 0 : i32
    %dma_start3A_7 = arith.constant 0 : i32
    %dma_start3A_8 = tpu.memref_slice %arg3[%dma_start3A_6, %dma_start3A_7] : memref<10112x16xf32, #tpu.memory_space<hbm>> -> memref<10112x16xf32, #tpu.memory_space<hbm>>
    tpu.enqueue_indirect_dma source(%dma_start3A_8 : memref<10112x16xf32, #tpu.memory_space<hbm>>) target(%arg15 : memref<80x16xf32, #tpu.memory_space<vmem>>) offsets(%arg11 : memref<80xi32, #tpu.memory_space<vmem>>) semaphore(%arg20 : memref<!tpu.dma_semaphore, #tpu.memory_space<semaphore_mem>>)
    %scan3A = arith.constant 0 : i32
    %scan3A_9 = arith.constant 0 : i32
    %scan3A_10 = arith.constant 65 : i32
    %scan3A_11 = arith.addi %scan3A_9, %scan3A_10 : i32
    %scan3A_12 = arith.constant 1 : i32
    %scan3A_13 = scf.for %scan3A_21 = %scan3A_9 to %scan3A_11 step %scan3A_12 iter_args(%scan3A_22 = %scan3A) -> (i32)  : i32 {
      %mul3A_23 = arith.constant 2 : i32
      %mul3A_24 = arith.muli %mul3A_23, %scan3A_21 : i32
      %add3A_25 = arith.constant 1 : i32
      %add3A_26 = arith.addi %mul3A_24, %add3A_25 : i32
      "tpu.region"() ({
        %run_scoped3A_63 = tpu.sem_alloc : memref<!tpu.dma_semaphore, #tpu.memory_space<semaphore_mem>>
        %dma_start3A_64 = arith.constant 0 : i32
        %dma_start3A_65 = tpu.memref_slice %arg4[%add3A, %add3A_26, %dma_start3A_64] : memref<32x131x80xi32, #tpu.memory_space<hbm>> -> memref<1x1x80xi32, #tpu.memory_space<hbm>>
        %dma_start3A_66 = tpu.memref_squeeze %dma_start3A_65 : memref<1x1x80xi32, #tpu.memory_space<hbm>> -> memref<80xi32, #tpu.memory_space<hbm>>
        %dma_start3A_67 = arith.constant 0 : i32
        %dma_start3A_68 = tpu.memref_slice %arg4[%add3A, %add3A_26, %dma_start3A_67] : memref<32x131x80xi32, #tpu.memory_space<hbm>> -> memref<1x1x80xi32, #tpu.memory_space<hbm>>
        %dma_start3A_69 = tpu.memref_squeeze %dma_start3A_68 : memref<1x1x80xi32, #tpu.memory_space<hbm>> -> memref<80xi32, #tpu.memory_space<hbm>>
        tpu.enqueue_dma source(%dma_start3A_69 : memref<80xi32, #tpu.memory_space<hbm>>) target(%arg10 : memref<80xi32, #tpu.memory_space<vmem>>) target_semaphore(%run_scoped3A_63 : memref<!tpu.dma_semaphore, #tpu.memory_space<semaphore_mem>>)
        %dma_wait3A_70 = arith.constant 0 : i32
        %dma_wait3A_71 = tpu.memref_slice %arg4[%add3A, %add3A_26, %dma_wait3A_70] : memref<32x131x80xi32, #tpu.memory_space<hbm>> -> memref<1x1x80xi32, #tpu.memory_space<hbm>>
        %dma_wait3A_72 = tpu.memref_squeeze %dma_wait3A_71 : memref<1x1x80xi32, #tpu.memory_space<hbm>> -> memref<80xi32, #tpu.memory_space<hbm>>
        %dma_wait3A_73 = arith.constant 0 : i32
        %dma_wait3A_74 = tpu.memref_slice %arg4[%add3A, %add3A_26, %dma_wait3A_73] : memref<32x131x80xi32, #tpu.memory_space<hbm>> -> memref<1x1x80xi32, #tpu.memory_space<hbm>>
        %dma_wait3A_75 = tpu.memref_squeeze %dma_wait3A_74 : memref<1x1x80xi32, #tpu.memory_space<hbm>> -> memref<80xi32, #tpu.memory_space<hbm>>
        tpu.wait_dma2 semaphore(%run_scoped3A_63 : memref<!tpu.dma_semaphore, #tpu.memory_space<semaphore_mem>>) src(%dma_wait3A_75 : memref<80xi32, #tpu.memory_space<hbm>>) dst(%arg10 : memref<80xi32, #tpu.memory_space<vmem>>)
        tpu.yield
      }) : () -> ()
      "tpu.region"() ({
        %run_scoped3A_63 = tpu.sem_alloc : memref<!tpu.dma_semaphore, #tpu.memory_space<semaphore_mem>>
        %dma_start3A_64 = arith.constant 0 : i32
        %dma_start3A_65 = tpu.memref_slice %arg5[%add3A, %add3A_26, %dma_start3A_64] : memref<32x131x80xi32, #tpu.memory_space<hbm>> -> memref<1x1x80xi32, #tpu.memory_space<hbm>>
        %dma_start3A_66 = tpu.memref_squeeze %dma_start3A_65 : memref<1x1x80xi32, #tpu.memory_space<hbm>> -> memref<80xi32, #tpu.memory_space<hbm>>
        %dma_start3A_67 = arith.constant 0 : i32
        %dma_start3A_68 = tpu.memref_slice %arg5[%add3A, %add3A_26, %dma_start3A_67] : memref<32x131x80xi32, #tpu.memory_space<hbm>> -> memref<1x1x80xi32, #tpu.memory_space<hbm>>
        %dma_start3A_69 = tpu.memref_squeeze %dma_start3A_68 : memref<1x1x80xi32, #tpu.memory_space<hbm>> -> memref<80xi32, #tpu.memory_space<hbm>>
        tpu.enqueue_dma source(%dma_start3A_69 : memref<80xi32, #tpu.memory_space<hbm>>) target(%arg12 : memref<80xi32, #tpu.memory_space<vmem>>) target_semaphore(%run_scoped3A_63 : memref<!tpu.dma_semaphore, #tpu.memory_space<semaphore_mem>>)
        %dma_wait3A_70 = arith.constant 0 : i32
        %dma_wait3A_71 = tpu.memref_slice %arg5[%add3A, %add3A_26, %dma_wait3A_70] : memref<32x131x80xi32, #tpu.memory_space<hbm>> -> memref<1x1x80xi32, #tpu.memory_space<hbm>>
        %dma_wait3A_72 = tpu.memref_squeeze %dma_wait3A_71 : memref<1x1x80xi32, #tpu.memory_space<hbm>> -> memref<80xi32, #tpu.memory_space<hbm>>
        %dma_wait3A_73 = arith.constant 0 : i32
        %dma_wait3A_74 = tpu.memref_slice %arg5[%add3A, %add3A_26, %dma_wait3A_73] : memref<32x131x80xi32, #tpu.memory_space<hbm>> -> memref<1x1x80xi32, #tpu.memory_space<hbm>>
        %dma_wait3A_75 = tpu.memref_squeeze %dma_wait3A_74 : memref<1x1x80xi32, #tpu.memory_space<hbm>> -> memref<80xi32, #tpu.memory_space<hbm>>
        tpu.wait_dma2 semaphore(%run_scoped3A_63 : memref<!tpu.dma_semaphore, #tpu.memory_space<semaphore_mem>>) src(%dma_wait3A_75 : memref<80xi32, #tpu.memory_space<hbm>>) dst(%arg12 : memref<80xi32, #tpu.memory_space<vmem>>)
        tpu.yield
      }) : () -> ()
      %dma_start3A_27 = arith.constant 0 : i32
      %dma_start3A_28 = arith.constant 0 : i32
      %dma_start3A_29 = tpu.memref_slice %arg2[%dma_start3A_27, %dma_start3A_28] : memref<10112x144xf32, #tpu.memory_space<hbm>> -> memref<10112x144xf32, #tpu.memory_space<hbm>>
      tpu.enqueue_indirect_dma source(%dma_start3A_29 : memref<10112x144xf32, #tpu.memory_space<hbm>>) target(%arg14 : memref<80x144xf32, #tpu.memory_space<vmem>>) offsets(%arg10 : memref<80xi32, #tpu.memory_space<vmem>>) semaphore(%arg19 : memref<!tpu.dma_semaphore, #tpu.memory_space<semaphore_mem>>)
      %dma_start3A_30 = arith.constant 0 : i32
      %dma_start3A_31 = arith.constant 0 : i32
      %dma_start3A_32 = tpu.memref_slice %arg3[%dma_start3A_30, %dma_start3A_31] : memref<10112x16xf32, #tpu.memory_space<hbm>> -> memref<10112x16xf32, #tpu.memory_space<hbm>>
      tpu.enqueue_indirect_dma source(%dma_start3A_32 : memref<10112x16xf32, #tpu.memory_space<hbm>>) target(%arg16 : memref<80x16xf32, #tpu.memory_space<vmem>>) offsets(%arg12 : memref<80xi32, #tpu.memory_space<vmem>>) semaphore(%arg21 : memref<!tpu.dma_semaphore, #tpu.memory_space<semaphore_mem>>)
      %dma_wait3A_33 = arith.constant 0 : i32
      %dma_wait3A_34 = arith.constant 0 : i32
      %dma_wait3A_35 = tpu.memref_slice %arg2[%dma_wait3A_33, %dma_wait3A_34] : memref<10112x144xf32, #tpu.memory_space<hbm>> -> memref<10112x144xf32, #tpu.memory_space<hbm>>
      tpu.wait_indirect_dma semaphore(%arg18 : memref<!tpu.dma_semaphore, #tpu.memory_space<semaphore_mem>>) src(%dma_wait3A_35 : memref<10112x144xf32, #tpu.memory_space<hbm>>) dst(%arg13 : memref<80x144xf32, #tpu.memory_space<vmem>>)
      %dma_wait3A_36 = arith.constant 0 : i32
      %dma_wait3A_37 = arith.constant 0 : i32
      %dma_wait3A_38 = tpu.memref_slice %arg3[%dma_wait3A_36, %dma_wait3A_37] : memref<10112x16xf32, #tpu.memory_space<hbm>> -> memref<10112x16xf32, #tpu.memory_space<hbm>>
      tpu.wait_indirect_dma semaphore(%arg20 : memref<!tpu.dma_semaphore, #tpu.memory_space<semaphore_mem>>) src(%dma_wait3A_38 : memref<10112x16xf32, #tpu.memory_space<hbm>>) dst(%arg15 : memref<80x16xf32, #tpu.memory_space<vmem>>)
      %parallel_loop3A = arith.constant 0 : i32
      %parallel_loop3A_39 = arith.constant 80 : i32
      %parallel_loop3A_40 = arith.constant 1 : i32
      scf.for %parallel_loop3A_63 = %parallel_loop3A to %parallel_loop3A_39 step %parallel_loop3A_40  : i32 {
        %parallel_loop3A_64 = arith.index_cast %parallel_loop3A_63 : i32 to index
        %parallel_loop3A_65 = arith.constant 0 : index
        %parallel_loop3A_66 = tpu.vector_load %arg15[%parallel_loop3A_64, %parallel_loop3A_65] {strides = array<i32>} : memref<80x16xf32, #tpu.memory_space<vmem>>, vector<1x16xf32>,
        %parallel_loop3A_67 = vector.shape_cast %parallel_loop3A_66 : vector<1x16xf32> to vector<16xf32>
        %parallel_loop3A_68 = arith.index_cast %parallel_loop3A_63 : i32 to index
        %parallel_loop3A_69 = arith.constant 128 : index
        %parallel_loop3A_70 = tpu.vector_load %arg13[%parallel_loop3A_68, %parallel_loop3A_69] {strides = array<i32>} : memref<80x144xf32, #tpu.memory_space<vmem>>, vector<1x16xf32>,
        %parallel_loop3A_71 = vector.shape_cast %parallel_loop3A_70 : vector<1x16xf32> to vector<16xf32>
        %parallel_loop3A_72 = arith.addf %parallel_loop3A_67, %parallel_loop3A_71 : vector<16xf32>
        %parallel_loop3A_73 = arith.constant 2.000000e-01 : f32
        %parallel_loop3A_74 = vector.broadcast %parallel_loop3A_73 : f32 to vector<16xf32>
        %parallel_loop3A_75 = arith.mulf %parallel_loop3A_74, %parallel_loop3A_72 : vector<16xf32>
        %parallel_loop3A_76 = arith.maximumf %parallel_loop3A_72, %parallel_loop3A_75 : vector<16xf32>
        %parallel_loop3A_77 = math.exp %parallel_loop3A_76 : vector<16xf32>
        %parallel_loop3A_78 = arith.index_cast %parallel_loop3A_63 : i32 to index
        %parallel_loop3A_79 = arith.constant 128 : index
        %parallel_loop3A_80 = tpu.vector_load %arg17[%parallel_loop3A_78, %parallel_loop3A_79] {strides = array<i32>} : memref<80x144xf32, #tpu.memory_space<vmem>>, vector<1x16xf32>,
        %parallel_loop3A_81 = vector.shape_cast %parallel_loop3A_80 : vector<1x16xf32> to vector<16xf32>
        %parallel_loop3A_82 = vector.shape_cast %parallel_loop3A_77 : vector<16xf32> to vector<1x16xf32>
        tpu.vector_store %arg17[%parallel_loop3A_78, %parallel_loop3A_79], %parallel_loop3A_82 {strides = array<i32>} : memref<80x144xf32, #tpu.memory_space<vmem>>, vector<1x16xf32>,
        %parallel_loop3A_83 = arith.index_cast %parallel_loop3A_63 : i32 to index
        %parallel_loop3A_84 = arith.constant 0 : index
        %parallel_loop3A_85 = tpu.vector_load %arg13[%parallel_loop3A_83, %parallel_loop3A_84] {strides = array<i32>} : memref<80x144xf32, #tpu.memory_space<vmem>>, vector<1x16xf32>,
        %parallel_loop3A_86 = vector.shape_cast %parallel_loop3A_85 : vector<1x16xf32> to vector<16xf32>
        %parallel_loop3A_87 = arith.constant 0 : i32
        %parallel_loop3A_88 = vector.broadcast %parallel_loop3A_87 : i32 to vector<16x1xi32>
        %parallel_loop3A_89 = vector.shape_cast %parallel_loop3A_88 : vector<16x1xi32> to vector<16xi32>
        %parallel_loop3A_90 = tpu.dynamic_gather %parallel_loop3A_77[%parallel_loop3A_89] in [0] : vector<16xf32>, vector<16xi32> -> vector<16xf32>
        %parallel_loop3A_91 = arith.mulf %parallel_loop3A_86, %parallel_loop3A_90 : vector<16xf32>
        %parallel_loop3A_92 = arith.index_cast %parallel_loop3A_63 : i32 to index
        %parallel_loop3A_93 = arith.constant 0 : index
        %parallel_loop3A_94 = tpu.vector_load %arg17[%parallel_loop3A_92, %parallel_loop3A_93] {strides = array<i32>} : memref<80x144xf32, #tpu.memory_space<vmem>>, vector<1x16xf32>,
        %parallel_loop3A_95 = vector.shape_cast %parallel_loop3A_94 : vector<1x16xf32> to vector<16xf32>
        %parallel_loop3A_96 = vector.shape_cast %parallel_loop3A_91 : vector<16xf32> to vector<1x16xf32>
        tpu.vector_store %arg17[%parallel_loop3A_92, %parallel_loop3A_93], %parallel_loop3A_96 {strides = array<i32>} : memref<80x144xf32, #tpu.memory_space<vmem>>, vector<1x16xf32>,
        %parallel_loop3A_97 = arith.index_cast %parallel_loop3A_63 : i32 to index
        %parallel_loop3A_98 = arith.constant 16 : index
        %parallel_loop3A_99 = tpu.vector_load %arg13[%parallel_loop3A_97, %parallel_loop3A_98] {strides = array<i32>} : memref<80x144xf32, #tpu.memory_space<vmem>>, vector<1x16xf32>,
        %parallel_loop3A_100 = vector.shape_cast %parallel_loop3A_99 : vector<1x16xf32> to vector<16xf32>
        %parallel_loop3A_101 = arith.constant 1 : i32
        %parallel_loop3A_102 = vector.broadcast %parallel_loop3A_101 : i32 to vector<16x1xi32>
        %parallel_loop3A_103 = vector.shape_cast %parallel_loop3A_102 : vector<16x1xi32> to vector<16xi32>
        %parallel_loop3A_104 = tpu.dynamic_gather %parallel_loop3A_77[%parallel_loop3A_103] in [0] : vector<16xf32>, vector<16xi32> -> vector<16xf32>
        %parallel_loop3A_105 = arith.mulf %parallel_loop3A_100, %parallel_loop3A_104 : vector<16xf32>
        %parallel_loop3A_106 = arith.index_cast %parallel_loop3A_63 : i32 to index
        %parallel_loop3A_107 = arith.constant 16 : index
        %parallel_loop3A_108 = tpu.vector_load %arg17[%parallel_loop3A_106, %parallel_loop3A_107] {strides = array<i32>} : memref<80x144xf32, #tpu.memory_space<vmem>>, vector<1x16xf32>,
        %parallel_loop3A_109 = vector.shape_cast %parallel_loop3A_108 : vector<1x16xf32> to vector<16xf32>
        %parallel_loop3A_110 = vector.shape_cast %parallel_loop3A_105 : vector<16xf32> to vector<1x16xf32>
        tpu.vector_store %arg17[%parallel_loop3A_106, %parallel_loop3A_107], %parallel_loop3A_110 {strides = array<i32>} : memref<80x144xf32, #tpu.memory_space<vmem>>, vector<1x16xf32>,
        %parallel_loop3A_111 = arith.index_cast %parallel_loop3A_63 : i32 to index
        %parallel_loop3A_112 = arith.constant 32 : index
        %parallel_loop3A_113 = tpu.vector_load %arg13[%parallel_loop3A_111, %parallel_loop3A_112] {strides = array<i32>} : memref<80x144xf32, #tpu.memory_space<vmem>>, vector<1x16xf32>,
        %parallel_loop3A_114 = vector.shape_cast %parallel_loop3A_113 : vector<1x16xf32> to vector<16xf32>
        %parallel_loop3A_115 = arith.constant 2 : i32
        %parallel_loop3A_116 = vector.broadcast %parallel_loop3A_115 : i32 to vector<16x1xi32>
        %parallel_loop3A_117 = vector.shape_cast %parallel_loop3A_116 : vector<16x1xi32> to vector<16xi32>
        %parallel_loop3A_118 = tpu.dynamic_gather %parallel_loop3A_77[%parallel_loop3A_117] in [0] : vector<16xf32>, vector<16xi32> -> vector<16xf32>
        %parallel_loop3A_119 = arith.mulf %parallel_loop3A_114, %parallel_loop3A_118 : vector<16xf32>
        %parallel_loop3A_120 = arith.index_cast %parallel_loop3A_63 : i32 to index
        %parallel_loop3A_121 = arith.constant 32 : index
        %parallel_loop3A_122 = tpu.vector_load %arg17[%parallel_loop3A_120, %parallel_loop3A_121] {strides = array<i32>} : memref<80x144xf32, #tpu.memory_space<vmem>>, vector<1x16xf32>,
        %parallel_loop3A_123 = vector.shape_cast %parallel_loop3A_122 : vector<1x16xf32> to vector<16xf32>
        %parallel_loop3A_124 = vector.shape_cast %parallel_loop3A_119 : vector<16xf32> to vector<1x16xf32>
        tpu.vector_store %arg17[%parallel_loop3A_120, %parallel_loop3A_121], %parallel_loop3A_124 {strides = array<i32>} : memref<80x144xf32, #tpu.memory_space<vmem>>, vector<1x16xf32>,
        %parallel_loop3A_125 = arith.index_cast %parallel_loop3A_63 : i32 to index
        %parallel_loop3A_126 = arith.constant 48 : index
        %parallel_loop3A_127 = tpu.vector_load %arg13[%parallel_loop3A_125, %parallel_loop3A_126] {strides = array<i32>} : memref<80x144xf32, #tpu.memory_space<vmem>>, vector<1x16xf32>,
        %parallel_loop3A_128 = vector.shape_cast %parallel_loop3A_127 : vector<1x16xf32> to vector<16xf32>
        %parallel_loop3A_129 = arith.constant 3 : i32
        %parallel_loop3A_130 = vector.broadcast %parallel_loop3A_129 : i32 to vector<16x1xi32>
        %parallel_loop3A_131 = vector.shape_cast %parallel_loop3A_130 : vector<16x1xi32> to vector<16xi32>
        %parallel_loop3A_132 = tpu.dynamic_gather %parallel_loop3A_77[%parallel_loop3A_131] in [0] : vector<16xf32>, vector<16xi32> -> vector<16xf32>
        %parallel_loop3A_133 = arith.mulf %parallel_loop3A_128, %parallel_loop3A_132 : vector<16xf32>
        %parallel_loop3A_134 = arith.index_cast %parallel_loop3A_63 : i32 to index
        %parallel_loop3A_135 = arith.constant 48 : index
        %parallel_loop3A_136 = tpu.vector_load %arg17[%parallel_loop3A_134, %parallel_loop3A_135] {strides = array<i32>} : memref<80x144xf32, #tpu.memory_space<vmem>>, vector<1x16xf32>,
        %parallel_loop3A_137 = vector.shape_cast %parallel_loop3A_136 : vector<1x16xf32> to vector<16xf32>
        %parallel_loop3A_138 = vector.shape_cast %parallel_loop3A_133 : vector<16xf32> to vector<1x16xf32>
        tpu.vector_store %arg17[%parallel_loop3A_134, %parallel_loop3A_135], %parallel_loop3A_138 {strides = array<i32>} : memref<80x144xf32, #tpu.memory_space<vmem>>, vector<1x16xf32>,
        %parallel_loop3A_139 = arith.index_cast %parallel_loop3A_63 : i32 to index
        %parallel_loop3A_140 = arith.constant 64 : index
        %parallel_loop3A_141 = tpu.vector_load %arg13[%parallel_loop3A_139, %parallel_loop3A_140] {strides = array<i32>} : memref<80x144xf32, #tpu.memory_space<vmem>>, vector<1x16xf32>,
        %parallel_loop3A_142 = vector.shape_cast %parallel_loop3A_141 : vector<1x16xf32> to vector<16xf32>
        %parallel_loop3A_143 = arith.constant 4 : i32
        %parallel_loop3A_144 = vector.broadcast %parallel_loop3A_143 : i32 to vector<16x1xi32>
        %parallel_loop3A_145 = vector.shape_cast %parallel_loop3A_144 : vector<16x1xi32> to vector<16xi32>
        %parallel_loop3A_146 = tpu.dynamic_gather %parallel_loop3A_77[%parallel_loop3A_145] in [0] : vector<16xf32>, vector<16xi32> -> vector<16xf32>
        %parallel_loop3A_147 = arith.mulf %parallel_loop3A_142, %parallel_loop3A_146 : vector<16xf32>
        %parallel_loop3A_148 = arith.index_cast %parallel_loop3A_63 : i32 to index
        %parallel_loop3A_149 = arith.constant 64 : index
        %parallel_loop3A_150 = tpu.vector_load %arg17[%parallel_loop3A_148, %parallel_loop3A_149] {strides = array<i32>} : memref<80x144xf32, #tpu.memory_space<vmem>>, vector<1x16xf32>,
        %parallel_loop3A_151 = vector.shape_cast %parallel_loop3A_150 : vector<1x16xf32> to vector<16xf32>
        %parallel_loop3A_152 = vector.shape_cast %parallel_loop3A_147 : vector<16xf32> to vector<1x16xf32>
        tpu.vector_store %arg17[%parallel_loop3A_148, %parallel_loop3A_149], %parallel_loop3A_152 {strides = array<i32>} : memref<80x144xf32, #tpu.memory_space<vmem>>, vector<1x16xf32>,
        %parallel_loop3A_153 = arith.index_cast %parallel_loop3A_63 : i32 to index
        %parallel_loop3A_154 = arith.constant 80 : index
        %parallel_loop3A_155 = tpu.vector_load %arg13[%parallel_loop3A_153, %parallel_loop3A_154] {strides = array<i32>} : memref<80x144xf32, #tpu.memory_space<vmem>>, vector<1x16xf32>,
        %parallel_loop3A_156 = vector.shape_cast %parallel_loop3A_155 : vector<1x16xf32> to vector<16xf32>
        %parallel_loop3A_157 = arith.constant 5 : i32
        %parallel_loop3A_158 = vector.broadcast %parallel_loop3A_157 : i32 to vector<16x1xi32>
        %parallel_loop3A_159 = vector.shape_cast %parallel_loop3A_158 : vector<16x1xi32> to vector<16xi32>
        %parallel_loop3A_160 = tpu.dynamic_gather %parallel_loop3A_77[%parallel_loop3A_159] in [0] : vector<16xf32>, vector<16xi32> -> vector<16xf32>
        %parallel_loop3A_161 = arith.mulf %parallel_loop3A_156, %parallel_loop3A_160 : vector<16xf32>
        %parallel_loop3A_162 = arith.index_cast %parallel_loop3A_63 : i32 to index
        %parallel_loop3A_163 = arith.constant 80 : index
        %parallel_loop3A_164 = tpu.vector_load %arg17[%parallel_loop3A_162, %parallel_loop3A_163] {strides = array<i32>} : memref<80x144xf32, #tpu.memory_space<vmem>>, vector<1x16xf32>,
        %parallel_loop3A_165 = vector.shape_cast %parallel_loop3A_164 : vector<1x16xf32> to vector<16xf32>
        %parallel_loop3A_166 = vector.shape_cast %parallel_loop3A_161 : vector<16xf32> to vector<1x16xf32>
        tpu.vector_store %arg17[%parallel_loop3A_162, %parallel_loop3A_163], %parallel_loop3A_166 {strides = array<i32>} : memref<80x144xf32, #tpu.memory_space<vmem>>, vector<1x16xf32>,
        %parallel_loop3A_167 = arith.index_cast %parallel_loop3A_63 : i32 to index
        %parallel_loop3A_168 = arith.constant 96 : index
        %parallel_loop3A_169 = tpu.vector_load %arg13[%parallel_loop3A_167, %parallel_loop3A_168] {strides = array<i32>} : memref<80x144xf32, #tpu.memory_space<vmem>>, vector<1x16xf32>,
        %parallel_loop3A_170 = vector.shape_cast %parallel_loop3A_169 : vector<1x16xf32> to vector<16xf32>
        %parallel_loop3A_171 = arith.constant 6 : i32
        %parallel_loop3A_172 = vector.broadcast %parallel_loop3A_171 : i32 to vector<16x1xi32>
        %parallel_loop3A_173 = vector.shape_cast %parallel_loop3A_172 : vector<16x1xi32> to vector<16xi32>
        %parallel_loop3A_174 = tpu.dynamic_gather %parallel_loop3A_77[%parallel_loop3A_173] in [0] : vector<16xf32>, vector<16xi32> -> vector<16xf32>
        %parallel_loop3A_175 = arith.mulf %parallel_loop3A_170, %parallel_loop3A_174 : vector<16xf32>
        %parallel_loop3A_176 = arith.index_cast %parallel_loop3A_63 : i32 to index
        %parallel_loop3A_177 = arith.constant 96 : index
        %parallel_loop3A_178 = tpu.vector_load %arg17[%parallel_loop3A_176, %parallel_loop3A_177] {strides = array<i32>} : memref<80x144xf32, #tpu.memory_space<vmem>>, vector<1x16xf32>,
        %parallel_loop3A_179 = vector.shape_cast %parallel_loop3A_178 : vector<1x16xf32> to vector<16xf32>
        %parallel_loop3A_180 = vector.shape_cast %parallel_loop3A_175 : vector<16xf32> to vector<1x16xf32>
        tpu.vector_store %arg17[%parallel_loop3A_176, %parallel_loop3A_177], %parallel_loop3A_180 {strides = array<i32>} : memref<80x144xf32, #tpu.memory_space<vmem>>, vector<1x16xf32>,
        %parallel_loop3A_181 = arith.index_cast %parallel_loop3A_63 : i32 to index
        %parallel_loop3A_182 = arith.constant 112 : index
        %parallel_loop3A_183 = tpu.vector_load %arg13[%parallel_loop3A_181, %parallel_loop3A_182] {strides = array<i32>} : memref<80x144xf32, #tpu.memory_space<vmem>>, vector<1x16xf32>,
        %parallel_loop3A_184 = vector.shape_cast %parallel_loop3A_183 : vector<1x16xf32> to vector<16xf32>
        %parallel_loop3A_185 = arith.constant 7 : i32
        %parallel_loop3A_186 = vector.broadcast %parallel_loop3A_185 : i32 to vector<16x1xi32>
        %parallel_loop3A_187 = vector.shape_cast %parallel_loop3A_186 : vector<16x1xi32> to vector<16xi32>
        %parallel_loop3A_188 = tpu.dynamic_gather %parallel_loop3A_77[%parallel_loop3A_187] in [0] : vector<16xf32>, vector<16xi32> -> vector<16xf32>
        %parallel_loop3A_189 = arith.mulf %parallel_loop3A_184, %parallel_loop3A_188 : vector<16xf32>
        %parallel_loop3A_190 = arith.index_cast %parallel_loop3A_63 : i32 to index
        %parallel_loop3A_191 = arith.constant 112 : index
        %parallel_loop3A_192 = tpu.vector_load %arg17[%parallel_loop3A_190, %parallel_loop3A_191] {strides = array<i32>} : memref<80x144xf32, #tpu.memory_space<vmem>>, vector<1x16xf32>,
        %parallel_loop3A_193 = vector.shape_cast %parallel_loop3A_192 : vector<1x16xf32> to vector<16xf32>
        %parallel_loop3A_194 = vector.shape_cast %parallel_loop3A_189 : vector<16xf32> to vector<1x16xf32>
        tpu.vector_store %arg17[%parallel_loop3A_190, %parallel_loop3A_191], %parallel_loop3A_194 {strides = array<i32>} : memref<80x144xf32, #tpu.memory_space<vmem>>, vector<1x16xf32>,
      } {sc.loop_unroll_factor = 2 : i64, sc.parallel_access}
      "tpu.region"() ({
        %run_scoped3A_63 = tpu.sem_alloc : memref<!tpu.dma_semaphore, #tpu.memory_space<semaphore_mem>>
        %dma_start3A_64 = arith.constant 0 : i32
        %dma_start3A_65 = arith.constant 0 : i32
        %dma_start3A_66 = tpu.memref_slice %arg8[%dma_start3A_64, %dma_start3A_65] : memref<10112x144xf32, #tpu.memory_space<vmem_shared>> -> memref<10112x144xf32, #tpu.memory_space<vmem_shared>>
        tpu.enqueue_indirect_dma source(%arg17 : memref<80x144xf32, #tpu.memory_space<vmem>>) target(%dma_start3A_66 : memref<10112x144xf32, #tpu.memory_space<vmem_shared>>) offsets(%arg11 : memref<80xi32, #tpu.memory_space<vmem>>) semaphore(%run_scoped3A_63 : memref<!tpu.dma_semaphore, #tpu.memory_space<semaphore_mem>>) {add = true}
        %dma_wait3A_67 = arith.constant 0 : i32
        %dma_wait3A_68 = arith.constant 0 : i32
        %dma_wait3A_69 = tpu.memref_slice %arg8[%dma_wait3A_67, %dma_wait3A_68] : memref<10112x144xf32, #tpu.memory_space<vmem_shared>> -> memref<10112x144xf32, #tpu.memory_space<vmem_shared>>
        tpu.wait_indirect_dma semaphore(%run_scoped3A_63 : memref<!tpu.dma_semaphore, #tpu.memory_space<semaphore_mem>>) src(%arg17 : memref<80x144xf32, #tpu.memory_space<vmem>>) dst(%dma_wait3A_69 : memref<10112x144xf32, #tpu.memory_space<vmem_shared>>)
        tpu.yield
      }) : () -> ()
      %mul3A_41 = arith.constant 2 : i32
      %mul3A_42 = arith.muli %mul3A_41, %scan3A_21 : i32
      %add3A_43 = arith.constant 1 : i32
      %add3A_44 = arith.addi %mul3A_42, %add3A_43 : i32
      %add3A_45 = arith.constant 1 : i32
      %add3A_46 = arith.addi %add3A_44, %add3A_45 : i32
      "tpu.region"() ({
        %run_scoped3A_63 = tpu.sem_alloc : memref<!tpu.dma_semaphore, #tpu.memory_space<semaphore_mem>>
        %dma_start3A_64 = arith.constant 0 : i32
        %dma_start3A_65 = tpu.memref_slice %arg4[%add3A, %add3A_46, %dma_start3A_64] : memref<32x131x80xi32, #tpu.memory_space<hbm>> -> memref<1x1x80xi32, #tpu.memory_space<hbm>>
        %dma_start3A_66 = tpu.memref_squeeze %dma_start3A_65 : memref<1x1x80xi32, #tpu.memory_space<hbm>> -> memref<80xi32, #tpu.memory_space<hbm>>
        %dma_start3A_67 = arith.constant 0 : i32
        %dma_start3A_68 = tpu.memref_slice %arg4[%add3A, %add3A_46, %dma_start3A_67] : memref<32x131x80xi32, #tpu.memory_space<hbm>> -> memref<1x1x80xi32, #tpu.memory_space<hbm>>
        %dma_start3A_69 = tpu.memref_squeeze %dma_start3A_68 : memref<1x1x80xi32, #tpu.memory_space<hbm>> -> memref<80xi32, #tpu.memory_space<hbm>>
        tpu.enqueue_dma source(%dma_start3A_69 : memref<80xi32, #tpu.memory_space<hbm>>) target(%arg9 : memref<80xi32, #tpu.memory_space<vmem>>) target_semaphore(%run_scoped3A_63 : memref<!tpu.dma_semaphore, #tpu.memory_space<semaphore_mem>>)
        %dma_wait3A_70 = arith.constant 0 : i32
        %dma_wait3A_71 = tpu.memref_slice %arg4[%add3A, %add3A_46, %dma_wait3A_70] : memref<32x131x80xi32, #tpu.memory_space<hbm>> -> memref<1x1x80xi32, #tpu.memory_space<hbm>>
        %dma_wait3A_72 = tpu.memref_squeeze %dma_wait3A_71 : memref<1x1x80xi32, #tpu.memory_space<hbm>> -> memref<80xi32, #tpu.memory_space<hbm>>
        %dma_wait3A_73 = arith.constant 0 : i32
        %dma_wait3A_74 = tpu.memref_slice %arg4[%add3A, %add3A_46, %dma_wait3A_73] : memref<32x131x80xi32, #tpu.memory_space<hbm>> -> memref<1x1x80xi32, #tpu.memory_space<hbm>>
        %dma_wait3A_75 = tpu.memref_squeeze %dma_wait3A_74 : memref<1x1x80xi32, #tpu.memory_space<hbm>> -> memref<80xi32, #tpu.memory_space<hbm>>
        tpu.wait_dma2 semaphore(%run_scoped3A_63 : memref<!tpu.dma_semaphore, #tpu.memory_space<semaphore_mem>>) src(%dma_wait3A_75 : memref<80xi32, #tpu.memory_space<hbm>>) dst(%arg9 : memref<80xi32, #tpu.memory_space<vmem>>)
        tpu.yield
      }) : () -> ()
      "tpu.region"() ({
        %run_scoped3A_63 = tpu.sem_alloc : memref<!tpu.dma_semaphore, #tpu.memory_space<semaphore_mem>>
        %dma_start3A_64 = arith.constant 0 : i32
        %dma_start3A_65 = tpu.memref_slice %arg5[%add3A, %add3A_46, %dma_start3A_64] : memref<32x131x80xi32, #tpu.memory_space<hbm>> -> memref<1x1x80xi32, #tpu.memory_space<hbm>>
        %dma_start3A_66 = tpu.memref_squeeze %dma_start3A_65 : memref<1x1x80xi32, #tpu.memory_space<hbm>> -> memref<80xi32, #tpu.memory_space<hbm>>
        %dma_start3A_67 = arith.constant 0 : i32
        %dma_start3A_68 = tpu.memref_slice %arg5[%add3A, %add3A_46, %dma_start3A_67] : memref<32x131x80xi32, #tpu.memory_space<hbm>> -> memref<1x1x80xi32, #tpu.memory_space<hbm>>
        %dma_start3A_69 = tpu.memref_squeeze %dma_start3A_68 : memref<1x1x80xi32, #tpu.memory_space<hbm>> -> memref<80xi32, #tpu.memory_space<hbm>>
        tpu.enqueue_dma source(%dma_start3A_69 : memref<80xi32, #tpu.memory_space<hbm>>) target(%arg11 : memref<80xi32, #tpu.memory_space<vmem>>) target_semaphore(%run_scoped3A_63 : memref<!tpu.dma_semaphore, #tpu.memory_space<semaphore_mem>>)
        %dma_wait3A_70 = arith.constant 0 : i32
        %dma_wait3A_71 = tpu.memref_slice %arg5[%add3A, %add3A_46, %dma_wait3A_70] : memref<32x131x80xi32, #tpu.memory_space<hbm>> -> memref<1x1x80xi32, #tpu.memory_space<hbm>>
        %dma_wait3A_72 = tpu.memref_squeeze %dma_wait3A_71 : memref<1x1x80xi32, #tpu.memory_space<hbm>> -> memref<80xi32, #tpu.memory_space<hbm>>
        %dma_wait3A_73 = arith.constant 0 : i32
        %dma_wait3A_74 = tpu.memref_slice %arg5[%add3A, %add3A_46, %dma_wait3A_73] : memref<32x131x80xi32, #tpu.memory_space<hbm>> -> memref<1x1x80xi32, #tpu.memory_space<hbm>>
        %dma_wait3A_75 = tpu.memref_squeeze %dma_wait3A_74 : memref<1x1x80xi32, #tpu.memory_space<hbm>> -> memref<80xi32, #tpu.memory_space<hbm>>
        tpu.wait_dma2 semaphore(%run_scoped3A_63 : memref<!tpu.dma_semaphore, #tpu.memory_space<semaphore_mem>>) src(%dma_wait3A_75 : memref<80xi32, #tpu.memory_space<hbm>>) dst(%arg11 : memref<80xi32, #tpu.memory_space<vmem>>)
        tpu.yield
      }) : () -> ()
      %dma_start3A_47 = arith.constant 0 : i32
      %dma_start3A_48 = arith.constant 0 : i32
      %dma_start3A_49 = tpu.memref_slice %arg2[%dma_start3A_47, %dma_start3A_48] : memref<10112x144xf32, #tpu.memory_space<hbm>> -> memref<10112x144xf32, #tpu.memory_space<hbm>>
      tpu.enqueue_indirect_dma source(%dma_start3A_49 : memref<10112x144xf32, #tpu.memory_space<hbm>>) target(%arg13 : memref<80x144xf32, #tpu.memory_space<vmem>>) offsets(%arg9 : memref<80xi32, #tpu.memory_space<vmem>>) semaphore(%arg18 : memref<!tpu.dma_semaphore, #tpu.memory_space<semaphore_mem>>)
      %dma_start3A_50 = arith.constant 0 : i32
      %dma_start3A_51 = arith.constant 0 : i32
      %dma_start3A_52 = tpu.memref_slice %arg3[%dma_start3A_50, %dma_start3A_51] : memref<10112x16xf32, #tpu.memory_space<hbm>> -> memref<10112x16xf32, #tpu.memory_space<hbm>>
      tpu.enqueue_indirect_dma source(%dma_start3A_52 : memref<10112x16xf32, #tpu.memory_space<hbm>>) target(%arg15 : memref<80x16xf32, #tpu.memory_space<vmem>>) offsets(%arg11 : memref<80xi32, #tpu.memory_space<vmem>>) semaphore(%arg20 : memref<!tpu.dma_semaphore, #tpu.memory_space<semaphore_mem>>)
      %dma_wait3A_53 = arith.constant 0 : i32
      %dma_wait3A_54 = arith.constant 0 : i32
      %dma_wait3A_55 = tpu.memref_slice %arg2[%dma_wait3A_53, %dma_wait3A_54] : memref<10112x144xf32, #tpu.memory_space<hbm>> -> memref<10112x144xf32, #tpu.memory_space<hbm>>
      tpu.wait_indirect_dma semaphore(%arg19 : memref<!tpu.dma_semaphore, #tpu.memory_space<semaphore_mem>>) src(%dma_wait3A_55 : memref<10112x144xf32, #tpu.memory_space<hbm>>) dst(%arg14 : memref<80x144xf32, #tpu.memory_space<vmem>>)
      %dma_wait3A_56 = arith.constant 0 : i32
      %dma_wait3A_57 = arith.constant 0 : i32
      %dma_wait3A_58 = tpu.memref_slice %arg3[%dma_wait3A_56, %dma_wait3A_57] : memref<10112x16xf32, #tpu.memory_space<hbm>> -> memref<10112x16xf32, #tpu.memory_space<hbm>>
      tpu.wait_indirect_dma semaphore(%arg21 : memref<!tpu.dma_semaphore, #tpu.memory_space<semaphore_mem>>) src(%dma_wait3A_58 : memref<10112x16xf32, #tpu.memory_space<hbm>>) dst(%arg16 : memref<80x16xf32, #tpu.memory_space<vmem>>)
      %parallel_loop3A_59 = arith.constant 0 : i32
      %parallel_loop3A_60 = arith.constant 80 : i32
      %parallel_loop3A_61 = arith.constant 1 : i32
      scf.for %parallel_loop3A_63 = %parallel_loop3A_59 to %parallel_loop3A_60 step %parallel_loop3A_61  : i32 {
        %parallel_loop3A_64 = arith.index_cast %parallel_loop3A_63 : i32 to index
        %parallel_loop3A_65 = arith.constant 0 : index
        %parallel_loop3A_66 = tpu.vector_load %arg16[%parallel_loop3A_64, %parallel_loop3A_65] {strides = array<i32>} : memref<80x16xf32, #tpu.memory_space<vmem>>, vector<1x16xf32>,
        %parallel_loop3A_67 = vector.shape_cast %parallel_loop3A_66 : vector<1x16xf32> to vector<16xf32>
        %parallel_loop3A_68 = arith.index_cast %parallel_loop3A_63 : i32 to index
        %parallel_loop3A_69 = arith.constant 128 : index
        %parallel_loop3A_70 = tpu.vector_load %arg14[%parallel_loop3A_68, %parallel_loop3A_69] {strides = array<i32>} : memref<80x144xf32, #tpu.memory_space<vmem>>, vector<1x16xf32>,
        %parallel_loop3A_71 = vector.shape_cast %parallel_loop3A_70 : vector<1x16xf32> to vector<16xf32>
        %parallel_loop3A_72 = arith.addf %parallel_loop3A_67, %parallel_loop3A_71 : vector<16xf32>
        %parallel_loop3A_73 = arith.constant 2.000000e-01 : f32
        %parallel_loop3A_74 = vector.broadcast %parallel_loop3A_73 : f32 to vector<16xf32>
        %parallel_loop3A_75 = arith.mulf %parallel_loop3A_74, %parallel_loop3A_72 : vector<16xf32>
        %parallel_loop3A_76 = arith.maximumf %parallel_loop3A_72, %parallel_loop3A_75 : vector<16xf32>
        %parallel_loop3A_77 = math.exp %parallel_loop3A_76 : vector<16xf32>
        %parallel_loop3A_78 = arith.index_cast %parallel_loop3A_63 : i32 to index
        %parallel_loop3A_79 = arith.constant 128 : index
        %parallel_loop3A_80 = tpu.vector_load %arg17[%parallel_loop3A_78, %parallel_loop3A_79] {strides = array<i32>} : memref<80x144xf32, #tpu.memory_space<vmem>>, vector<1x16xf32>,
        %parallel_loop3A_81 = vector.shape_cast %parallel_loop3A_80 : vector<1x16xf32> to vector<16xf32>
        %parallel_loop3A_82 = vector.shape_cast %parallel_loop3A_77 : vector<16xf32> to vector<1x16xf32>
        tpu.vector_store %arg17[%parallel_loop3A_78, %parallel_loop3A_79], %parallel_loop3A_82 {strides = array<i32>} : memref<80x144xf32, #tpu.memory_space<vmem>>, vector<1x16xf32>,
        %parallel_loop3A_83 = arith.index_cast %parallel_loop3A_63 : i32 to index
        %parallel_loop3A_84 = arith.constant 0 : index
        %parallel_loop3A_85 = tpu.vector_load %arg14[%parallel_loop3A_83, %parallel_loop3A_84] {strides = array<i32>} : memref<80x144xf32, #tpu.memory_space<vmem>>, vector<1x16xf32>,
        %parallel_loop3A_86 = vector.shape_cast %parallel_loop3A_85 : vector<1x16xf32> to vector<16xf32>
        %parallel_loop3A_87 = arith.constant 0 : i32
        %parallel_loop3A_88 = vector.broadcast %parallel_loop3A_87 : i32 to vector<16x1xi32>
        %parallel_loop3A_89 = vector.shape_cast %parallel_loop3A_88 : vector<16x1xi32> to vector<16xi32>
        %parallel_loop3A_90 = tpu.dynamic_gather %parallel_loop3A_77[%parallel_loop3A_89] in [0] : vector<16xf32>, vector<16xi32> -> vector<16xf32>
        %parallel_loop3A_91 = arith.mulf %parallel_loop3A_86, %parallel_loop3A_90 : vector<16xf32>
        %parallel_loop3A_92 = arith.index_cast %parallel_loop3A_63 : i32 to index
        %parallel_loop3A_93 = arith.constant 0 : index
        %parallel_loop3A_94 = tpu.vector_load %arg17[%parallel_loop3A_92, %parallel_loop3A_93] {strides = array<i32>} : memref<80x144xf32, #tpu.memory_space<vmem>>, vector<1x16xf32>,
        %parallel_loop3A_95 = vector.shape_cast %parallel_loop3A_94 : vector<1x16xf32> to vector<16xf32>
        %parallel_loop3A_96 = vector.shape_cast %parallel_loop3A_91 : vector<16xf32> to vector<1x16xf32>
        tpu.vector_store %arg17[%parallel_loop3A_92, %parallel_loop3A_93], %parallel_loop3A_96 {strides = array<i32>} : memref<80x144xf32, #tpu.memory_space<vmem>>, vector<1x16xf32>,
        %parallel_loop3A_97 = arith.index_cast %parallel_loop3A_63 : i32 to index
        %parallel_loop3A_98 = arith.constant 16 : index
        %parallel_loop3A_99 = tpu.vector_load %arg14[%parallel_loop3A_97, %parallel_loop3A_98] {strides = array<i32>} : memref<80x144xf32, #tpu.memory_space<vmem>>, vector<1x16xf32>,
        %parallel_loop3A_100 = vector.shape_cast %parallel_loop3A_99 : vector<1x16xf32> to vector<16xf32>
        %parallel_loop3A_101 = arith.constant 1 : i32
        %parallel_loop3A_102 = vector.broadcast %parallel_loop3A_101 : i32 to vector<16x1xi32>
        %parallel_loop3A_103 = vector.shape_cast %parallel_loop3A_102 : vector<16x1xi32> to vector<16xi32>
        %parallel_loop3A_104 = tpu.dynamic_gather %parallel_loop3A_77[%parallel_loop3A_103] in [0] : vector<16xf32>, vector<16xi32> -> vector<16xf32>
        %parallel_loop3A_105 = arith.mulf %parallel_loop3A_100, %parallel_loop3A_104 : vector<16xf32>
        %parallel_loop3A_106 = arith.index_cast %parallel_loop3A_63 : i32 to index
        %parallel_loop3A_107 = arith.constant 16 : index
        %parallel_loop3A_108 = tpu.vector_load %arg17[%parallel_loop3A_106, %parallel_loop3A_107] {strides = array<i32>} : memref<80x144xf32, #tpu.memory_space<vmem>>, vector<1x16xf32>,
        %parallel_loop3A_109 = vector.shape_cast %parallel_loop3A_108 : vector<1x16xf32> to vector<16xf32>
        %parallel_loop3A_110 = vector.shape_cast %parallel_loop3A_105 : vector<16xf32> to vector<1x16xf32>
        tpu.vector_store %arg17[%parallel_loop3A_106, %parallel_loop3A_107], %parallel_loop3A_110 {strides = array<i32>} : memref<80x144xf32, #tpu.memory_space<vmem>>, vector<1x16xf32>,
        %parallel_loop3A_111 = arith.index_cast %parallel_loop3A_63 : i32 to index
        %parallel_loop3A_112 = arith.constant 32 : index
        %parallel_loop3A_113 = tpu.vector_load %arg14[%parallel_loop3A_111, %parallel_loop3A_112] {strides = array<i32>} : memref<80x144xf32, #tpu.memory_space<vmem>>, vector<1x16xf32>,
        %parallel_loop3A_114 = vector.shape_cast %parallel_loop3A_113 : vector<1x16xf32> to vector<16xf32>
        %parallel_loop3A_115 = arith.constant 2 : i32
        %parallel_loop3A_116 = vector.broadcast %parallel_loop3A_115 : i32 to vector<16x1xi32>
        %parallel_loop3A_117 = vector.shape_cast %parallel_loop3A_116 : vector<16x1xi32> to vector<16xi32>
        %parallel_loop3A_118 = tpu.dynamic_gather %parallel_loop3A_77[%parallel_loop3A_117] in [0] : vector<16xf32>, vector<16xi32> -> vector<16xf32>
        %parallel_loop3A_119 = arith.mulf %parallel_loop3A_114, %parallel_loop3A_118 : vector<16xf32>
        %parallel_loop3A_120 = arith.index_cast %parallel_loop3A_63 : i32 to index
        %parallel_loop3A_121 = arith.constant 32 : index
        %parallel_loop3A_122 = tpu.vector_load %arg17[%parallel_loop3A_120, %parallel_loop3A_121] {strides = array<i32>} : memref<80x144xf32, #tpu.memory_space<vmem>>, vector<1x16xf32>,
        %parallel_loop3A_123 = vector.shape_cast %parallel_loop3A_122 : vector<1x16xf32> to vector<16xf32>
        %parallel_loop3A_124 = vector.shape_cast %parallel_loop3A_119 : vector<16xf32> to vector<1x16xf32>
        tpu.vector_store %arg17[%parallel_loop3A_120, %parallel_loop3A_121], %parallel_loop3A_124 {strides = array<i32>} : memref<80x144xf32, #tpu.memory_space<vmem>>, vector<1x16xf32>,
        %parallel_loop3A_125 = arith.index_cast %parallel_loop3A_63 : i32 to index
        %parallel_loop3A_126 = arith.constant 48 : index
        %parallel_loop3A_127 = tpu.vector_load %arg14[%parallel_loop3A_125, %parallel_loop3A_126] {strides = array<i32>} : memref<80x144xf32, #tpu.memory_space<vmem>>, vector<1x16xf32>,
        %parallel_loop3A_128 = vector.shape_cast %parallel_loop3A_127 : vector<1x16xf32> to vector<16xf32>
        %parallel_loop3A_129 = arith.constant 3 : i32
        %parallel_loop3A_130 = vector.broadcast %parallel_loop3A_129 : i32 to vector<16x1xi32>
        %parallel_loop3A_131 = vector.shape_cast %parallel_loop3A_130 : vector<16x1xi32> to vector<16xi32>
        %parallel_loop3A_132 = tpu.dynamic_gather %parallel_loop3A_77[%parallel_loop3A_131] in [0] : vector<16xf32>, vector<16xi32> -> vector<16xf32>
        %parallel_loop3A_133 = arith.mulf %parallel_loop3A_128, %parallel_loop3A_132 : vector<16xf32>
        %parallel_loop3A_134 = arith.index_cast %parallel_loop3A_63 : i32 to index
        %parallel_loop3A_135 = arith.constant 48 : index
        %parallel_loop3A_136 = tpu.vector_load %arg17[%parallel_loop3A_134, %parallel_loop3A_135] {strides = array<i32>} : memref<80x144xf32, #tpu.memory_space<vmem>>, vector<1x16xf32>,
        %parallel_loop3A_137 = vector.shape_cast %parallel_loop3A_136 : vector<1x16xf32> to vector<16xf32>
        %parallel_loop3A_138 = vector.shape_cast %parallel_loop3A_133 : vector<16xf32> to vector<1x16xf32>
        tpu.vector_store %arg17[%parallel_loop3A_134, %parallel_loop3A_135], %parallel_loop3A_138 {strides = array<i32>} : memref<80x144xf32, #tpu.memory_space<vmem>>, vector<1x16xf32>,
        %parallel_loop3A_139 = arith.index_cast %parallel_loop3A_63 : i32 to index
        %parallel_loop3A_140 = arith.constant 64 : index
        %parallel_loop3A_141 = tpu.vector_load %arg14[%parallel_loop3A_139, %parallel_loop3A_140] {strides = array<i32>} : memref<80x144xf32, #tpu.memory_space<vmem>>, vector<1x16xf32>,
        %parallel_loop3A_142 = vector.shape_cast %parallel_loop3A_141 : vector<1x16xf32> to vector<16xf32>
        %parallel_loop3A_143 = arith.constant 4 : i32
        %parallel_loop3A_144 = vector.broadcast %parallel_loop3A_143 : i32 to vector<16x1xi32>
        %parallel_loop3A_145 = vector.shape_cast %parallel_loop3A_144 : vector<16x1xi32> to vector<16xi32>
        %parallel_loop3A_146 = tpu.dynamic_gather %parallel_loop3A_77[%parallel_loop3A_145] in [0] : vector<16xf32>, vector<16xi32> -> vector<16xf32>
        %parallel_loop3A_147 = arith.mulf %parallel_loop3A_142, %parallel_loop3A_146 : vector<16xf32>
        %parallel_loop3A_148 = arith.index_cast %parallel_loop3A_63 : i32 to index
        %parallel_loop3A_149 = arith.constant 64 : index
        %parallel_loop3A_150 = tpu.vector_load %arg17[%parallel_loop3A_148, %parallel_loop3A_149] {strides = array<i32>} : memref<80x144xf32, #tpu.memory_space<vmem>>, vector<1x16xf32>,
        %parallel_loop3A_151 = vector.shape_cast %parallel_loop3A_150 : vector<1x16xf32> to vector<16xf32>
        %parallel_loop3A_152 = vector.shape_cast %parallel_loop3A_147 : vector<16xf32> to vector<1x16xf32>
        tpu.vector_store %arg17[%parallel_loop3A_148, %parallel_loop3A_149], %parallel_loop3A_152 {strides = array<i32>} : memref<80x144xf32, #tpu.memory_space<vmem>>, vector<1x16xf32>,
        %parallel_loop3A_153 = arith.index_cast %parallel_loop3A_63 : i32 to index
        %parallel_loop3A_154 = arith.constant 80 : index
        %parallel_loop3A_155 = tpu.vector_load %arg14[%parallel_loop3A_153, %parallel_loop3A_154] {strides = array<i32>} : memref<80x144xf32, #tpu.memory_space<vmem>>, vector<1x16xf32>,
        %parallel_loop3A_156 = vector.shape_cast %parallel_loop3A_155 : vector<1x16xf32> to vector<16xf32>
        %parallel_loop3A_157 = arith.constant 5 : i32
        %parallel_loop3A_158 = vector.broadcast %parallel_loop3A_157 : i32 to vector<16x1xi32>
        %parallel_loop3A_159 = vector.shape_cast %parallel_loop3A_158 : vector<16x1xi32> to vector<16xi32>
        %parallel_loop3A_160 = tpu.dynamic_gather %parallel_loop3A_77[%parallel_loop3A_159] in [0] : vector<16xf32>, vector<16xi32> -> vector<16xf32>
        %parallel_loop3A_161 = arith.mulf %parallel_loop3A_156, %parallel_loop3A_160 : vector<16xf32>
        %parallel_loop3A_162 = arith.index_cast %parallel_loop3A_63 : i32 to index
        %parallel_loop3A_163 = arith.constant 80 : index
        %parallel_loop3A_164 = tpu.vector_load %arg17[%parallel_loop3A_162, %parallel_loop3A_163] {strides = array<i32>} : memref<80x144xf32, #tpu.memory_space<vmem>>, vector<1x16xf32>,
        %parallel_loop3A_165 = vector.shape_cast %parallel_loop3A_164 : vector<1x16xf32> to vector<16xf32>
        %parallel_loop3A_166 = vector.shape_cast %parallel_loop3A_161 : vector<16xf32> to vector<1x16xf32>
        tpu.vector_store %arg17[%parallel_loop3A_162, %parallel_loop3A_163], %parallel_loop3A_166 {strides = array<i32>} : memref<80x144xf32, #tpu.memory_space<vmem>>, vector<1x16xf32>,
        %parallel_loop3A_167 = arith.index_cast %parallel_loop3A_63 : i32 to index
        %parallel_loop3A_168 = arith.constant 96 : index
        %parallel_loop3A_169 = tpu.vector_load %arg14[%parallel_loop3A_167, %parallel_loop3A_168] {strides = array<i32>} : memref<80x144xf32, #tpu.memory_space<vmem>>, vector<1x16xf32>,
        %parallel_loop3A_170 = vector.shape_cast %parallel_loop3A_169 : vector<1x16xf32> to vector<16xf32>
        %parallel_loop3A_171 = arith.constant 6 : i32
        %parallel_loop3A_172 = vector.broadcast %parallel_loop3A_171 : i32 to vector<16x1xi32>
        %parallel_loop3A_173 = vector.shape_cast %parallel_loop3A_172 : vector<16x1xi32> to vector<16xi32>
        %parallel_loop3A_174 = tpu.dynamic_gather %parallel_loop3A_77[%parallel_loop3A_173] in [0] : vector<16xf32>, vector<16xi32> -> vector<16xf32>
        %parallel_loop3A_175 = arith.mulf %parallel_loop3A_170, %parallel_loop3A_174 : vector<16xf32>
        %parallel_loop3A_176 = arith.index_cast %parallel_loop3A_63 : i32 to index
        %parallel_loop3A_177 = arith.constant 96 : index
        %parallel_loop3A_178 = tpu.vector_load %arg17[%parallel_loop3A_176, %parallel_loop3A_177] {strides = array<i32>} : memref<80x144xf32, #tpu.memory_space<vmem>>, vector<1x16xf32>,
        %parallel_loop3A_179 = vector.shape_cast %parallel_loop3A_178 : vector<1x16xf32> to vector<16xf32>
        %parallel_loop3A_180 = vector.shape_cast %parallel_loop3A_175 : vector<16xf32> to vector<1x16xf32>
        tpu.vector_store %arg17[%parallel_loop3A_176, %parallel_loop3A_177], %parallel_loop3A_180 {strides = array<i32>} : memref<80x144xf32, #tpu.memory_space<vmem>>, vector<1x16xf32>,
        %parallel_loop3A_181 = arith.index_cast %parallel_loop3A_63 : i32 to index
        %parallel_loop3A_182 = arith.constant 112 : index
        %parallel_loop3A_183 = tpu.vector_load %arg14[%parallel_loop3A_181, %parallel_loop3A_182] {strides = array<i32>} : memref<80x144xf32, #tpu.memory_space<vmem>>, vector<1x16xf32>,
        %parallel_loop3A_184 = vector.shape_cast %parallel_loop3A_183 : vector<1x16xf32> to vector<16xf32>
        %parallel_loop3A_185 = arith.constant 7 : i32
        %parallel_loop3A_186 = vector.broadcast %parallel_loop3A_185 : i32 to vector<16x1xi32>
        %parallel_loop3A_187 = vector.shape_cast %parallel_loop3A_186 : vector<16x1xi32> to vector<16xi32>
        %parallel_loop3A_188 = tpu.dynamic_gather %parallel_loop3A_77[%parallel_loop3A_187] in [0] : vector<16xf32>, vector<16xi32> -> vector<16xf32>
        %parallel_loop3A_189 = arith.mulf %parallel_loop3A_184, %parallel_loop3A_188 : vector<16xf32>
        %parallel_loop3A_190 = arith.index_cast %parallel_loop3A_63 : i32 to index
        %parallel_loop3A_191 = arith.constant 112 : index
        %parallel_loop3A_192 = tpu.vector_load %arg17[%parallel_loop3A_190, %parallel_loop3A_191] {strides = array<i32>} : memref<80x144xf32, #tpu.memory_space<vmem>>, vector<1x16xf32>,
        %parallel_loop3A_193 = vector.shape_cast %parallel_loop3A_192 : vector<1x16xf32> to vector<16xf32>
        %parallel_loop3A_194 = vector.shape_cast %parallel_loop3A_189 : vector<16xf32> to vector<1x16xf32>
        tpu.vector_store %arg17[%parallel_loop3A_190, %parallel_loop3A_191], %parallel_loop3A_194 {strides = array<i32>} : memref<80x144xf32, #tpu.memory_space<vmem>>, vector<1x16xf32>,
      } {sc.loop_unroll_factor = 2 : i64, sc.parallel_access}
      "tpu.region"() ({
        %run_scoped3A_63 = tpu.sem_alloc : memref<!tpu.dma_semaphore, #tpu.memory_space<semaphore_mem>>
        %dma_start3A_64 = arith.constant 0 : i32
        %dma_start3A_65 = arith.constant 0 : i32
        %dma_start3A_66 = tpu.memref_slice %arg8[%dma_start3A_64, %dma_start3A_65] : memref<10112x144xf32, #tpu.memory_space<vmem_shared>> -> memref<10112x144xf32, #tpu.memory_space<vmem_shared>>
        tpu.enqueue_indirect_dma source(%arg17 : memref<80x144xf32, #tpu.memory_space<vmem>>) target(%dma_start3A_66 : memref<10112x144xf32, #tpu.memory_space<vmem_shared>>) offsets(%arg12 : memref<80xi32, #tpu.memory_space<vmem>>) semaphore(%run_scoped3A_63 : memref<!tpu.dma_semaphore, #tpu.memory_space<semaphore_mem>>) {add = true}
        %dma_wait3A_67 = arith.constant 0 : i32
        %dma_wait3A_68 = arith.constant 0 : i32
        %dma_wait3A_69 = tpu.memref_slice %arg8[%dma_wait3A_67, %dma_wait3A_68] : memref<10112x144xf32, #tpu.memory_space<vmem_shared>> -> memref<10112x144xf32, #tpu.memory_space<vmem_shared>>
        tpu.wait_indirect_dma semaphore(%run_scoped3A_63 : memref<!tpu.dma_semaphore, #tpu.memory_space<semaphore_mem>>) src(%arg17 : memref<80x144xf32, #tpu.memory_space<vmem>>) dst(%dma_wait3A_69 : memref<10112x144xf32, #tpu.memory_space<vmem_shared>>)
        tpu.yield
      }) : () -> ()
      %scan3A_62 = arith.constant 0 : i32
      scf.yield %scan3A_62 : i32
    }
    %scan3A_14 = arith.constant 65 : i32
    %dma_wait3A = arith.constant 0 : i32
    %dma_wait3A_15 = arith.constant 0 : i32
    %dma_wait3A_16 = tpu.memref_slice %arg2[%dma_wait3A, %dma_wait3A_15] : memref<10112x144xf32, #tpu.memory_space<hbm>> -> memref<10112x144xf32, #tpu.memory_space<hbm>>
    tpu.wait_indirect_dma semaphore(%arg18 : memref<!tpu.dma_semaphore, #tpu.memory_space<semaphore_mem>>) src(%dma_wait3A_16 : memref<10112x144xf32, #tpu.memory_space<hbm>>) dst(%arg13 : memref<80x144xf32, #tpu.memory_space<vmem>>)
    %dma_wait3A_17 = arith.constant 0 : i32
    %dma_wait3A_18 = arith.constant 0 : i32
    %dma_wait3A_19 = tpu.memref_slice %arg3[%dma_wait3A_17, %dma_wait3A_18] : memref<10112x16xf32, #tpu.memory_space<hbm>> -> memref<10112x16xf32, #tpu.memory_space<hbm>>
    tpu.wait_indirect_dma semaphore(%arg20 : memref<!tpu.dma_semaphore, #tpu.memory_space<semaphore_mem>>) src(%dma_wait3A_19 : memref<10112x16xf32, #tpu.memory_space<hbm>>) dst(%arg15 : memref<80x16xf32, #tpu.memory_space<vmem>>)
    %barrier3A_20 = arith.constant 0 : index
    tpu.barrier barrier_id(%barrier3A_20)
    "tpu.region"() ({
      %run_scoped3A_21 = tpu.sem_alloc : memref<!tpu.dma_semaphore, #tpu.memory_space<semaphore_mem>>
      %dma_start3A_22 = arith.constant 0 : i32
      %dma_start3A_23 = tpu.memref_slice %arg7[%arg0, %mul3A_2, %dma_start3A_22] : memref<2x10112x144xf32, #tpu.memory_space<hbm>> -> memref<1x632x144xf32, #tpu.memory_space<hbm>>
      %dma_start3A_24 = tpu.memref_squeeze %dma_start3A_23 : memref<1x632x144xf32, #tpu.memory_space<hbm>> -> memref<632x144xf32, #tpu.memory_space<hbm>>
      %dma_start3A_25 = arith.constant 0 : i32
      %dma_start3A_26 = tpu.memref_slice %arg8[%mul3A_2, %dma_start3A_25] : memref<10112x144xf32, #tpu.memory_space<vmem_shared>> -> memref<632x144xf32, #tpu.memory_space<vmem_shared>>
      tpu.enqueue_dma source(%dma_start3A_26 : memref<632x144xf32, #tpu.memory_space<vmem_shared>>) target(%dma_start3A_24 : memref<632x144xf32, #tpu.memory_space<hbm>>) target_semaphore(%run_scoped3A_21 : memref<!tpu.dma_semaphore, #tpu.memory_space<semaphore_mem>>)
      %dma_wait3A_27 = arith.constant 0 : i32
      %dma_wait3A_28 = tpu.memref_slice %arg7[%arg0, %mul3A_2, %dma_wait3A_27] : memref<2x10112x144xf32, #tpu.memory_space<hbm>> -> memref<1x632x144xf32, #tpu.memory_space<hbm>>
      %dma_wait3A_29 = tpu.memref_squeeze %dma_wait3A_28 : memref<1x632x144xf32, #tpu.memory_space<hbm>> -> memref<632x144xf32, #tpu.memory_space<hbm>>
      %dma_wait3A_30 = arith.constant 0 : i32
      %dma_wait3A_31 = tpu.memref_slice %arg8[%mul3A_2, %dma_wait3A_30] : memref<10112x144xf32, #tpu.memory_space<vmem_shared>> -> memref<632x144xf32, #tpu.memory_space<vmem_shared>>
      tpu.wait_dma2 semaphore(%run_scoped3A_21 : memref<!tpu.dma_semaphore, #tpu.memory_space<semaphore_mem>>) src(%dma_wait3A_31 : memref<632x144xf32, #tpu.memory_space<vmem_shared>>) dst(%dma_wait3A_29 : memref<632x144xf32, #tpu.memory_space<hbm>>)
      tpu.yield
    }) : () -> ()
    return
  }
}

#map = affine_map<(d0, d1) -> (0, 0)>
#map1 = affine_map<(d0, d1) -> (0, 0, 0)>
module attributes {stable_mosaic.version = 14 : i64} {
  func.func @body(%arg0: i32, %arg1: i32, %arg2: memref<10112x144xf32, #tpu.memory_space<hbm>>, %arg3: memref<10112x16xf32, #tpu.memory_space<hbm>>, %arg4: memref<32x131x80xi32, #tpu.memory_space<hbm>>, %arg5: memref<32x131x80xi32, #tpu.memory_space<hbm>>, %arg6: memref<10112x144xf32, #tpu.memory_space<hbm>>, %arg7: memref<2x10112x144xf32, #tpu.memory_space<hbm>>, %arg8: memref<10112x144xf32, #tpu.memory_space<vmem_shared>>, %arg9: memref<80xi32, #tpu.memory_space<vmem>>, %arg10: memref<80xi32, #tpu.memory_space<vmem>>, %arg11: memref<80xi32, #tpu.memory_space<vmem>>, %arg12: memref<80xi32, #tpu.memory_space<vmem>>, %arg13: memref<80x144xf32, #tpu.memory_space<vmem>>, %arg14: memref<80x144xf32, #tpu.memory_space<vmem>>, %arg15: memref<80x16xf32, #tpu.memory_space<vmem>>, %arg16: memref<80x16xf32, #tpu.memory_space<vmem>>, %arg17: memref<80x144xf32, #tpu.memory_space<vmem>>, %arg18: memref<!tpu.dma_semaphore, #tpu.memory_space<semaphore_mem>>, %arg19: memref<!tpu.dma_semaphore, #tpu.memory_space<semaphore_mem>>, %arg20: memref<!tpu.dma_semaphore, #tpu.memory_space<semaphore_mem>>, %arg21: memref<!tpu.dma_semaphore, #tpu.memory_space<semaphore_mem>>) attributes {dimension_semantics = [#tpu.dimension_semantics<core_parallel>, #tpu.dimension_semantics<subcore_parallel>], iteration_bounds = array<i64: 2, 16>, scalar_prefetch = 0 : i64, scratch_operands = 14 : i64, tpu.core_type = #tpu.core_type<sc_vector_subcore>, window_params = [{transform_indices = #map}, {transform_indices = #map}, {transform_indices = #map1}, {transform_indices = #map1}, {transform_indices = #map}, {transform_indices = #map1}]} {
    %mul3A = arith.constant 16 : i32
    %mul3A_0 = arith.muli %arg0, %mul3A : i32
    %add3A = arith.addi %mul3A_0, %arg1 : i32
    %mul3A_1 = arith.constant 632 : i32
    %mul3A_2 = arith.muli %arg1, %mul3A_1 : i32
    "tpu.region"() ({
      %run_scoped3A_21 = tpu.sem_alloc : memref<!tpu.dma_semaphore, #tpu.memory_space<semaphore_mem>>
      %dma_start3A_22 = arith.constant 0 : i32
      %dma_start3A_23 = tpu.memref_slice %arg8[%mul3A_2, %dma_start3A_22] : memref<10112x144xf32, #tpu.memory_space<vmem_shared>> -> memref<632x144xf32, #tpu.memory_space<vmem_shared>>
      %dma_start3A_24 = arith.constant 0 : i32
      %dma_start3A_25 = tpu.memref_slice %arg6[%mul3A_2, %dma_start3A_24] : memref<10112x144xf32, #tpu.memory_space<hbm>> -> memref<632x144xf32, #tpu.memory_space<hbm>>
      tpu.enqueue_dma source(%dma_start3A_25 : memref<632x144xf32, #tpu.memory_space<hbm>>) target(%dma_start3A_23 : memref<632x144xf32, #tpu.memory_space<vmem_shared>>) target_semaphore(%run_scoped3A_21 : memref<!tpu.dma_semaphore, #tpu.memory_space<semaphore_mem>>)
      %dma_wait3A_26 = arith.constant 0 : i32
      %dma_wait3A_27 = tpu.memref_slice %arg8[%mul3A_2, %dma_wait3A_26] : memref<10112x144xf32, #tpu.memory_space<vmem_shared>> -> memref<632x144xf32, #tpu.memory_space<vmem_shared>>
      %dma_wait3A_28 = arith.constant 0 : i32
      %dma_wait3A_29 = tpu.memref_slice %arg6[%mul3A_2, %dma_wait3A_28] : memref<10112x144xf32, #tpu.memory_space<hbm>> -> memref<632x144xf32, #tpu.memory_space<hbm>>
      tpu.wait_dma2 semaphore(%run_scoped3A_21 : memref<!tpu.dma_semaphore, #tpu.memory_space<semaphore_mem>>) src(%dma_wait3A_29 : memref<632x144xf32, #tpu.memory_space<hbm>>) dst(%dma_wait3A_27 : memref<632x144xf32, #tpu.memory_space<vmem_shared>>)
      tpu.yield
    }) : () -> ()
    %barrier3A = arith.constant 0 : index
    tpu.barrier barrier_id(%barrier3A)
    %run_scoped3A = arith.constant 0 : i32
    "tpu.region"() ({
      %run_scoped3A_21 = tpu.sem_alloc : memref<!tpu.dma_semaphore, #tpu.memory_space<semaphore_mem>>
      %dma_start3A_22 = arith.constant 0 : i32
      %dma_start3A_23 = tpu.memref_slice %arg4[%add3A, %run_scoped3A, %dma_start3A_22] : memref<32x131x80xi32, #tpu.memory_space<hbm>> -> memref<1x1x80xi32, #tpu.memory_space<hbm>>
      %dma_start3A_24 = tpu.memref_squeeze %dma_start3A_23 : memref<1x1x80xi32, #tpu.memory_space<hbm>> -> memref<80xi32, #tpu.memory_space<hbm>>
      %dma_start3A_25 = arith.constant 0 : i32
      %dma_start3A_26 = tpu.memref_slice %arg4[%add3A, %run_scoped3A, %dma_start3A_25] : memref<32x131x80xi32, #tpu.memory_space<hbm>> -> memref<1x1x80xi32, #tpu.memory_space<hbm>>
      %dma_start3A_27 = tpu.memref_squeeze %dma_start3A_26 : memref<1x1x80xi32, #tpu.memory_space<hbm>> -> memref<80xi32, #tpu.memory_space<hbm>>
      tpu.enqueue_dma source(%dma_start3A_27 : memref<80xi32, #tpu.memory_space<hbm>>) target(%arg9 : memref<80xi32, #tpu.memory_space<vmem>>) target_semaphore(%run_scoped3A_21 : memref<!tpu.dma_semaphore, #tpu.memory_space<semaphore_mem>>)
      %dma_wait3A_28 = arith.constant 0 : i32
      %dma_wait3A_29 = tpu.memref_slice %arg4[%add3A, %run_scoped3A, %dma_wait3A_28] : memref<32x131x80xi32, #tpu.memory_space<hbm>> -> memref<1x1x80xi32, #tpu.memory_space<hbm>>
      %dma_wait3A_30 = tpu.memref_squeeze %dma_wait3A_29 : memref<1x1x80xi32, #tpu.memory_space<hbm>> -> memref<80xi32, #tpu.memory_space<hbm>>
      %dma_wait3A_31 = arith.constant 0 : i32
      %dma_wait3A_32 = tpu.memref_slice %arg4[%add3A, %run_scoped3A, %dma_wait3A_31] : memref<32x131x80xi32, #tpu.memory_space<hbm>> -> memref<1x1x80xi32, #tpu.memory_space<hbm>>
      %dma_wait3A_33 = tpu.memref_squeeze %dma_wait3A_32 : memref<1x1x80xi32, #tpu.memory_space<hbm>> -> memref<80xi32, #tpu.memory_space<hbm>>
      tpu.wait_dma2 semaphore(%run_scoped3A_21 : memref<!tpu.dma_semaphore, #tpu.memory_space<semaphore_mem>>) src(%dma_wait3A_33 : memref<80xi32, #tpu.memory_space<hbm>>) dst(%arg9 : memref<80xi32, #tpu.memory_space<vmem>>)
      tpu.yield
    }) : () -> ()
    %run_scoped3A_3 = arith.constant 0 : i32
    "tpu.region"() ({
      %run_scoped3A_21 = tpu.sem_alloc : memref<!tpu.dma_semaphore, #tpu.memory_space<semaphore_mem>>
      %dma_start3A_22 = arith.constant 0 : i32
      %dma_start3A_23 = tpu.memref_slice %arg5[%add3A, %run_scoped3A_3, %dma_start3A_22] : memref<32x131x80xi32, #tpu.memory_space<hbm>> -> memref<1x1x80xi32, #tpu.memory_space<hbm>>
      %dma_start3A_24 = tpu.memref_squeeze %dma_start3A_23 : memref<1x1x80xi32, #tpu.memory_space<hbm>> -> memref<80xi32, #tpu.memory_space<hbm>>
      %dma_start3A_25 = arith.constant 0 : i32
      %dma_start3A_26 = tpu.memref_slice %arg5[%add3A, %run_scoped3A_3, %dma_start3A_25] : memref<32x131x80xi32, #tpu.memory_space<hbm>> -> memref<1x1x80xi32, #tpu.memory_space<hbm>>
      %dma_start3A_27 = tpu.memref_squeeze %dma_start3A_26 : memref<1x1x80xi32, #tpu.memory_space<hbm>> -> memref<80xi32, #tpu.memory_space<hbm>>
      tpu.enqueue_dma source(%dma_start3A_27 : memref<80xi32, #tpu.memory_space<hbm>>) target(%arg11 : memref<80xi32, #tpu.memory_space<vmem>>) target_semaphore(%run_scoped3A_21 : memref<!tpu.dma_semaphore, #tpu.memory_space<semaphore_mem>>)
      %dma_wait3A_28 = arith.constant 0 : i32
      %dma_wait3A_29 = tpu.memref_slice %arg5[%add3A, %run_scoped3A_3, %dma_wait3A_28] : memref<32x131x80xi32, #tpu.memory_space<hbm>> -> memref<1x1x80xi32, #tpu.memory_space<hbm>>
      %dma_wait3A_30 = tpu.memref_squeeze %dma_wait3A_29 : memref<1x1x80xi32, #tpu.memory_space<hbm>> -> memref<80xi32, #tpu.memory_space<hbm>>
      %dma_wait3A_31 = arith.constant 0 : i32
      %dma_wait3A_32 = tpu.memref_slice %arg5[%add3A, %run_scoped3A_3, %dma_wait3A_31] : memref<32x131x80xi32, #tpu.memory_space<hbm>> -> memref<1x1x80xi32, #tpu.memory_space<hbm>>
      %dma_wait3A_33 = tpu.memref_squeeze %dma_wait3A_32 : memref<1x1x80xi32, #tpu.memory_space<hbm>> -> memref<80xi32, #tpu.memory_space<hbm>>
      tpu.wait_dma2 semaphore(%run_scoped3A_21 : memref<!tpu.dma_semaphore, #tpu.memory_space<semaphore_mem>>) src(%dma_wait3A_33 : memref<80xi32, #tpu.memory_space<hbm>>) dst(%arg11 : memref<80xi32, #tpu.memory_space<vmem>>)
      tpu.yield
    }) : () -> ()
    %dma_start3A = arith.constant 0 : i32
    %dma_start3A_4 = arith.constant 0 : i32
    %dma_start3A_5 = tpu.memref_slice %arg2[%dma_start3A, %dma_start3A_4] : memref<10112x144xf32, #tpu.memory_space<hbm>> -> memref<10112x144xf32, #tpu.memory_space<hbm>>
    tpu.enqueue_indirect_dma source(%dma_start3A_5 : memref<10112x144xf32, #tpu.memory_space<hbm>>) target(%arg13 : memref<80x144xf32, #tpu.memory_space<vmem>>) offsets(%arg9 : memref<80xi32, #tpu.memory_space<vmem>>) semaphore(%arg18 : memref<!tpu.dma_semaphore, #tpu.memory_space<semaphore_mem>>)
    %dma_start3A_6 = arith.constant 0 : i32
    %dma_start3A_7 = arith.constant 0 : i32
    %dma_start3A_8 = tpu.memref_slice %arg3[%dma_start3A_6, %dma_start3A_7] : memref<10112x16xf32, #tpu.memory_space<hbm>> -> memref<10112x16xf32, #tpu.memory_space<hbm>>
    tpu.enqueue_indirect_dma source(%dma_start3A_8 : memref<10112x16xf32, #tpu.memory_space<hbm>>) target(%arg15 : memref<80x16xf32, #tpu.memory_space<vmem>>) offsets(%arg11 : memref<80xi32, #tpu.memory_space<vmem>>) semaphore(%arg20 : memref<!tpu.dma_semaphore, #tpu.memory_space<semaphore_mem>>)
    %scan3A = arith.constant 0 : i32
    %scan3A_9 = arith.constant 0 : i32
    %scan3A_10 = arith.constant 65 : i32
    %scan3A_11 = arith.addi %scan3A_9, %scan3A_10 : i32
    %scan3A_12 = arith.constant 1 : i32
    %scan3A_13 = scf.for %scan3A_21 = %scan3A_9 to %scan3A_11 step %scan3A_12 iter_args(%scan3A_22 = %scan3A) -> (i32)  : i32 {
      %mul3A_23 = arith.constant 2 : i32
      %mul3A_24 = arith.muli %mul3A_23, %scan3A_21 : i32
      %add3A_25 = arith.constant 1 : i32
      %add3A_26 = arith.addi %mul3A_24, %add3A_25 : i32
      "tpu.region"() ({
        %run_scoped3A_63 = tpu.sem_alloc : memref<!tpu.dma_semaphore, #tpu.memory_space<semaphore_mem>>
        %dma_start3A_64 = arith.constant 0 : i32
        %dma_start3A_65 = tpu.memref_slice %arg4[%add3A, %add3A_26, %dma_start3A_64] : memref<32x131x80xi32, #tpu.memory_space<hbm>> -> memref<1x1x80xi32, #tpu.memory_space<hbm>>
        %dma_start3A_66 = tpu.memref_squeeze %dma_start3A_65 : memref<1x1x80xi32, #tpu.memory_space<hbm>> -> memref<80xi32, #tpu.memory_space<hbm>>
        %dma_start3A_67 = arith.constant 0 : i32
        %dma_start3A_68 = tpu.memref_slice %arg4[%add3A, %add3A_26, %dma_start3A_67] : memref<32x131x80xi32, #tpu.memory_space<hbm>> -> memref<1x1x80xi32, #tpu.memory_space<hbm>>
        %dma_start3A_69 = tpu.memref_squeeze %dma_start3A_68 : memref<1x1x80xi32, #tpu.memory_space<hbm>> -> memref<80xi32, #tpu.memory_space<hbm>>
        tpu.enqueue_dma source(%dma_start3A_69 : memref<80xi32, #tpu.memory_space<hbm>>) target(%arg10 : memref<80xi32, #tpu.memory_space<vmem>>) target_semaphore(%run_scoped3A_63 : memref<!tpu.dma_semaphore, #tpu.memory_space<semaphore_mem>>)
        %dma_wait3A_70 = arith.constant 0 : i32
        %dma_wait3A_71 = tpu.memref_slice %arg4[%add3A, %add3A_26, %dma_wait3A_70] : memref<32x131x80xi32, #tpu.memory_space<hbm>> -> memref<1x1x80xi32, #tpu.memory_space<hbm>>
        %dma_wait3A_72 = tpu.memref_squeeze %dma_wait3A_71 : memref<1x1x80xi32, #tpu.memory_space<hbm>> -> memref<80xi32, #tpu.memory_space<hbm>>
        %dma_wait3A_73 = arith.constant 0 : i32
        %dma_wait3A_74 = tpu.memref_slice %arg4[%add3A, %add3A_26, %dma_wait3A_73] : memref<32x131x80xi32, #tpu.memory_space<hbm>> -> memref<1x1x80xi32, #tpu.memory_space<hbm>>
        %dma_wait3A_75 = tpu.memref_squeeze %dma_wait3A_74 : memref<1x1x80xi32, #tpu.memory_space<hbm>> -> memref<80xi32, #tpu.memory_space<hbm>>
        tpu.wait_dma2 semaphore(%run_scoped3A_63 : memref<!tpu.dma_semaphore, #tpu.memory_space<semaphore_mem>>) src(%dma_wait3A_75 : memref<80xi32, #tpu.memory_space<hbm>>) dst(%arg10 : memref<80xi32, #tpu.memory_space<vmem>>)
        tpu.yield
      }) : () -> ()
      "tpu.region"() ({
        %run_scoped3A_63 = tpu.sem_alloc : memref<!tpu.dma_semaphore, #tpu.memory_space<semaphore_mem>>
        %dma_start3A_64 = arith.constant 0 : i32
        %dma_start3A_65 = tpu.memref_slice %arg5[%add3A, %add3A_26, %dma_start3A_64] : memref<32x131x80xi32, #tpu.memory_space<hbm>> -> memref<1x1x80xi32, #tpu.memory_space<hbm>>
        %dma_start3A_66 = tpu.memref_squeeze %dma_start3A_65 : memref<1x1x80xi32, #tpu.memory_space<hbm>> -> memref<80xi32, #tpu.memory_space<hbm>>
        %dma_start3A_67 = arith.constant 0 : i32
        %dma_start3A_68 = tpu.memref_slice %arg5[%add3A, %add3A_26, %dma_start3A_67] : memref<32x131x80xi32, #tpu.memory_space<hbm>> -> memref<1x1x80xi32, #tpu.memory_space<hbm>>
        %dma_start3A_69 = tpu.memref_squeeze %dma_start3A_68 : memref<1x1x80xi32, #tpu.memory_space<hbm>> -> memref<80xi32, #tpu.memory_space<hbm>>
        tpu.enqueue_dma source(%dma_start3A_69 : memref<80xi32, #tpu.memory_space<hbm>>) target(%arg12 : memref<80xi32, #tpu.memory_space<vmem>>) target_semaphore(%run_scoped3A_63 : memref<!tpu.dma_semaphore, #tpu.memory_space<semaphore_mem>>)
        %dma_wait3A_70 = arith.constant 0 : i32
        %dma_wait3A_71 = tpu.memref_slice %arg5[%add3A, %add3A_26, %dma_wait3A_70] : memref<32x131x80xi32, #tpu.memory_space<hbm>> -> memref<1x1x80xi32, #tpu.memory_space<hbm>>
        %dma_wait3A_72 = tpu.memref_squeeze %dma_wait3A_71 : memref<1x1x80xi32, #tpu.memory_space<hbm>> -> memref<80xi32, #tpu.memory_space<hbm>>
        %dma_wait3A_73 = arith.constant 0 : i32
        %dma_wait3A_74 = tpu.memref_slice %arg5[%add3A, %add3A_26, %dma_wait3A_73] : memref<32x131x80xi32, #tpu.memory_space<hbm>> -> memref<1x1x80xi32, #tpu.memory_space<hbm>>
        %dma_wait3A_75 = tpu.memref_squeeze %dma_wait3A_74 : memref<1x1x80xi32, #tpu.memory_space<hbm>> -> memref<80xi32, #tpu.memory_space<hbm>>
        tpu.wait_dma2 semaphore(%run_scoped3A_63 : memref<!tpu.dma_semaphore, #tpu.memory_space<semaphore_mem>>) src(%dma_wait3A_75 : memref<80xi32, #tpu.memory_space<hbm>>) dst(%arg12 : memref<80xi32, #tpu.memory_space<vmem>>)
        tpu.yield
      }) : () -> ()
      %dma_start3A_27 = arith.constant 0 : i32
      %dma_start3A_28 = arith.constant 0 : i32
      %dma_start3A_29 = tpu.memref_slice %arg2[%dma_start3A_27, %dma_start3A_28] : memref<10112x144xf32, #tpu.memory_space<hbm>> -> memref<10112x144xf32, #tpu.memory_space<hbm>>
      tpu.enqueue_indirect_dma source(%dma_start3A_29 : memref<10112x144xf32, #tpu.memory_space<hbm>>) target(%arg14 : memref<80x144xf32, #tpu.memory_space<vmem>>) offsets(%arg10 : memref<80xi32, #tpu.memory_space<vmem>>) semaphore(%arg19 : memref<!tpu.dma_semaphore, #tpu.memory_space<semaphore_mem>>)
      %dma_start3A_30 = arith.constant 0 : i32
      %dma_start3A_31 = arith.constant 0 : i32
      %dma_start3A_32 = tpu.memref_slice %arg3[%dma_start3A_30, %dma_start3A_31] : memref<10112x16xf32, #tpu.memory_space<hbm>> -> memref<10112x16xf32, #tpu.memory_space<hbm>>
      tpu.enqueue_indirect_dma source(%dma_start3A_32 : memref<10112x16xf32, #tpu.memory_space<hbm>>) target(%arg16 : memref<80x16xf32, #tpu.memory_space<vmem>>) offsets(%arg12 : memref<80xi32, #tpu.memory_space<vmem>>) semaphore(%arg21 : memref<!tpu.dma_semaphore, #tpu.memory_space<semaphore_mem>>)
      %dma_wait3A_33 = arith.constant 0 : i32
      %dma_wait3A_34 = arith.constant 0 : i32
      %dma_wait3A_35 = tpu.memref_slice %arg2[%dma_wait3A_33, %dma_wait3A_34] : memref<10112x144xf32, #tpu.memory_space<hbm>> -> memref<10112x144xf32, #tpu.memory_space<hbm>>
      tpu.wait_indirect_dma semaphore(%arg18 : memref<!tpu.dma_semaphore, #tpu.memory_space<semaphore_mem>>) src(%dma_wait3A_35 : memref<10112x144xf32, #tpu.memory_space<hbm>>) dst(%arg13 : memref<80x144xf32, #tpu.memory_space<vmem>>)
      %dma_wait3A_36 = arith.constant 0 : i32
      %dma_wait3A_37 = arith.constant 0 : i32
      %dma_wait3A_38 = tpu.memref_slice %arg3[%dma_wait3A_36, %dma_wait3A_37] : memref<10112x16xf32, #tpu.memory_space<hbm>> -> memref<10112x16xf32, #tpu.memory_space<hbm>>
      tpu.wait_indirect_dma semaphore(%arg20 : memref<!tpu.dma_semaphore, #tpu.memory_space<semaphore_mem>>) src(%dma_wait3A_38 : memref<10112x16xf32, #tpu.memory_space<hbm>>) dst(%arg15 : memref<80x16xf32, #tpu.memory_space<vmem>>)
      %parallel_loop3A = arith.constant 0 : i32
      %parallel_loop3A_39 = arith.constant 80 : i32
      %parallel_loop3A_40 = arith.constant 1 : i32
      scf.for %parallel_loop3A_63 = %parallel_loop3A to %parallel_loop3A_39 step %parallel_loop3A_40  : i32 {
        %parallel_loop3A_64 = arith.index_cast %parallel_loop3A_63 : i32 to index
        %parallel_loop3A_65 = arith.constant 0 : index
        %parallel_loop3A_66 = tpu.vector_load %arg15[%parallel_loop3A_64, %parallel_loop3A_65] {strides = array<i32>} : memref<80x16xf32, #tpu.memory_space<vmem>>, vector<1x16xf32>,
        %parallel_loop3A_67 = vector.shape_cast %parallel_loop3A_66 : vector<1x16xf32> to vector<16xf32>
        %parallel_loop3A_68 = arith.index_cast %parallel_loop3A_63 : i32 to index
        %parallel_loop3A_69 = arith.constant 128 : index
        %parallel_loop3A_70 = tpu.vector_load %arg13[%parallel_loop3A_68, %parallel_loop3A_69] {strides = array<i32>} : memref<80x144xf32, #tpu.memory_space<vmem>>, vector<1x16xf32>,
        %parallel_loop3A_71 = vector.shape_cast %parallel_loop3A_70 : vector<1x16xf32> to vector<16xf32>
        %parallel_loop3A_72 = arith.addf %parallel_loop3A_67, %parallel_loop3A_71 : vector<16xf32>
        %parallel_loop3A_73 = arith.constant 2.000000e-01 : f32
        %parallel_loop3A_74 = vector.broadcast %parallel_loop3A_73 : f32 to vector<16xf32>
        %parallel_loop3A_75 = arith.mulf %parallel_loop3A_74, %parallel_loop3A_72 : vector<16xf32>
        %parallel_loop3A_76 = arith.maximumf %parallel_loop3A_72, %parallel_loop3A_75 : vector<16xf32>
        %parallel_loop3A_77 = math.exp %parallel_loop3A_76 : vector<16xf32>
        %parallel_loop3A_78 = arith.index_cast %parallel_loop3A_63 : i32 to index
        %parallel_loop3A_79 = arith.constant 128 : index
        %parallel_loop3A_80 = tpu.vector_load %arg17[%parallel_loop3A_78, %parallel_loop3A_79] {strides = array<i32>} : memref<80x144xf32, #tpu.memory_space<vmem>>, vector<1x16xf32>,
        %parallel_loop3A_81 = vector.shape_cast %parallel_loop3A_80 : vector<1x16xf32> to vector<16xf32>
        %parallel_loop3A_82 = vector.shape_cast %parallel_loop3A_77 : vector<16xf32> to vector<1x16xf32>
        tpu.vector_store %arg17[%parallel_loop3A_78, %parallel_loop3A_79], %parallel_loop3A_82 {strides = array<i32>} : memref<80x144xf32, #tpu.memory_space<vmem>>, vector<1x16xf32>,
        %parallel_loop3A_83 = arith.index_cast %parallel_loop3A_63 : i32 to index
        %parallel_loop3A_84 = arith.constant 0 : index
        %parallel_loop3A_85 = tpu.vector_load %arg13[%parallel_loop3A_83, %parallel_loop3A_84] {strides = array<i32>} : memref<80x144xf32, #tpu.memory_space<vmem>>, vector<1x16xf32>,
        %parallel_loop3A_86 = vector.shape_cast %parallel_loop3A_85 : vector<1x16xf32> to vector<16xf32>
        %parallel_loop3A_87 = arith.constant 0 : i32
        %parallel_loop3A_88 = vector.broadcast %parallel_loop3A_87 : i32 to vector<16x1xi32>
        %parallel_loop3A_89 = vector.shape_cast %parallel_loop3A_88 : vector<16x1xi32> to vector<16xi32>
        %parallel_loop3A_90 = tpu.dynamic_gather %parallel_loop3A_77[%parallel_loop3A_89] in [0] : vector<16xf32>, vector<16xi32> -> vector<16xf32>
        %parallel_loop3A_91 = arith.mulf %parallel_loop3A_86, %parallel_loop3A_90 : vector<16xf32>
        %parallel_loop3A_92 = arith.index_cast %parallel_loop3A_63 : i32 to index
        %parallel_loop3A_93 = arith.constant 0 : index
        %parallel_loop3A_94 = tpu.vector_load %arg17[%parallel_loop3A_92, %parallel_loop3A_93] {strides = array<i32>} : memref<80x144xf32, #tpu.memory_space<vmem>>, vector<1x16xf32>,
        %parallel_loop3A_95 = vector.shape_cast %parallel_loop3A_94 : vector<1x16xf32> to vector<16xf32>
        %parallel_loop3A_96 = vector.shape_cast %parallel_loop3A_91 : vector<16xf32> to vector<1x16xf32>
        tpu.vector_store %arg17[%parallel_loop3A_92, %parallel_loop3A_93], %parallel_loop3A_96 {strides = array<i32>} : memref<80x144xf32, #tpu.memory_space<vmem>>, vector<1x16xf32>,
        %parallel_loop3A_97 = arith.index_cast %parallel_loop3A_63 : i32 to index
        %parallel_loop3A_98 = arith.constant 16 : index
        %parallel_loop3A_99 = tpu.vector_load %arg13[%parallel_loop3A_97, %parallel_loop3A_98] {strides = array<i32>} : memref<80x144xf32, #tpu.memory_space<vmem>>, vector<1x16xf32>,
        %parallel_loop3A_100 = vector.shape_cast %parallel_loop3A_99 : vector<1x16xf32> to vector<16xf32>
        %parallel_loop3A_101 = arith.constant 0 : i32
        %parallel_loop3A_102 = vector.broadcast %parallel_loop3A_101 : i32 to vector<16x1xi32>
        %parallel_loop3A_103 = vector.shape_cast %parallel_loop3A_102 : vector<16x1xi32> to vector<16xi32>
        %parallel_loop3A_104 = tpu.dynamic_gather %parallel_loop3A_77[%parallel_loop3A_103] in [0] : vector<16xf32>, vector<16xi32> -> vector<16xf32>
        %parallel_loop3A_105 = arith.mulf %parallel_loop3A_100, %parallel_loop3A_104 : vector<16xf32>
        %parallel_loop3A_106 = arith.index_cast %parallel_loop3A_63 : i32 to index
        %parallel_loop3A_107 = arith.constant 16 : index
        %parallel_loop3A_108 = tpu.vector_load %arg17[%parallel_loop3A_106, %parallel_loop3A_107] {strides = array<i32>} : memref<80x144xf32, #tpu.memory_space<vmem>>, vector<1x16xf32>,
        %parallel_loop3A_109 = vector.shape_cast %parallel_loop3A_108 : vector<1x16xf32> to vector<16xf32>
        %parallel_loop3A_110 = vector.shape_cast %parallel_loop3A_105 : vector<16xf32> to vector<1x16xf32>
        tpu.vector_store %arg17[%parallel_loop3A_106, %parallel_loop3A_107], %parallel_loop3A_110 {strides = array<i32>} : memref<80x144xf32, #tpu.memory_space<vmem>>, vector<1x16xf32>,
        %parallel_loop3A_111 = arith.index_cast %parallel_loop3A_63 : i32 to index
        %parallel_loop3A_112 = arith.constant 32 : index
        %parallel_loop3A_113 = tpu.vector_load %arg13[%parallel_loop3A_111, %parallel_loop3A_112] {strides = array<i32>} : memref<80x144xf32, #tpu.memory_space<vmem>>, vector<1x16xf32>,
        %parallel_loop3A_114 = vector.shape_cast %parallel_loop3A_113 : vector<1x16xf32> to vector<16xf32>
        %parallel_loop3A_115 = arith.constant 0 : i32
        %parallel_loop3A_116 = vector.broadcast %parallel_loop3A_115 : i32 to vector<16x1xi32>
        %parallel_loop3A_117 = vector.shape_cast %parallel_loop3A_116 : vector<16x1xi32> to vector<16xi32>
        %parallel_loop3A_118 = tpu.dynamic_gather %parallel_loop3A_77[%parallel_loop3A_117] in [0] : vector<16xf32>, vector<16xi32> -> vector<16xf32>
        %parallel_loop3A_119 = arith.mulf %parallel_loop3A_114, %parallel_loop3A_118 : vector<16xf32>
        %parallel_loop3A_120 = arith.index_cast %parallel_loop3A_63 : i32 to index
        %parallel_loop3A_121 = arith.constant 32 : index
        %parallel_loop3A_122 = tpu.vector_load %arg17[%parallel_loop3A_120, %parallel_loop3A_121] {strides = array<i32>} : memref<80x144xf32, #tpu.memory_space<vmem>>, vector<1x16xf32>,
        %parallel_loop3A_123 = vector.shape_cast %parallel_loop3A_122 : vector<1x16xf32> to vector<16xf32>
        %parallel_loop3A_124 = vector.shape_cast %parallel_loop3A_119 : vector<16xf32> to vector<1x16xf32>
        tpu.vector_store %arg17[%parallel_loop3A_120, %parallel_loop3A_121], %parallel_loop3A_124 {strides = array<i32>} : memref<80x144xf32, #tpu.memory_space<vmem>>, vector<1x16xf32>,
        %parallel_loop3A_125 = arith.index_cast %parallel_loop3A_63 : i32 to index
        %parallel_loop3A_126 = arith.constant 48 : index
        %parallel_loop3A_127 = tpu.vector_load %arg13[%parallel_loop3A_125, %parallel_loop3A_126] {strides = array<i32>} : memref<80x144xf32, #tpu.memory_space<vmem>>, vector<1x16xf32>,
        %parallel_loop3A_128 = vector.shape_cast %parallel_loop3A_127 : vector<1x16xf32> to vector<16xf32>
        %parallel_loop3A_129 = arith.constant 0 : i32
        %parallel_loop3A_130 = vector.broadcast %parallel_loop3A_129 : i32 to vector<16x1xi32>
        %parallel_loop3A_131 = vector.shape_cast %parallel_loop3A_130 : vector<16x1xi32> to vector<16xi32>
        %parallel_loop3A_132 = tpu.dynamic_gather %parallel_loop3A_77[%parallel_loop3A_131] in [0] : vector<16xf32>, vector<16xi32> -> vector<16xf32>
        %parallel_loop3A_133 = arith.mulf %parallel_loop3A_128, %parallel_loop3A_132 : vector<16xf32>
        %parallel_loop3A_134 = arith.index_cast %parallel_loop3A_63 : i32 to index
        %parallel_loop3A_135 = arith.constant 48 : index
        %parallel_loop3A_136 = tpu.vector_load %arg17[%parallel_loop3A_134, %parallel_loop3A_135] {strides = array<i32>} : memref<80x144xf32, #tpu.memory_space<vmem>>, vector<1x16xf32>,
        %parallel_loop3A_137 = vector.shape_cast %parallel_loop3A_136 : vector<1x16xf32> to vector<16xf32>
        %parallel_loop3A_138 = vector.shape_cast %parallel_loop3A_133 : vector<16xf32> to vector<1x16xf32>
        tpu.vector_store %arg17[%parallel_loop3A_134, %parallel_loop3A_135], %parallel_loop3A_138 {strides = array<i32>} : memref<80x144xf32, #tpu.memory_space<vmem>>, vector<1x16xf32>,
        %parallel_loop3A_139 = arith.index_cast %parallel_loop3A_63 : i32 to index
        %parallel_loop3A_140 = arith.constant 64 : index
        %parallel_loop3A_141 = tpu.vector_load %arg13[%parallel_loop3A_139, %parallel_loop3A_140] {strides = array<i32>} : memref<80x144xf32, #tpu.memory_space<vmem>>, vector<1x16xf32>,
        %parallel_loop3A_142 = vector.shape_cast %parallel_loop3A_141 : vector<1x16xf32> to vector<16xf32>
        %parallel_loop3A_143 = arith.constant 0 : i32
        %parallel_loop3A_144 = vector.broadcast %parallel_loop3A_143 : i32 to vector<16x1xi32>
        %parallel_loop3A_145 = vector.shape_cast %parallel_loop3A_144 : vector<16x1xi32> to vector<16xi32>
        %parallel_loop3A_146 = tpu.dynamic_gather %parallel_loop3A_77[%parallel_loop3A_145] in [0] : vector<16xf32>, vector<16xi32> -> vector<16xf32>
        %parallel_loop3A_147 = arith.mulf %parallel_loop3A_142, %parallel_loop3A_146 : vector<16xf32>
        %parallel_loop3A_148 = arith.index_cast %parallel_loop3A_63 : i32 to index
        %parallel_loop3A_149 = arith.constant 64 : index
        %parallel_loop3A_150 = tpu.vector_load %arg17[%parallel_loop3A_148, %parallel_loop3A_149] {strides = array<i32>} : memref<80x144xf32, #tpu.memory_space<vmem>>, vector<1x16xf32>,
        %parallel_loop3A_151 = vector.shape_cast %parallel_loop3A_150 : vector<1x16xf32> to vector<16xf32>
        %parallel_loop3A_152 = vector.shape_cast %parallel_loop3A_147 : vector<16xf32> to vector<1x16xf32>
        tpu.vector_store %arg17[%parallel_loop3A_148, %parallel_loop3A_149], %parallel_loop3A_152 {strides = array<i32>} : memref<80x144xf32, #tpu.memory_space<vmem>>, vector<1x16xf32>,
        %parallel_loop3A_153 = arith.index_cast %parallel_loop3A_63 : i32 to index
        %parallel_loop3A_154 = arith.constant 80 : index
        %parallel_loop3A_155 = tpu.vector_load %arg13[%parallel_loop3A_153, %parallel_loop3A_154] {strides = array<i32>} : memref<80x144xf32, #tpu.memory_space<vmem>>, vector<1x16xf32>,
        %parallel_loop3A_156 = vector.shape_cast %parallel_loop3A_155 : vector<1x16xf32> to vector<16xf32>
        %parallel_loop3A_157 = arith.constant 0 : i32
        %parallel_loop3A_158 = vector.broadcast %parallel_loop3A_157 : i32 to vector<16x1xi32>
        %parallel_loop3A_159 = vector.shape_cast %parallel_loop3A_158 : vector<16x1xi32> to vector<16xi32>
        %parallel_loop3A_160 = tpu.dynamic_gather %parallel_loop3A_77[%parallel_loop3A_159] in [0] : vector<16xf32>, vector<16xi32> -> vector<16xf32>
        %parallel_loop3A_161 = arith.mulf %parallel_loop3A_156, %parallel_loop3A_160 : vector<16xf32>
        %parallel_loop3A_162 = arith.index_cast %parallel_loop3A_63 : i32 to index
        %parallel_loop3A_163 = arith.constant 80 : index
        %parallel_loop3A_164 = tpu.vector_load %arg17[%parallel_loop3A_162, %parallel_loop3A_163] {strides = array<i32>} : memref<80x144xf32, #tpu.memory_space<vmem>>, vector<1x16xf32>,
        %parallel_loop3A_165 = vector.shape_cast %parallel_loop3A_164 : vector<1x16xf32> to vector<16xf32>
        %parallel_loop3A_166 = vector.shape_cast %parallel_loop3A_161 : vector<16xf32> to vector<1x16xf32>
        tpu.vector_store %arg17[%parallel_loop3A_162, %parallel_loop3A_163], %parallel_loop3A_166 {strides = array<i32>} : memref<80x144xf32, #tpu.memory_space<vmem>>, vector<1x16xf32>,
        %parallel_loop3A_167 = arith.index_cast %parallel_loop3A_63 : i32 to index
        %parallel_loop3A_168 = arith.constant 96 : index
        %parallel_loop3A_169 = tpu.vector_load %arg13[%parallel_loop3A_167, %parallel_loop3A_168] {strides = array<i32>} : memref<80x144xf32, #tpu.memory_space<vmem>>, vector<1x16xf32>,
        %parallel_loop3A_170 = vector.shape_cast %parallel_loop3A_169 : vector<1x16xf32> to vector<16xf32>
        %parallel_loop3A_171 = arith.constant 0 : i32
        %parallel_loop3A_172 = vector.broadcast %parallel_loop3A_171 : i32 to vector<16x1xi32>
        %parallel_loop3A_173 = vector.shape_cast %parallel_loop3A_172 : vector<16x1xi32> to vector<16xi32>
        %parallel_loop3A_174 = tpu.dynamic_gather %parallel_loop3A_77[%parallel_loop3A_173] in [0] : vector<16xf32>, vector<16xi32> -> vector<16xf32>
        %parallel_loop3A_175 = arith.mulf %parallel_loop3A_170, %parallel_loop3A_174 : vector<16xf32>
        %parallel_loop3A_176 = arith.index_cast %parallel_loop3A_63 : i32 to index
        %parallel_loop3A_177 = arith.constant 96 : index
        %parallel_loop3A_178 = tpu.vector_load %arg17[%parallel_loop3A_176, %parallel_loop3A_177] {strides = array<i32>} : memref<80x144xf32, #tpu.memory_space<vmem>>, vector<1x16xf32>,
        %parallel_loop3A_179 = vector.shape_cast %parallel_loop3A_178 : vector<1x16xf32> to vector<16xf32>
        %parallel_loop3A_180 = vector.shape_cast %parallel_loop3A_175 : vector<16xf32> to vector<1x16xf32>
        tpu.vector_store %arg17[%parallel_loop3A_176, %parallel_loop3A_177], %parallel_loop3A_180 {strides = array<i32>} : memref<80x144xf32, #tpu.memory_space<vmem>>, vector<1x16xf32>,
        %parallel_loop3A_181 = arith.index_cast %parallel_loop3A_63 : i32 to index
        %parallel_loop3A_182 = arith.constant 112 : index
        %parallel_loop3A_183 = tpu.vector_load %arg13[%parallel_loop3A_181, %parallel_loop3A_182] {strides = array<i32>} : memref<80x144xf32, #tpu.memory_space<vmem>>, vector<1x16xf32>,
        %parallel_loop3A_184 = vector.shape_cast %parallel_loop3A_183 : vector<1x16xf32> to vector<16xf32>
        %parallel_loop3A_185 = arith.constant 0 : i32
        %parallel_loop3A_186 = vector.broadcast %parallel_loop3A_185 : i32 to vector<16x1xi32>
        %parallel_loop3A_187 = vector.shape_cast %parallel_loop3A_186 : vector<16x1xi32> to vector<16xi32>
        %parallel_loop3A_188 = tpu.dynamic_gather %parallel_loop3A_77[%parallel_loop3A_187] in [0] : vector<16xf32>, vector<16xi32> -> vector<16xf32>
        %parallel_loop3A_189 = arith.mulf %parallel_loop3A_184, %parallel_loop3A_188 : vector<16xf32>
        %parallel_loop3A_190 = arith.index_cast %parallel_loop3A_63 : i32 to index
        %parallel_loop3A_191 = arith.constant 112 : index
        %parallel_loop3A_192 = tpu.vector_load %arg17[%parallel_loop3A_190, %parallel_loop3A_191] {strides = array<i32>} : memref<80x144xf32, #tpu.memory_space<vmem>>, vector<1x16xf32>,
        %parallel_loop3A_193 = vector.shape_cast %parallel_loop3A_192 : vector<1x16xf32> to vector<16xf32>
        %parallel_loop3A_194 = vector.shape_cast %parallel_loop3A_189 : vector<16xf32> to vector<1x16xf32>
        tpu.vector_store %arg17[%parallel_loop3A_190, %parallel_loop3A_191], %parallel_loop3A_194 {strides = array<i32>} : memref<80x144xf32, #tpu.memory_space<vmem>>, vector<1x16xf32>,
      } {sc.loop_unroll_factor = 2 : i64, sc.parallel_access}
      "tpu.region"() ({
        %run_scoped3A_63 = tpu.sem_alloc : memref<!tpu.dma_semaphore, #tpu.memory_space<semaphore_mem>>
        %dma_start3A_64 = arith.constant 0 : i32
        %dma_start3A_65 = arith.constant 0 : i32
        %dma_start3A_66 = tpu.memref_slice %arg8[%dma_start3A_64, %dma_start3A_65] : memref<10112x144xf32, #tpu.memory_space<vmem_shared>> -> memref<10112x144xf32, #tpu.memory_space<vmem_shared>>
        tpu.enqueue_indirect_dma source(%arg17 : memref<80x144xf32, #tpu.memory_space<vmem>>) target(%dma_start3A_66 : memref<10112x144xf32, #tpu.memory_space<vmem_shared>>) offsets(%arg11 : memref<80xi32, #tpu.memory_space<vmem>>) semaphore(%run_scoped3A_63 : memref<!tpu.dma_semaphore, #tpu.memory_space<semaphore_mem>>) {add = true}
        %dma_wait3A_67 = arith.constant 0 : i32
        %dma_wait3A_68 = arith.constant 0 : i32
        %dma_wait3A_69 = tpu.memref_slice %arg8[%dma_wait3A_67, %dma_wait3A_68] : memref<10112x144xf32, #tpu.memory_space<vmem_shared>> -> memref<10112x144xf32, #tpu.memory_space<vmem_shared>>
        tpu.wait_indirect_dma semaphore(%run_scoped3A_63 : memref<!tpu.dma_semaphore, #tpu.memory_space<semaphore_mem>>) src(%arg17 : memref<80x144xf32, #tpu.memory_space<vmem>>) dst(%dma_wait3A_69 : memref<10112x144xf32, #tpu.memory_space<vmem_shared>>)
        tpu.yield
      }) : () -> ()
      %mul3A_41 = arith.constant 2 : i32
      %mul3A_42 = arith.muli %mul3A_41, %scan3A_21 : i32
      %add3A_43 = arith.constant 1 : i32
      %add3A_44 = arith.addi %mul3A_42, %add3A_43 : i32
      %add3A_45 = arith.constant 1 : i32
      %add3A_46 = arith.addi %add3A_44, %add3A_45 : i32
      "tpu.region"() ({
        %run_scoped3A_63 = tpu.sem_alloc : memref<!tpu.dma_semaphore, #tpu.memory_space<semaphore_mem>>
        %dma_start3A_64 = arith.constant 0 : i32
        %dma_start3A_65 = tpu.memref_slice %arg4[%add3A, %add3A_46, %dma_start3A_64] : memref<32x131x80xi32, #tpu.memory_space<hbm>> -> memref<1x1x80xi32, #tpu.memory_space<hbm>>
        %dma_start3A_66 = tpu.memref_squeeze %dma_start3A_65 : memref<1x1x80xi32, #tpu.memory_space<hbm>> -> memref<80xi32, #tpu.memory_space<hbm>>
        %dma_start3A_67 = arith.constant 0 : i32
        %dma_start3A_68 = tpu.memref_slice %arg4[%add3A, %add3A_46, %dma_start3A_67] : memref<32x131x80xi32, #tpu.memory_space<hbm>> -> memref<1x1x80xi32, #tpu.memory_space<hbm>>
        %dma_start3A_69 = tpu.memref_squeeze %dma_start3A_68 : memref<1x1x80xi32, #tpu.memory_space<hbm>> -> memref<80xi32, #tpu.memory_space<hbm>>
        tpu.enqueue_dma source(%dma_start3A_69 : memref<80xi32, #tpu.memory_space<hbm>>) target(%arg9 : memref<80xi32, #tpu.memory_space<vmem>>) target_semaphore(%run_scoped3A_63 : memref<!tpu.dma_semaphore, #tpu.memory_space<semaphore_mem>>)
        %dma_wait3A_70 = arith.constant 0 : i32
        %dma_wait3A_71 = tpu.memref_slice %arg4[%add3A, %add3A_46, %dma_wait3A_70] : memref<32x131x80xi32, #tpu.memory_space<hbm>> -> memref<1x1x80xi32, #tpu.memory_space<hbm>>
        %dma_wait3A_72 = tpu.memref_squeeze %dma_wait3A_71 : memref<1x1x80xi32, #tpu.memory_space<hbm>> -> memref<80xi32, #tpu.memory_space<hbm>>
        %dma_wait3A_73 = arith.constant 0 : i32
        %dma_wait3A_74 = tpu.memref_slice %arg4[%add3A, %add3A_46, %dma_wait3A_73] : memref<32x131x80xi32, #tpu.memory_space<hbm>> -> memref<1x1x80xi32, #tpu.memory_space<hbm>>
        %dma_wait3A_75 = tpu.memref_squeeze %dma_wait3A_74 : memref<1x1x80xi32, #tpu.memory_space<hbm>> -> memref<80xi32, #tpu.memory_space<hbm>>
        tpu.wait_dma2 semaphore(%run_scoped3A_63 : memref<!tpu.dma_semaphore, #tpu.memory_space<semaphore_mem>>) src(%dma_wait3A_75 : memref<80xi32, #tpu.memory_space<hbm>>) dst(%arg9 : memref<80xi32, #tpu.memory_space<vmem>>)
        tpu.yield
      }) : () -> ()
      "tpu.region"() ({
        %run_scoped3A_63 = tpu.sem_alloc : memref<!tpu.dma_semaphore, #tpu.memory_space<semaphore_mem>>
        %dma_start3A_64 = arith.constant 0 : i32
        %dma_start3A_65 = tpu.memref_slice %arg5[%add3A, %add3A_46, %dma_start3A_64] : memref<32x131x80xi32, #tpu.memory_space<hbm>> -> memref<1x1x80xi32, #tpu.memory_space<hbm>>
        %dma_start3A_66 = tpu.memref_squeeze %dma_start3A_65 : memref<1x1x80xi32, #tpu.memory_space<hbm>> -> memref<80xi32, #tpu.memory_space<hbm>>
        %dma_start3A_67 = arith.constant 0 : i32
        %dma_start3A_68 = tpu.memref_slice %arg5[%add3A, %add3A_46, %dma_start3A_67] : memref<32x131x80xi32, #tpu.memory_space<hbm>> -> memref<1x1x80xi32, #tpu.memory_space<hbm>>
        %dma_start3A_69 = tpu.memref_squeeze %dma_start3A_68 : memref<1x1x80xi32, #tpu.memory_space<hbm>> -> memref<80xi32, #tpu.memory_space<hbm>>
        tpu.enqueue_dma source(%dma_start3A_69 : memref<80xi32, #tpu.memory_space<hbm>>) target(%arg11 : memref<80xi32, #tpu.memory_space<vmem>>) target_semaphore(%run_scoped3A_63 : memref<!tpu.dma_semaphore, #tpu.memory_space<semaphore_mem>>)
        %dma_wait3A_70 = arith.constant 0 : i32
        %dma_wait3A_71 = tpu.memref_slice %arg5[%add3A, %add3A_46, %dma_wait3A_70] : memref<32x131x80xi32, #tpu.memory_space<hbm>> -> memref<1x1x80xi32, #tpu.memory_space<hbm>>
        %dma_wait3A_72 = tpu.memref_squeeze %dma_wait3A_71 : memref<1x1x80xi32, #tpu.memory_space<hbm>> -> memref<80xi32, #tpu.memory_space<hbm>>
        %dma_wait3A_73 = arith.constant 0 : i32
        %dma_wait3A_74 = tpu.memref_slice %arg5[%add3A, %add3A_46, %dma_wait3A_73] : memref<32x131x80xi32, #tpu.memory_space<hbm>> -> memref<1x1x80xi32, #tpu.memory_space<hbm>>
        %dma_wait3A_75 = tpu.memref_squeeze %dma_wait3A_74 : memref<1x1x80xi32, #tpu.memory_space<hbm>> -> memref<80xi32, #tpu.memory_space<hbm>>
        tpu.wait_dma2 semaphore(%run_scoped3A_63 : memref<!tpu.dma_semaphore, #tpu.memory_space<semaphore_mem>>) src(%dma_wait3A_75 : memref<80xi32, #tpu.memory_space<hbm>>) dst(%arg11 : memref<80xi32, #tpu.memory_space<vmem>>)
        tpu.yield
      }) : () -> ()
      %dma_start3A_47 = arith.constant 0 : i32
      %dma_start3A_48 = arith.constant 0 : i32
      %dma_start3A_49 = tpu.memref_slice %arg2[%dma_start3A_47, %dma_start3A_48] : memref<10112x144xf32, #tpu.memory_space<hbm>> -> memref<10112x144xf32, #tpu.memory_space<hbm>>
      tpu.enqueue_indirect_dma source(%dma_start3A_49 : memref<10112x144xf32, #tpu.memory_space<hbm>>) target(%arg13 : memref<80x144xf32, #tpu.memory_space<vmem>>) offsets(%arg9 : memref<80xi32, #tpu.memory_space<vmem>>) semaphore(%arg18 : memref<!tpu.dma_semaphore, #tpu.memory_space<semaphore_mem>>)
      %dma_start3A_50 = arith.constant 0 : i32
      %dma_start3A_51 = arith.constant 0 : i32
      %dma_start3A_52 = tpu.memref_slice %arg3[%dma_start3A_50, %dma_start3A_51] : memref<10112x16xf32, #tpu.memory_space<hbm>> -> memref<10112x16xf32, #tpu.memory_space<hbm>>
      tpu.enqueue_indirect_dma source(%dma_start3A_52 : memref<10112x16xf32, #tpu.memory_space<hbm>>) target(%arg15 : memref<80x16xf32, #tpu.memory_space<vmem>>) offsets(%arg11 : memref<80xi32, #tpu.memory_space<vmem>>) semaphore(%arg20 : memref<!tpu.dma_semaphore, #tpu.memory_space<semaphore_mem>>)
      %dma_wait3A_53 = arith.constant 0 : i32
      %dma_wait3A_54 = arith.constant 0 : i32
      %dma_wait3A_55 = tpu.memref_slice %arg2[%dma_wait3A_53, %dma_wait3A_54] : memref<10112x144xf32, #tpu.memory_space<hbm>> -> memref<10112x144xf32, #tpu.memory_space<hbm>>
      tpu.wait_indirect_dma semaphore(%arg19 : memref<!tpu.dma_semaphore, #tpu.memory_space<semaphore_mem>>) src(%dma_wait3A_55 : memref<10112x144xf32, #tpu.memory_space<hbm>>) dst(%arg14 : memref<80x144xf32, #tpu.memory_space<vmem>>)
      %dma_wait3A_56 = arith.constant 0 : i32
      %dma_wait3A_57 = arith.constant 0 : i32
      %dma_wait3A_58 = tpu.memref_slice %arg3[%dma_wait3A_56, %dma_wait3A_57] : memref<10112x16xf32, #tpu.memory_space<hbm>> -> memref<10112x16xf32, #tpu.memory_space<hbm>>
      tpu.wait_indirect_dma semaphore(%arg21 : memref<!tpu.dma_semaphore, #tpu.memory_space<semaphore_mem>>) src(%dma_wait3A_58 : memref<10112x16xf32, #tpu.memory_space<hbm>>) dst(%arg16 : memref<80x16xf32, #tpu.memory_space<vmem>>)
      %parallel_loop3A_59 = arith.constant 0 : i32
      %parallel_loop3A_60 = arith.constant 80 : i32
      %parallel_loop3A_61 = arith.constant 1 : i32
      scf.for %parallel_loop3A_63 = %parallel_loop3A_59 to %parallel_loop3A_60 step %parallel_loop3A_61  : i32 {
        %parallel_loop3A_64 = arith.index_cast %parallel_loop3A_63 : i32 to index
        %parallel_loop3A_65 = arith.constant 0 : index
        %parallel_loop3A_66 = tpu.vector_load %arg16[%parallel_loop3A_64, %parallel_loop3A_65] {strides = array<i32>} : memref<80x16xf32, #tpu.memory_space<vmem>>, vector<1x16xf32>,
        %parallel_loop3A_67 = vector.shape_cast %parallel_loop3A_66 : vector<1x16xf32> to vector<16xf32>
        %parallel_loop3A_68 = arith.index_cast %parallel_loop3A_63 : i32 to index
        %parallel_loop3A_69 = arith.constant 128 : index
        %parallel_loop3A_70 = tpu.vector_load %arg14[%parallel_loop3A_68, %parallel_loop3A_69] {strides = array<i32>} : memref<80x144xf32, #tpu.memory_space<vmem>>, vector<1x16xf32>,
        %parallel_loop3A_71 = vector.shape_cast %parallel_loop3A_70 : vector<1x16xf32> to vector<16xf32>
        %parallel_loop3A_72 = arith.addf %parallel_loop3A_67, %parallel_loop3A_71 : vector<16xf32>
        %parallel_loop3A_73 = arith.constant 2.000000e-01 : f32
        %parallel_loop3A_74 = vector.broadcast %parallel_loop3A_73 : f32 to vector<16xf32>
        %parallel_loop3A_75 = arith.mulf %parallel_loop3A_74, %parallel_loop3A_72 : vector<16xf32>
        %parallel_loop3A_76 = arith.maximumf %parallel_loop3A_72, %parallel_loop3A_75 : vector<16xf32>
        %parallel_loop3A_77 = math.exp %parallel_loop3A_76 : vector<16xf32>
        %parallel_loop3A_78 = arith.index_cast %parallel_loop3A_63 : i32 to index
        %parallel_loop3A_79 = arith.constant 128 : index
        %parallel_loop3A_80 = tpu.vector_load %arg17[%parallel_loop3A_78, %parallel_loop3A_79] {strides = array<i32>} : memref<80x144xf32, #tpu.memory_space<vmem>>, vector<1x16xf32>,
        %parallel_loop3A_81 = vector.shape_cast %parallel_loop3A_80 : vector<1x16xf32> to vector<16xf32>
        %parallel_loop3A_82 = vector.shape_cast %parallel_loop3A_77 : vector<16xf32> to vector<1x16xf32>
        tpu.vector_store %arg17[%parallel_loop3A_78, %parallel_loop3A_79], %parallel_loop3A_82 {strides = array<i32>} : memref<80x144xf32, #tpu.memory_space<vmem>>, vector<1x16xf32>,
        %parallel_loop3A_83 = arith.index_cast %parallel_loop3A_63 : i32 to index
        %parallel_loop3A_84 = arith.constant 0 : index
        %parallel_loop3A_85 = tpu.vector_load %arg14[%parallel_loop3A_83, %parallel_loop3A_84] {strides = array<i32>} : memref<80x144xf32, #tpu.memory_space<vmem>>, vector<1x16xf32>,
        %parallel_loop3A_86 = vector.shape_cast %parallel_loop3A_85 : vector<1x16xf32> to vector<16xf32>
        %parallel_loop3A_87 = arith.constant 0 : i32
        %parallel_loop3A_88 = vector.broadcast %parallel_loop3A_87 : i32 to vector<16x1xi32>
        %parallel_loop3A_89 = vector.shape_cast %parallel_loop3A_88 : vector<16x1xi32> to vector<16xi32>
        %parallel_loop3A_90 = tpu.dynamic_gather %parallel_loop3A_77[%parallel_loop3A_89] in [0] : vector<16xf32>, vector<16xi32> -> vector<16xf32>
        %parallel_loop3A_91 = arith.mulf %parallel_loop3A_86, %parallel_loop3A_90 : vector<16xf32>
        %parallel_loop3A_92 = arith.index_cast %parallel_loop3A_63 : i32 to index
        %parallel_loop3A_93 = arith.constant 0 : index
        %parallel_loop3A_94 = tpu.vector_load %arg17[%parallel_loop3A_92, %parallel_loop3A_93] {strides = array<i32>} : memref<80x144xf32, #tpu.memory_space<vmem>>, vector<1x16xf32>,
        %parallel_loop3A_95 = vector.shape_cast %parallel_loop3A_94 : vector<1x16xf32> to vector<16xf32>
        %parallel_loop3A_96 = vector.shape_cast %parallel_loop3A_91 : vector<16xf32> to vector<1x16xf32>
        tpu.vector_store %arg17[%parallel_loop3A_92, %parallel_loop3A_93], %parallel_loop3A_96 {strides = array<i32>} : memref<80x144xf32, #tpu.memory_space<vmem>>, vector<1x16xf32>,
        %parallel_loop3A_97 = arith.index_cast %parallel_loop3A_63 : i32 to index
        %parallel_loop3A_98 = arith.constant 16 : index
        %parallel_loop3A_99 = tpu.vector_load %arg14[%parallel_loop3A_97, %parallel_loop3A_98] {strides = array<i32>} : memref<80x144xf32, #tpu.memory_space<vmem>>, vector<1x16xf32>,
        %parallel_loop3A_100 = vector.shape_cast %parallel_loop3A_99 : vector<1x16xf32> to vector<16xf32>
        %parallel_loop3A_101 = arith.constant 0 : i32
        %parallel_loop3A_102 = vector.broadcast %parallel_loop3A_101 : i32 to vector<16x1xi32>
        %parallel_loop3A_103 = vector.shape_cast %parallel_loop3A_102 : vector<16x1xi32> to vector<16xi32>
        %parallel_loop3A_104 = tpu.dynamic_gather %parallel_loop3A_77[%parallel_loop3A_103] in [0] : vector<16xf32>, vector<16xi32> -> vector<16xf32>
        %parallel_loop3A_105 = arith.mulf %parallel_loop3A_100, %parallel_loop3A_104 : vector<16xf32>
        %parallel_loop3A_106 = arith.index_cast %parallel_loop3A_63 : i32 to index
        %parallel_loop3A_107 = arith.constant 16 : index
        %parallel_loop3A_108 = tpu.vector_load %arg17[%parallel_loop3A_106, %parallel_loop3A_107] {strides = array<i32>} : memref<80x144xf32, #tpu.memory_space<vmem>>, vector<1x16xf32>,
        %parallel_loop3A_109 = vector.shape_cast %parallel_loop3A_108 : vector<1x16xf32> to vector<16xf32>
        %parallel_loop3A_110 = vector.shape_cast %parallel_loop3A_105 : vector<16xf32> to vector<1x16xf32>
        tpu.vector_store %arg17[%parallel_loop3A_106, %parallel_loop3A_107], %parallel_loop3A_110 {strides = array<i32>} : memref<80x144xf32, #tpu.memory_space<vmem>>, vector<1x16xf32>,
        %parallel_loop3A_111 = arith.index_cast %parallel_loop3A_63 : i32 to index
        %parallel_loop3A_112 = arith.constant 32 : index
        %parallel_loop3A_113 = tpu.vector_load %arg14[%parallel_loop3A_111, %parallel_loop3A_112] {strides = array<i32>} : memref<80x144xf32, #tpu.memory_space<vmem>>, vector<1x16xf32>,
        %parallel_loop3A_114 = vector.shape_cast %parallel_loop3A_113 : vector<1x16xf32> to vector<16xf32>
        %parallel_loop3A_115 = arith.constant 0 : i32
        %parallel_loop3A_116 = vector.broadcast %parallel_loop3A_115 : i32 to vector<16x1xi32>
        %parallel_loop3A_117 = vector.shape_cast %parallel_loop3A_116 : vector<16x1xi32> to vector<16xi32>
        %parallel_loop3A_118 = tpu.dynamic_gather %parallel_loop3A_77[%parallel_loop3A_117] in [0] : vector<16xf32>, vector<16xi32> -> vector<16xf32>
        %parallel_loop3A_119 = arith.mulf %parallel_loop3A_114, %parallel_loop3A_118 : vector<16xf32>
        %parallel_loop3A_120 = arith.index_cast %parallel_loop3A_63 : i32 to index
        %parallel_loop3A_121 = arith.constant 32 : index
        %parallel_loop3A_122 = tpu.vector_load %arg17[%parallel_loop3A_120, %parallel_loop3A_121] {strides = array<i32>} : memref<80x144xf32, #tpu.memory_space<vmem>>, vector<1x16xf32>,
        %parallel_loop3A_123 = vector.shape_cast %parallel_loop3A_122 : vector<1x16xf32> to vector<16xf32>
        %parallel_loop3A_124 = vector.shape_cast %parallel_loop3A_119 : vector<16xf32> to vector<1x16xf32>
        tpu.vector_store %arg17[%parallel_loop3A_120, %parallel_loop3A_121], %parallel_loop3A_124 {strides = array<i32>} : memref<80x144xf32, #tpu.memory_space<vmem>>, vector<1x16xf32>,
        %parallel_loop3A_125 = arith.index_cast %parallel_loop3A_63 : i32 to index
        %parallel_loop3A_126 = arith.constant 48 : index
        %parallel_loop3A_127 = tpu.vector_load %arg14[%parallel_loop3A_125, %parallel_loop3A_126] {strides = array<i32>} : memref<80x144xf32, #tpu.memory_space<vmem>>, vector<1x16xf32>,
        %parallel_loop3A_128 = vector.shape_cast %parallel_loop3A_127 : vector<1x16xf32> to vector<16xf32>
        %parallel_loop3A_129 = arith.constant 0 : i32
        %parallel_loop3A_130 = vector.broadcast %parallel_loop3A_129 : i32 to vector<16x1xi32>
        %parallel_loop3A_131 = vector.shape_cast %parallel_loop3A_130 : vector<16x1xi32> to vector<16xi32>
        %parallel_loop3A_132 = tpu.dynamic_gather %parallel_loop3A_77[%parallel_loop3A_131] in [0] : vector<16xf32>, vector<16xi32> -> vector<16xf32>
        %parallel_loop3A_133 = arith.mulf %parallel_loop3A_128, %parallel_loop3A_132 : vector<16xf32>
        %parallel_loop3A_134 = arith.index_cast %parallel_loop3A_63 : i32 to index
        %parallel_loop3A_135 = arith.constant 48 : index
        %parallel_loop3A_136 = tpu.vector_load %arg17[%parallel_loop3A_134, %parallel_loop3A_135] {strides = array<i32>} : memref<80x144xf32, #tpu.memory_space<vmem>>, vector<1x16xf32>,
        %parallel_loop3A_137 = vector.shape_cast %parallel_loop3A_136 : vector<1x16xf32> to vector<16xf32>
        %parallel_loop3A_138 = vector.shape_cast %parallel_loop3A_133 : vector<16xf32> to vector<1x16xf32>
        tpu.vector_store %arg17[%parallel_loop3A_134, %parallel_loop3A_135], %parallel_loop3A_138 {strides = array<i32>} : memref<80x144xf32, #tpu.memory_space<vmem>>, vector<1x16xf32>,
        %parallel_loop3A_139 = arith.index_cast %parallel_loop3A_63 : i32 to index
        %parallel_loop3A_140 = arith.constant 64 : index
        %parallel_loop3A_141 = tpu.vector_load %arg14[%parallel_loop3A_139, %parallel_loop3A_140] {strides = array<i32>} : memref<80x144xf32, #tpu.memory_space<vmem>>, vector<1x16xf32>,
        %parallel_loop3A_142 = vector.shape_cast %parallel_loop3A_141 : vector<1x16xf32> to vector<16xf32>
        %parallel_loop3A_143 = arith.constant 0 : i32
        %parallel_loop3A_144 = vector.broadcast %parallel_loop3A_143 : i32 to vector<16x1xi32>
        %parallel_loop3A_145 = vector.shape_cast %parallel_loop3A_144 : vector<16x1xi32> to vector<16xi32>
        %parallel_loop3A_146 = tpu.dynamic_gather %parallel_loop3A_77[%parallel_loop3A_145] in [0] : vector<16xf32>, vector<16xi32> -> vector<16xf32>
        %parallel_loop3A_147 = arith.mulf %parallel_loop3A_142, %parallel_loop3A_146 : vector<16xf32>
        %parallel_loop3A_148 = arith.index_cast %parallel_loop3A_63 : i32 to index
        %parallel_loop3A_149 = arith.constant 64 : index
        %parallel_loop3A_150 = tpu.vector_load %arg17[%parallel_loop3A_148, %parallel_loop3A_149] {strides = array<i32>} : memref<80x144xf32, #tpu.memory_space<vmem>>, vector<1x16xf32>,
        %parallel_loop3A_151 = vector.shape_cast %parallel_loop3A_150 : vector<1x16xf32> to vector<16xf32>
        %parallel_loop3A_152 = vector.shape_cast %parallel_loop3A_147 : vector<16xf32> to vector<1x16xf32>
        tpu.vector_store %arg17[%parallel_loop3A_148, %parallel_loop3A_149], %parallel_loop3A_152 {strides = array<i32>} : memref<80x144xf32, #tpu.memory_space<vmem>>, vector<1x16xf32>,
        %parallel_loop3A_153 = arith.index_cast %parallel_loop3A_63 : i32 to index
        %parallel_loop3A_154 = arith.constant 80 : index
        %parallel_loop3A_155 = tpu.vector_load %arg14[%parallel_loop3A_153, %parallel_loop3A_154] {strides = array<i32>} : memref<80x144xf32, #tpu.memory_space<vmem>>, vector<1x16xf32>,
        %parallel_loop3A_156 = vector.shape_cast %parallel_loop3A_155 : vector<1x16xf32> to vector<16xf32>
        %parallel_loop3A_157 = arith.constant 0 : i32
        %parallel_loop3A_158 = vector.broadcast %parallel_loop3A_157 : i32 to vector<16x1xi32>
        %parallel_loop3A_159 = vector.shape_cast %parallel_loop3A_158 : vector<16x1xi32> to vector<16xi32>
        %parallel_loop3A_160 = tpu.dynamic_gather %parallel_loop3A_77[%parallel_loop3A_159] in [0] : vector<16xf32>, vector<16xi32> -> vector<16xf32>
        %parallel_loop3A_161 = arith.mulf %parallel_loop3A_156, %parallel_loop3A_160 : vector<16xf32>
        %parallel_loop3A_162 = arith.index_cast %parallel_loop3A_63 : i32 to index
        %parallel_loop3A_163 = arith.constant 80 : index
        %parallel_loop3A_164 = tpu.vector_load %arg17[%parallel_loop3A_162, %parallel_loop3A_163] {strides = array<i32>} : memref<80x144xf32, #tpu.memory_space<vmem>>, vector<1x16xf32>,
        %parallel_loop3A_165 = vector.shape_cast %parallel_loop3A_164 : vector<1x16xf32> to vector<16xf32>
        %parallel_loop3A_166 = vector.shape_cast %parallel_loop3A_161 : vector<16xf32> to vector<1x16xf32>
        tpu.vector_store %arg17[%parallel_loop3A_162, %parallel_loop3A_163], %parallel_loop3A_166 {strides = array<i32>} : memref<80x144xf32, #tpu.memory_space<vmem>>, vector<1x16xf32>,
        %parallel_loop3A_167 = arith.index_cast %parallel_loop3A_63 : i32 to index
        %parallel_loop3A_168 = arith.constant 96 : index
        %parallel_loop3A_169 = tpu.vector_load %arg14[%parallel_loop3A_167, %parallel_loop3A_168] {strides = array<i32>} : memref<80x144xf32, #tpu.memory_space<vmem>>, vector<1x16xf32>,
        %parallel_loop3A_170 = vector.shape_cast %parallel_loop3A_169 : vector<1x16xf32> to vector<16xf32>
        %parallel_loop3A_171 = arith.constant 0 : i32
        %parallel_loop3A_172 = vector.broadcast %parallel_loop3A_171 : i32 to vector<16x1xi32>
        %parallel_loop3A_173 = vector.shape_cast %parallel_loop3A_172 : vector<16x1xi32> to vector<16xi32>
        %parallel_loop3A_174 = tpu.dynamic_gather %parallel_loop3A_77[%parallel_loop3A_173] in [0] : vector<16xf32>, vector<16xi32> -> vector<16xf32>
        %parallel_loop3A_175 = arith.mulf %parallel_loop3A_170, %parallel_loop3A_174 : vector<16xf32>
        %parallel_loop3A_176 = arith.index_cast %parallel_loop3A_63 : i32 to index
        %parallel_loop3A_177 = arith.constant 96 : index
        %parallel_loop3A_178 = tpu.vector_load %arg17[%parallel_loop3A_176, %parallel_loop3A_177] {strides = array<i32>} : memref<80x144xf32, #tpu.memory_space<vmem>>, vector<1x16xf32>,
        %parallel_loop3A_179 = vector.shape_cast %parallel_loop3A_178 : vector<1x16xf32> to vector<16xf32>
        %parallel_loop3A_180 = vector.shape_cast %parallel_loop3A_175 : vector<16xf32> to vector<1x16xf32>
        tpu.vector_store %arg17[%parallel_loop3A_176, %parallel_loop3A_177], %parallel_loop3A_180 {strides = array<i32>} : memref<80x144xf32, #tpu.memory_space<vmem>>, vector<1x16xf32>,
        %parallel_loop3A_181 = arith.index_cast %parallel_loop3A_63 : i32 to index
        %parallel_loop3A_182 = arith.constant 112 : index
        %parallel_loop3A_183 = tpu.vector_load %arg14[%parallel_loop3A_181, %parallel_loop3A_182] {strides = array<i32>} : memref<80x144xf32, #tpu.memory_space<vmem>>, vector<1x16xf32>,
        %parallel_loop3A_184 = vector.shape_cast %parallel_loop3A_183 : vector<1x16xf32> to vector<16xf32>
        %parallel_loop3A_185 = arith.constant 0 : i32
        %parallel_loop3A_186 = vector.broadcast %parallel_loop3A_185 : i32 to vector<16x1xi32>
        %parallel_loop3A_187 = vector.shape_cast %parallel_loop3A_186 : vector<16x1xi32> to vector<16xi32>
        %parallel_loop3A_188 = tpu.dynamic_gather %parallel_loop3A_77[%parallel_loop3A_187] in [0] : vector<16xf32>, vector<16xi32> -> vector<16xf32>
        %parallel_loop3A_189 = arith.mulf %parallel_loop3A_184, %parallel_loop3A_188 : vector<16xf32>
        %parallel_loop3A_190 = arith.index_cast %parallel_loop3A_63 : i32 to index
        %parallel_loop3A_191 = arith.constant 112 : index
        %parallel_loop3A_192 = tpu.vector_load %arg17[%parallel_loop3A_190, %parallel_loop3A_191] {strides = array<i32>} : memref<80x144xf32, #tpu.memory_space<vmem>>, vector<1x16xf32>,
        %parallel_loop3A_193 = vector.shape_cast %parallel_loop3A_192 : vector<1x16xf32> to vector<16xf32>
        %parallel_loop3A_194 = vector.shape_cast %parallel_loop3A_189 : vector<16xf32> to vector<1x16xf32>
        tpu.vector_store %arg17[%parallel_loop3A_190, %parallel_loop3A_191], %parallel_loop3A_194 {strides = array<i32>} : memref<80x144xf32, #tpu.memory_space<vmem>>, vector<1x16xf32>,
      } {sc.loop_unroll_factor = 2 : i64, sc.parallel_access}
      "tpu.region"() ({
        %run_scoped3A_63 = tpu.sem_alloc : memref<!tpu.dma_semaphore, #tpu.memory_space<semaphore_mem>>
        %dma_start3A_64 = arith.constant 0 : i32
        %dma_start3A_65 = arith.constant 0 : i32
        %dma_start3A_66 = tpu.memref_slice %arg8[%dma_start3A_64, %dma_start3A_65] : memref<10112x144xf32, #tpu.memory_space<vmem_shared>> -> memref<10112x144xf32, #tpu.memory_space<vmem_shared>>
        tpu.enqueue_indirect_dma source(%arg17 : memref<80x144xf32, #tpu.memory_space<vmem>>) target(%dma_start3A_66 : memref<10112x144xf32, #tpu.memory_space<vmem_shared>>) offsets(%arg12 : memref<80xi32, #tpu.memory_space<vmem>>) semaphore(%run_scoped3A_63 : memref<!tpu.dma_semaphore, #tpu.memory_space<semaphore_mem>>) {add = true}
        %dma_wait3A_67 = arith.constant 0 : i32
        %dma_wait3A_68 = arith.constant 0 : i32
        %dma_wait3A_69 = tpu.memref_slice %arg8[%dma_wait3A_67, %dma_wait3A_68] : memref<10112x144xf32, #tpu.memory_space<vmem_shared>> -> memref<10112x144xf32, #tpu.memory_space<vmem_shared>>
        tpu.wait_indirect_dma semaphore(%run_scoped3A_63 : memref<!tpu.dma_semaphore, #tpu.memory_space<semaphore_mem>>) src(%arg17 : memref<80x144xf32, #tpu.memory_space<vmem>>) dst(%dma_wait3A_69 : memref<10112x144xf32, #tpu.memory_space<vmem_shared>>)
        tpu.yield
      }) : () -> ()
      %scan3A_62 = arith.constant 0 : i32
      scf.yield %scan3A_62 : i32
    }
    %scan3A_14 = arith.constant 65 : i32
    %dma_wait3A = arith.constant 0 : i32
    %dma_wait3A_15 = arith.constant 0 : i32
    %dma_wait3A_16 = tpu.memref_slice %arg2[%dma_wait3A, %dma_wait3A_15] : memref<10112x144xf32, #tpu.memory_space<hbm>> -> memref<10112x144xf32, #tpu.memory_space<hbm>>
    tpu.wait_indirect_dma semaphore(%arg18 : memref<!tpu.dma_semaphore, #tpu.memory_space<semaphore_mem>>) src(%dma_wait3A_16 : memref<10112x144xf32, #tpu.memory_space<hbm>>) dst(%arg13 : memref<80x144xf32, #tpu.memory_space<vmem>>)
    %dma_wait3A_17 = arith.constant 0 : i32
    %dma_wait3A_18 = arith.constant 0 : i32
    %dma_wait3A_19 = tpu.memref_slice %arg3[%dma_wait3A_17, %dma_wait3A_18] : memref<10112x16xf32, #tpu.memory_space<hbm>> -> memref<10112x16xf32, #tpu.memory_space<hbm>>
    tpu.wait_indirect_dma semaphore(%arg20 : memref<!tpu.dma_semaphore, #tpu.memory_space<semaphore_mem>>) src(%dma_wait3A_19 : memref<10112x16xf32, #tpu.memory_space<hbm>>) dst(%arg15 : memref<80x16xf32, #tpu.memory_space<vmem>>)
    %barrier3A_20 = arith.constant 0 : index
    tpu.barrier barrier_id(%barrier3A_20)
    "tpu.region"() ({
      %run_scoped3A_21 = tpu.sem_alloc : memref<!tpu.dma_semaphore, #tpu.memory_space<semaphore_mem>>
      %dma_start3A_22 = arith.constant 0 : i32
      %dma_start3A_23 = tpu.memref_slice %arg7[%arg0, %mul3A_2, %dma_start3A_22] : memref<2x10112x144xf32, #tpu.memory_space<hbm>> -> memref<1x632x144xf32, #tpu.memory_space<hbm>>
      %dma_start3A_24 = tpu.memref_squeeze %dma_start3A_23 : memref<1x632x144xf32, #tpu.memory_space<hbm>> -> memref<632x144xf32, #tpu.memory_space<hbm>>
      %dma_start3A_25 = arith.constant 0 : i32
      %dma_start3A_26 = tpu.memref_slice %arg8[%mul3A_2, %dma_start3A_25] : memref<10112x144xf32, #tpu.memory_space<vmem_shared>> -> memref<632x144xf32, #tpu.memory_space<vmem_shared>>
      tpu.enqueue_dma source(%dma_start3A_26 : memref<632x144xf32, #tpu.memory_space<vmem_shared>>) target(%dma_start3A_24 : memref<632x144xf32, #tpu.memory_space<hbm>>) target_semaphore(%run_scoped3A_21 : memref<!tpu.dma_semaphore, #tpu.memory_space<semaphore_mem>>)
      %dma_wait3A_27 = arith.constant 0 : i32
      %dma_wait3A_28 = tpu.memref_slice %arg7[%arg0, %mul3A_2, %dma_wait3A_27] : memref<2x10112x144xf32, #tpu.memory_space<hbm>> -> memref<1x632x144xf32, #tpu.memory_space<hbm>>
      %dma_wait3A_29 = tpu.memref_squeeze %dma_wait3A_28 : memref<1x632x144xf32, #tpu.memory_space<hbm>> -> memref<632x144xf32, #tpu.memory_space<hbm>>
      %dma_wait3A_30 = arith.constant 0 : i32
      %dma_wait3A_31 = tpu.memref_slice %arg8[%mul3A_2, %dma_wait3A_30] : memref<10112x144xf32, #tpu.memory_space<vmem_shared>> -> memref<632x144xf32, #tpu.memory_space<vmem_shared>>
      tpu.wait_dma2 semaphore(%run_scoped3A_21 : memref<!tpu.dma_semaphore, #tpu.memory_space<semaphore_mem>>) src(%dma_wait3A_31 : memref<632x144xf32, #tpu.memory_space<vmem_shared>>) dst(%dma_wait3A_29 : memref<632x144xf32, #tpu.memory_space<hbm>>)
      tpu.yield
    }) : () -> ()
    return
  }
}

module attributes {stable_mosaic.version = 14 : i64} {
  func.func @_proj1_body(%arg0: i32, %arg1: memref<128x128xf32, #tpu.memory_space<vmem>>, %arg2: memref<128x128xf32, #tpu.memory_space<vmem>>, %arg3: memref<128x16xf32, #tpu.memory_space<vmem>>, %arg4: memref<128x16xf32, #tpu.memory_space<vmem>>, %arg5: memref<128x144xf32, #tpu.memory_space<vmem>>, %arg6: memref<128x16xf32, #tpu.memory_space<vmem>>) attributes {dimension_semantics = [#tpu.dimension_semantics<arbitrary>], iteration_bounds = array<i64: 79>, scalar_prefetch = 0 : i64, scratch_operands = 0 : i64, tpu.core_type = #tpu.core_type<tc>, window_params = [{transform_indices = @transform_0, window_bounds = array<i64: 128, 128>}, {pipeline_mode = #tpu.pipeline_mode<synchronous>, transform_indices = @transform_1, window_bounds = array<i64: 128, 128>}, {pipeline_mode = #tpu.pipeline_mode<synchronous>, transform_indices = @transform_2, window_bounds = array<i64: 128, 16>}, {pipeline_mode = #tpu.pipeline_mode<synchronous>, transform_indices = @transform_3, window_bounds = array<i64: 128, 16>}, {transform_indices = @transform_4, window_bounds = array<i64: 128, 144>}, {transform_indices = @transform_5, window_bounds = array<i64: 128, 16>}]} {
    %get3A = arith.constant 0 : index
    %get3A_0 = arith.constant 0 : index
    %get3A_1 = vector.load %arg1[%get3A, %get3A_0] : memref<128x128xf32, #tpu.memory_space<vmem>>, vector<128x128xf32>
    %get3A_2 = arith.constant 0 : index
    %get3A_3 = arith.constant 0 : index
    %get3A_4 = vector.load %arg2[%get3A_2, %get3A_3] : memref<128x128xf32, #tpu.memory_space<vmem>>, vector<128x128xf32>
    %dot_general3A = arith.constant dense<0.000000e+00> : vector<128x128xf32>
    %dot_general3A_5 = tpu.matmul %get3A_1, %get3A_4, %dot_general3A {dimension_numbers = #tpu.dot_dimension_numbers<[1], [0], [0], [1], [0, 0, 1, 1], [], []>, transpose_lhs_hint = false} : vector<128x128xf32>, vector<128x128xf32>, vector<128x128xf32> -> vector<128x128xf32>
    %swap3A = arith.constant 0 : index
    %swap3A_6 = arith.constant 0 : index
    %swap3A_7 = vector.load %arg5[%swap3A, %swap3A_6] : memref<128x144xf32, #tpu.memory_space<vmem>>, vector<128x128xf32>
    tpu.vector_store %arg5[%swap3A, %swap3A_6], %dot_general3A_5 {strides = array<i32>} : memref<128x144xf32, #tpu.memory_space<vmem>>, vector<128x128xf32>,
    %get3A_8 = arith.constant 0 : index
    %get3A_9 = arith.constant 0 : index
    %get3A_10 = vector.load %arg3[%get3A_8, %get3A_9] : memref<128x16xf32, #tpu.memory_space<vmem>>, vector<128x16xf32>
    %dot_general3A_11 = arith.constant dense<0.000000e+00> : vector<128x16xf32>
    %dot_general3A_12 = tpu.matmul %dot_general3A_5, %get3A_10, %dot_general3A_11 {dimension_numbers = #tpu.dot_dimension_numbers<[1], [0], [0], [1], [0, 0, 1, 1], [], []>, transpose_lhs_hint = false} : vector<128x128xf32>, vector<128x16xf32>, vector<128x16xf32> -> vector<128x16xf32>
    %swap3A_13 = arith.constant 0 : index
    %swap3A_14 = arith.constant 128 : index
    %swap3A_15 = vector.load %arg5[%swap3A_13, %swap3A_14] : memref<128x144xf32, #tpu.memory_space<vmem>>, vector<128x16xf32>
    tpu.vector_store %arg5[%swap3A_13, %swap3A_14], %dot_general3A_12 {strides = array<i32>} : memref<128x144xf32, #tpu.memory_space<vmem>>, vector<128x16xf32>,
    %get3A_16 = arith.constant 0 : index
    %get3A_17 = arith.constant 0 : index
    %get3A_18 = vector.load %arg4[%get3A_16, %get3A_17] : memref<128x16xf32, #tpu.memory_space<vmem>>, vector<128x16xf32>
    %dot_general3A_19 = arith.constant dense<0.000000e+00> : vector<128x16xf32>
    %dot_general3A_20 = tpu.matmul %dot_general3A_5, %get3A_18, %dot_general3A_19 {dimension_numbers = #tpu.dot_dimension_numbers<[1], [0], [0], [1], [0, 0, 1, 1], [], []>, transpose_lhs_hint = false} : vector<128x128xf32>, vector<128x16xf32>, vector<128x16xf32> -> vector<128x16xf32>
    %swap3A_21 = arith.constant 0 : index
    %swap3A_22 = arith.constant 0 : index
    %swap3A_23 = vector.load %arg6[%swap3A_21, %swap3A_22] : memref<128x16xf32, #tpu.memory_space<vmem>>, vector<128x16xf32>
    tpu.vector_store %arg6[%swap3A_21, %swap3A_22], %dot_general3A_20 {strides = array<i32>} : memref<128x16xf32, #tpu.memory_space<vmem>>, vector<128x16xf32>,
    return
  }
  func.func @transform_0(%arg0: i32) -> (i32, i32) {
    %c0_i32 = arith.constant 0 : i32
    %c0_i32_0 = arith.constant 0 : i32
    return %arg0, %c0_i32 : i32, i32
  }
  func.func @transform_1(%arg0: i32) -> (i32, i32) {
    %c0_i32 = arith.constant 0 : i32
    %c0_i32_0 = arith.constant 0 : i32
    %c0_i32_1 = arith.constant 0 : i32
    return %c0_i32, %c0_i32_0 : i32, i32
  }
  func.func @transform_2(%arg0: i32) -> (i32, i32) {
    %c0_i32 = arith.constant 0 : i32
    %c0_i32_0 = arith.constant 0 : i32
    %c0_i32_1 = arith.constant 0 : i32
    return %c0_i32, %c0_i32_0 : i32, i32
  }
  func.func @transform_3(%arg0: i32) -> (i32, i32) {
    %c0_i32 = arith.constant 0 : i32
    %c0_i32_0 = arith.constant 0 : i32
    %c0_i32_1 = arith.constant 0 : i32
    return %c0_i32, %c0_i32_0 : i32, i32
  }
  func.func @transform_4(%arg0: i32) -> (i32, i32) {
    %c0_i32 = arith.constant 0 : i32
    %c0_i32_0 = arith.constant 0 : i32
    return %arg0, %c0_i32 : i32, i32
  }
  func.func @transform_5(%arg0: i32) -> (i32, i32) {
    %c0_i32 = arith.constant 0 : i32
    %c0_i32_0 = arith.constant 0 : i32
    return %arg0, %c0_i32 : i32, i32
  }
}

module attributes {stable_mosaic.version = 14 : i64} {
  func.func @_mid_body(%arg0: i32, %arg1: memref<128x144xf32, #tpu.memory_space<vmem>>, %arg2: memref<128x144xf32, #tpu.memory_space<vmem>>, %arg3: memref<16x128xf32, #tpu.memory_space<vmem>>, %arg4: memref<128x128xf32, #tpu.memory_space<vmem>>, %arg5: memref<128x16xf32, #tpu.memory_space<vmem>>, %arg6: memref<128x16xf32, #tpu.memory_space<vmem>>, %arg7: memref<1x128xf32, #tpu.memory_space<vmem>>, %arg8: memref<128x144xf32, #tpu.memory_space<vmem>>, %arg9: memref<128x16xf32, #tpu.memory_space<vmem>>) attributes {dimension_semantics = [#tpu.dimension_semantics<arbitrary>], iteration_bounds = array<i64: 79>, scalar_prefetch = 0 : i64, scratch_operands = 0 : i64, tpu.core_type = #tpu.core_type<tc>, window_params = [{transform_indices = @transform_0, window_bounds = array<i64: 128, 144>}, {transform_indices = @transform_1, window_bounds = array<i64: 128, 144>}, {pipeline_mode = #tpu.pipeline_mode<synchronous>, transform_indices = @transform_2, window_bounds = array<i64: 16, 128>}, {pipeline_mode = #tpu.pipeline_mode<synchronous>, transform_indices = @transform_3, window_bounds = array<i64: 128, 128>}, {pipeline_mode = #tpu.pipeline_mode<synchronous>, transform_indices = @transform_4, window_bounds = array<i64: 128, 16>}, {pipeline_mode = #tpu.pipeline_mode<synchronous>, transform_indices = @transform_5, window_bounds = array<i64: 128, 16>}, {pipeline_mode = #tpu.pipeline_mode<synchronous>, transform_indices = @transform_6, window_bounds = array<i64: 1, 128>}, {transform_indices = @transform_7, window_bounds = array<i64: 128, 144>}, {transform_indices = @transform_8, window_bounds = array<i64: 128, 16>}]} {
    %get3A = arith.constant 0 : index
    %get3A_0 = arith.constant 0 : index
    %get3A_1 = vector.load %arg1[%get3A, %get3A_0] : memref<128x144xf32, #tpu.memory_space<vmem>>, vector<128x128xf32>
    %get3A_2 = arith.constant 0 : index
    %get3A_3 = arith.constant 0 : index
    %get3A_4 = vector.load %arg2[%get3A_2, %get3A_3] : memref<128x144xf32, #tpu.memory_space<vmem>>, vector<128x128xf32>
    %add3A = arith.addf %get3A_1, %get3A_4 : vector<128x128xf32>
    %get3A_5 = arith.constant 0 : index
    %get3A_6 = arith.constant 128 : index
    %get3A_7 = vector.load %arg1[%get3A_5, %get3A_6] : memref<128x144xf32, #tpu.memory_space<vmem>>, vector<128x16xf32>
    %get3A_8 = arith.constant 0 : index
    %get3A_9 = arith.constant 128 : index
    %get3A_10 = vector.load %arg2[%get3A_8, %get3A_9] : memref<128x144xf32, #tpu.memory_space<vmem>>, vector<128x16xf32>
    %add3A_11 = arith.addf %get3A_7, %get3A_10 : vector<128x16xf32>
    %get3A_12 = arith.constant 0 : index
    %get3A_13 = arith.constant 0 : index
    %get3A_14 = vector.load %arg3[%get3A_12, %get3A_13] : memref<16x128xf32, #tpu.memory_space<vmem>>, vector<16x128xf32>
    %dot_general3A = arith.constant dense<0.000000e+00> : vector<128x128xf32>
    %dot_general3A_15 = tpu.matmul %add3A_11, %get3A_14, %dot_general3A {dimension_numbers = #tpu.dot_dimension_numbers<[1], [0], [0], [1], [0, 0, 1, 1], [], []>, transpose_lhs_hint = false} : vector<128x16xf32>, vector<16x128xf32>, vector<128x128xf32> -> vector<128x128xf32>
    %add3A_16 = arith.constant 1.000000e-16 : f32
    %add3A_17 = vector.broadcast %add3A_16 : f32 to vector<128x128xf32>
    %add3A_18 = arith.addf %dot_general3A_15, %add3A_17 : vector<128x128xf32>
    %div3A = arith.divf %add3A, %add3A_18 : vector<128x128xf32>
    %get3A_19 = arith.constant 0 : index
    %get3A_20 = arith.constant 0 : index
    %get3A_21 = vector.load %arg7[%get3A_19, %get3A_20] : memref<1x128xf32, #tpu.memory_space<vmem>>, vector<1x128xf32>
    %add3A_22 = vector.broadcast %get3A_21 : vector<1x128xf32> to vector<128x128xf32>
    %add3A_23 = arith.addf %div3A, %add3A_22 : vector<128x128xf32>
    %gt3A = arith.constant 0.000000e+00 : f32
    %gt3A_24 = vector.broadcast %gt3A : f32 to vector<128x128xf32>
    %gt3A_25 = arith.cmpf ogt, %add3A_23, %gt3A_24 : vector<128x128xf32>
    %min3A = arith.constant 0.000000e+00 : f32
    %min3A_26 = vector.broadcast %min3A : f32 to vector<128x128xf32>
    %min3A_27 = arith.minimumf %add3A_23, %min3A_26 : vector<128x128xf32>
    %exp3A = math.exp %min3A_27 : vector<128x128xf32>
    %sub3A = arith.constant 1.000000e+00 : f32
    %sub3A_28 = vector.broadcast %sub3A : f32 to vector<128x128xf32>
    %sub3A_29 = arith.subf %exp3A, %sub3A_28 : vector<128x128xf32>
    %select_n3A = arith.select %gt3A_25, %add3A_23, %sub3A_29 : vector<128x128xi1>, vector<128x128xf32>
    %get3A_30 = arith.constant 0 : index
    %get3A_31 = arith.constant 0 : index
    %get3A_32 = vector.load %arg4[%get3A_30, %get3A_31] : memref<128x128xf32, #tpu.memory_space<vmem>>, vector<128x128xf32>
    %dot_general3A_33 = arith.constant dense<0.000000e+00> : vector<128x128xf32>
    %dot_general3A_34 = tpu.matmul %select_n3A, %get3A_32, %dot_general3A_33 {dimension_numbers = #tpu.dot_dimension_numbers<[1], [0], [0], [1], [0, 0, 1, 1], [], []>, transpose_lhs_hint = false} : vector<128x128xf32>, vector<128x128xf32>, vector<128x128xf32> -> vector<128x128xf32>
    %swap3A = arith.constant 0 : index
    %swap3A_35 = arith.constant 0 : index
    %swap3A_36 = vector.load %arg8[%swap3A, %swap3A_35] : memref<128x144xf32, #tpu.memory_space<vmem>>, vector<128x128xf32>
    tpu.vector_store %arg8[%swap3A, %swap3A_35], %dot_general3A_34 {strides = array<i32>} : memref<128x144xf32, #tpu.memory_space<vmem>>, vector<128x128xf32>,
    %get3A_37 = arith.constant 0 : index
    %get3A_38 = arith.constant 0 : index
    %get3A_39 = vector.load %arg5[%get3A_37, %get3A_38] : memref<128x16xf32, #tpu.memory_space<vmem>>, vector<128x16xf32>
    %dot_general3A_40 = arith.constant dense<0.000000e+00> : vector<128x16xf32>
    %dot_general3A_41 = tpu.matmul %dot_general3A_34, %get3A_39, %dot_general3A_40 {dimension_numbers = #tpu.dot_dimension_numbers<[1], [0], [0], [1], [0, 0, 1, 1], [], []>, transpose_lhs_hint = false} : vector<128x128xf32>, vector<128x16xf32>, vector<128x16xf32> -> vector<128x16xf32>
    %swap3A_42 = arith.constant 0 : index
    %swap3A_43 = arith.constant 128 : index
    %swap3A_44 = vector.load %arg8[%swap3A_42, %swap3A_43] : memref<128x144xf32, #tpu.memory_space<vmem>>, vector<128x16xf32>
    tpu.vector_store %arg8[%swap3A_42, %swap3A_43], %dot_general3A_41 {strides = array<i32>} : memref<128x144xf32, #tpu.memory_space<vmem>>, vector<128x16xf32>,
    %get3A_45 = arith.constant 0 : index
    %get3A_46 = arith.constant 0 : index
    %get3A_47 = vector.load %arg6[%get3A_45, %get3A_46] : memref<128x16xf32, #tpu.memory_space<vmem>>, vector<128x16xf32>
    %dot_general3A_48 = arith.constant dense<0.000000e+00> : vector<128x16xf32>
    %dot_general3A_49 = tpu.matmul %dot_general3A_34, %get3A_47, %dot_general3A_48 {dimension_numbers = #tpu.dot_dimension_numbers<[1], [0], [0], [1], [0, 0, 1, 1], [], []>, transpose_lhs_hint = false} : vector<128x128xf32>, vector<128x16xf32>, vector<128x16xf32> -> vector<128x16xf32>
    %swap3A_50 = arith.constant 0 : index
    %swap3A_51 = arith.constant 0 : index
    %swap3A_52 = vector.load %arg9[%swap3A_50, %swap3A_51] : memref<128x16xf32, #tpu.memory_space<vmem>>, vector<128x16xf32>
    tpu.vector_store %arg9[%swap3A_50, %swap3A_51], %dot_general3A_49 {strides = array<i32>} : memref<128x16xf32, #tpu.memory_space<vmem>>, vector<128x16xf32>,
    return
  }
  func.func @transform_0(%arg0: i32) -> (i32, i32) {
    %c0_i32 = arith.constant 0 : i32
    %c0_i32_0 = arith.constant 0 : i32
    return %arg0, %c0_i32 : i32, i32
  }
  func.func @transform_1(%arg0: i32) -> (i32, i32) {
    %c0_i32 = arith.constant 0 : i32
    %c0_i32_0 = arith.constant 0 : i32
    return %arg0, %c0_i32 : i32, i32
  }
  func.func @transform_2(%arg0: i32) -> (i32, i32) {
    %c0_i32 = arith.constant 0 : i32
    %c0_i32_0 = arith.constant 0 : i32
    %c0_i32_1 = arith.constant 0 : i32
    return %c0_i32, %c0_i32_0 : i32, i32
  }
  func.func @transform_3(%arg0: i32) -> (i32, i32) {
    %c0_i32 = arith.constant 0 : i32
    %c0_i32_0 = arith.constant 0 : i32
    %c0_i32_1 = arith.constant 0 : i32
    return %c0_i32, %c0_i32_0 : i32, i32
  }
  func.func @transform_4(%arg0: i32) -> (i32, i32) {
    %c0_i32 = arith.constant 0 : i32
    %c0_i32_0 = arith.constant 0 : i32
    %c0_i32_1 = arith.constant 0 : i32
    return %c0_i32, %c0_i32_0 : i32, i32
  }
  func.func @transform_5(%arg0: i32) -> (i32, i32) {
    %c0_i32 = arith.constant 0 : i32
    %c0_i32_0 = arith.constant 0 : i32
    %c0_i32_1 = arith.constant 0 : i32
    return %c0_i32, %c0_i32_0 : i32, i32
  }
  func.func @transform_6(%arg0: i32) -> (i32, i32) {
    %c0_i32 = arith.constant 0 : i32
    %c0_i32_0 = arith.constant 0 : i32
    %c0_i32_1 = arith.constant 0 : i32
    return %c0_i32, %c0_i32_0 : i32, i32
  }
  func.func @transform_7(%arg0: i32) -> (i32, i32) {
    %c0_i32 = arith.constant 0 : i32
    %c0_i32_0 = arith.constant 0 : i32
    return %arg0, %c0_i32 : i32, i32
  }
  func.func @transform_8(%arg0: i32) -> (i32, i32) {
    %c0_i32 = arith.constant 0 : i32
    %c0_i32_0 = arith.constant 0 : i32
    return %arg0, %c0_i32 : i32, i32
  }
}

module attributes {stable_mosaic.version = 14 : i64} {
  func.func @_fin_body(%arg0: i32, %arg1: memref<128x144xf32, #tpu.memory_space<vmem>>, %arg2: memref<128x144xf32, #tpu.memory_space<vmem>>, %arg3: memref<1x128xf32, #tpu.memory_space<vmem>>, %arg4: memref<128x128xf32, #tpu.memory_space<vmem>>) attributes {dimension_semantics = [#tpu.dimension_semantics<arbitrary>], iteration_bounds = array<i64: 79>, scalar_prefetch = 0 : i64, scratch_operands = 0 : i64, tpu.core_type = #tpu.core_type<tc>, window_params = [{transform_indices = @transform_0, window_bounds = array<i64: 128, 144>}, {transform_indices = @transform_1, window_bounds = array<i64: 128, 144>}, {pipeline_mode = #tpu.pipeline_mode<synchronous>, transform_indices = @transform_2, window_bounds = array<i64: 1, 128>}, {transform_indices = @transform_3, window_bounds = array<i64: 128, 128>}]} {
    %get3A = arith.constant 0 : index
    %get3A_0 = arith.constant 0 : index
    %get3A_1 = vector.load %arg1[%get3A, %get3A_0] : memref<128x144xf32, #tpu.memory_space<vmem>>, vector<128x128xf32>
    %get3A_2 = arith.constant 0 : index
    %get3A_3 = arith.constant 0 : index
    %get3A_4 = vector.load %arg2[%get3A_2, %get3A_3] : memref<128x144xf32, #tpu.memory_space<vmem>>, vector<128x128xf32>
    %add3A = arith.addf %get3A_1, %get3A_4 : vector<128x128xf32>
    %get3A_5 = arith.constant 0 : index
    %get3A_6 = arith.constant 128 : index
    %get3A_7 = vector.load %arg1[%get3A_5, %get3A_6] : memref<128x144xf32, #tpu.memory_space<vmem>>, vector<128x1xf32>
    %get3A_8 = arith.constant 0 : index
    %get3A_9 = arith.constant 128 : index
    %get3A_10 = vector.load %arg2[%get3A_8, %get3A_9] : memref<128x144xf32, #tpu.memory_space<vmem>>, vector<128x1xf32>
    %add3A_11 = arith.addf %get3A_7, %get3A_10 : vector<128x1xf32>
    %add3A_12 = arith.constant 1.000000e-16 : f32
    %add3A_13 = vector.broadcast %add3A_12 : f32 to vector<128x1xf32>
    %add3A_14 = arith.addf %add3A_11, %add3A_13 : vector<128x1xf32>
    %div3A = vector.broadcast %add3A_14 : vector<128x1xf32> to vector<128x128xf32>
    %div3A_15 = arith.divf %add3A, %div3A : vector<128x128xf32>
    %get3A_16 = arith.constant 0 : index
    %get3A_17 = arith.constant 0 : index
    %get3A_18 = vector.load %arg3[%get3A_16, %get3A_17] : memref<1x128xf32, #tpu.memory_space<vmem>>, vector<1x128xf32>
    %add3A_19 = vector.broadcast %get3A_18 : vector<1x128xf32> to vector<128x128xf32>
    %add3A_20 = arith.addf %div3A_15, %add3A_19 : vector<128x128xf32>
    %swap3A = arith.constant 0 : index
    %swap3A_21 = arith.constant 0 : index
    %swap3A_22 = vector.load %arg4[%swap3A, %swap3A_21] : memref<128x128xf32, #tpu.memory_space<vmem>>, vector<128x128xf32>
    tpu.vector_store %arg4[%swap3A, %swap3A_21], %add3A_20 {strides = array<i32>} : memref<128x128xf32, #tpu.memory_space<vmem>>, vector<128x128xf32>,
    return
  }
  func.func @transform_0(%arg0: i32) -> (i32, i32) {
    %c0_i32 = arith.constant 0 : i32
    %c0_i32_0 = arith.constant 0 : i32
    return %arg0, %c0_i32 : i32, i32
  }
  func.func @transform_1(%arg0: i32) -> (i32, i32) {
    %c0_i32 = arith.constant 0 : i32
    %c0_i32_0 = arith.constant 0 : i32
    return %arg0, %c0_i32 : i32, i32
  }
  func.func @transform_2(%arg0: i32) -> (i32, i32) {
    %c0_i32 = arith.constant 0 : i32
    %c0_i32_0 = arith.constant 0 : i32
    %c0_i32_1 = arith.constant 0 : i32
    return %c0_i32, %c0_i32_0 : i32, i32
  }
  func.func @transform_3(%arg0: i32) -> (i32, i32) {
    %c0_i32 = arith.constant 0 : i32
    %c0_i32_0 = arith.constant 0 : i32
    return %arg0, %c0_i32 : i32, i32
  }
}

</mosaic_0001>

<sc_bundles>
// kernel: kernel.10.cloned.1.call-start
scs
__scs_entry_jumppad:
0x0: {  	(pc) =	sbr.rel $0x88, $3  }
0x1: {  	(tag) =	ssettag $0x0;
	lr =	simm.s32 $0x1  }
0x2: {  	[smem:$0x3F99] =	sst lr;
	_ =	strace $0xD0000000  }
0x3: {  	_ = 	snop  }
0x4: {  	_ = 	snop  }
0x5: {  	_ = 	snop  }
0x6: {  	_ = 	snop  }
0x7: {  	_ = 	snop  }
__scs_overlays_trampoline_lowered:
0x8: {  	[smem:$0x3FA8] =	sst s0  }
0x9: {  	[smem:$0x3FA9] =	sst s1  }
0xa: {  	[smem:$0x3FAA] =	sst s2  }
0xb: {  	[smem:$0x3FAB] =	sst s3  }
0xc: {  	[smem:$0x3FAC] =	sst s4  }
0xd: {  	[smem:$0x3FAD] =	sst s5  }
0xe: {  	[smem:$0x3FAE] =	sst s6  }
0xf: {  	[smem:$0x3FAF] =	sst s7  }
0x10: {  	[smem:$0x3FB0] =	sst s8  }
0x11: {  	[smem:$0x3FB1] =	sst s9;
	s0 =	simm.s32 @!p0 $0x0  }
0x12: {  	s1 =	sld [smem:$0x3F97];
	s0 =	simm.s32 @p0 $0x1  }
0x13: {  	[smem:$0x3FB2] =	sst s0;
	s0 =	simm.s32 @!p1 $0x0  }
0x14: {  	s2 =	sld [smem:$0x3F96];
	s0 =	simm.s32 @p1 $0x1  }
0x15: {  	[smem:$0x3FB3] =	sst s0;
	s0 =	simm.s32 @!p2 $0x0  }
0x16: {  	s3 =	sld [smem:$0x3FDB];
	s0 =	simm.s32 @p2 $0x1  }
0x17: {  	s4 =	simm.s32 $0x1BF5;
	[smem:$0x3FB5] =	sst s0  }
0x18: {  	s0 =	sld [smem:$0x3F98];
	_ =	swait.ge [sflag:s4], $0x0  }
0x19: {  	s7 =	sld [smem:$0x3F99]  }
0x1a: {  	s8 =	sadd.s32 $0xFFFFE003, lr  }
0x1b: {  	s9 =	sadd.s32 $0xFFFFFEF7, lr;
	s5 =	simm.s32 $0xFFFFFFFF;
	p2 =	slt.u32 s8, $0xFFFFF086  }
0x1c: {  	p1 =	slt.u32 s9, $0xF7A;
	s5 =	simm.s32 @!p2 $0x0  }
0x1d: {  	s5 =	simm.s32 @p1 $0x1;
	p0 =	seq.s32 s7, s2  }
0x1e: {  	s7 =	smul.u32 @!p0 $0xF7A, s2;
	p2 =	seq.s32 @!p0 s5, $0x0  }
0x1f: {  	s9 =	smul.u32 $0xF7A, s1;
	s8 =	simm.s32 @!p0 $0x1BF5;
	p2 =	por !p2, p0  }
0x20: {  	[sflag:s8] =	ssyncset.s32 @!p0 $0xFFFFF086;
	s6 =	sadd.s32 @!p0 s3, s7;
	s7 =	simm.s32 @!p0 $0x108  }
0x21: {  	s3 =	sadd.s32 s3, s9;
	s6 =	sadd.s32 @!p0 $0x88, s6;
	s7 =	simm.s32 @p2 $0x1082  }
0x22: {  	[simem:s7], [sflag:s8] =	dma.local @!p0 [hbm:s6], $0xF7A  }
0x23: {  	s9 =	sor.u32 $0xD0000000, s2;
	s6 =	simm.s32 $0x108;
	_ =	swait.ge @!p0 [sflag:s8], $0x0  }
0x24: {  	s3 =	sadd.s32 $0x88, s3;
	s6 =	simm.s32 @!p1 $0x1082;
	[sflag:s4] =	ssyncset.s32 $0xFFFFF086  }
0x25: {  	[simem:s6], [sflag:s4] =	dma.local [hbm:s3], $0xF7A  }
0x26: {  	[smem:$0x3F99] =	sst s1;
	(tag) =	ssettag s2;
	_ =	strace s9  }
0x27: {  	s1 =	sld [smem:$0x3FA9]  }
0x28: {  	s2 =	sld [smem:$0x3FAA]  }
0x29: {  	s4 =	sld [smem:$0x3FAC]  }
0x2a: {  	p0 =	seq.s32 s5, $0x0;
	s5 =	sld [smem:$0x3FAD]  }
0x2b: {  	s6 =	sld [smem:$0x3FAE]  }
0x2c: {  	s7 =	sld [smem:$0x3FAF]  }
0x2d: {  	s3 =	simm.s32 $0x108;
	s8 =	sld [smem:$0x3FB0]  }
0x2e: {  	s3 =	simm.s32 @!p0 $0x1082;
	s9 =	sld [smem:$0x3FB1]  }
0x2f: {  	lr =	sadd.s32 s0, s3;
	s0 =	sld [smem:$0x3FA8]  }
0x30: {  	s3 =	sld [smem:$0x3FAB]  }
0x31: {  	[smem:$0x3FB4] =	sst s10  }
0x32: {  	s10 =	sld [smem:$0x3FB2];
	_ =	sdelay $0x3  }
0x33: {  	p0 =	seq.s32 s10, $0x1;
	s10 =	sld [smem:$0x3FB4];
	_ =	sdelay $0x3  }
0x34: {  	[smem:$0x3FB4] =	sst s10  }
0x35: {  	s10 =	sld [smem:$0x3FB3];
	_ =	sdelay $0x3  }
0x36: {  	p1 =	seq.s32 s10, $0x1;
	s10 =	sld [smem:$0x3FB4];
	_ =	sdelay $0x3  }
0x37: {  	[smem:$0x3FB4] =	sst s10  }
0x38: {  	s10 =	sld [smem:$0x3FB5]  }
0x39: {  	_ = 	snop;
	(pc) =	sbr.ind lr, $3  }
0x3a: {  	_ = 	snop  }
0x3b: {  	_ = 	snop  }
0x3c: {  	p2 =	seq.s32 s10, $0x1;
	s10 =	sld [smem:$0x3FB4]  }
0x3d: {  	_ =	shalt  }
0x3e: {  	_ =	shalt  }
0x3f: {  	_ =	shalt  }
0x40: {  	_ =	shalt  }
0x41: {  	_ =	shalt  }
0x42: {  	_ =	shalt  }
0x43: {  	_ =	shalt  }
0x44: {  	_ =	shalt  }
0x45: {  	_ =	shalt  }
0x46: {  	_ =	shalt  }
0x47: {  	_ =	shalt  }
0x48: {  	_ =	shalt  }
0x49: {  	_ =	shalt  }
0x4a: {  	_ =	shalt  }
0x4b: {  	_ =	shalt  }
0x4c: {  	_ =	shalt  }
0x4d: {  	_ =	shalt  }
0x4e: {  	_ =	shalt  }
0x4f: {  	_ =	shalt  }
0x50: {  	_ =	shalt  }
0x51: {  	_ =	shalt  }
0x52: {  	_ =	shalt  }
0x53: {  	_ =	shalt  }
0x54: {  	_ =	shalt  }
0x55: {  	_ =	shalt  }
0x56: {  	_ =	shalt  }
0x57: {  	_ =	shalt  }
0x58: {  	_ =	shalt  }
0x59: {  	_ =	shalt  }
0x5a: {  	_ =	shalt  }
0x5b: {  	_ =	shalt  }
0x5c: {  	_ =	shalt  }
0x5d: {  	_ =	shalt  }
0x5e: {  	_ =	shalt  }
0x5f: {  	_ =	shalt  }
0x60: {  	_ =	shalt  }
0x61: {  	_ =	shalt  }
0x62: {  	_ =	shalt  }
0x63: {  	_ =	shalt  }
0x64: {  	_ =	shalt  }
0x65: {  	_ =	shalt  }
0x66: {  	_ =	shalt  }
0x67: {  	_ =	shalt  }
0x68: {  	_ =	shalt  }
0x69: {  	_ =	shalt  }
0x6a: {  	_ =	shalt  }
0x6b: {  	_ =	shalt  }
0x6c: {  	_ =	shalt  }
0x6d: {  	_ =	shalt  }
0x6e: {  	_ =	shalt  }
0x6f: {  	_ =	shalt  }
0x70: {  	_ =	shalt  }
0x71: {  	_ =	shalt  }
0x72: {  	_ =	shalt  }
0x73: {  	_ =	shalt  }
0x74: {  	_ =	shalt  }
0x75: {  	_ =	shalt  }
0x76: {  	_ =	shalt  }
0x77: {  	_ =	shalt  }
0x78: {  	_ =	shalt  }
0x79: {  	_ =	shalt  }
0x7a: {  	_ =	shalt  }
0x7b: {  	_ =	shalt  }
0x7c: {  	_ =	shalt  }
0x7d: {  	_ =	shalt  }
0x7e: {  	_ =	shalt  }
0x7f: {  	_ =	shalt  }
0x80: {  	_ =	shalt  }
0x81: {  	_ =	shalt  }
0x82: {  	_ =	shalt  }
0x83: {  	_ =	shalt  }
0x84: {  	_ =	shalt  }
0x85: {  	_ =	shalt  }
0x86: {  	_ =	shalt  }
0x87: {  	_ =	shalt  }
.Lfunc_end0:
.L_simem_size_0:
called_computation.1_lowered:
.L_overlay_start_0:
0x88: {  	s2 =	sld [smem:$0x3FD9]  }
0x89: {  	s3 =	sld [smem:$0x3FFE];
	_ =	sdelay $0x1  }
0x8a: {  	s1 =	srdreg.scid  }
0x8b: {  	s0 =	sand.u32 $0x1, s1  }
0x8c: {  	s17 =	sshll.u32 s0, $0xA;
	s2 =	sadd.s32 s3, s2  }
0x8d: {  	s2 =	sadd.s32 s2, s17  }
0x8e: {  	[smem:$0x3FC0] =	sst s2  }
0x8f: {  	_ = 	snop  }
0x90: {  	s2 =	sld [smem:$0x3FD0];
	(tm) =	ssettm $0x1  }
0x91: {  	s18 =	sld [smem:$0x3FFB];
	_ =	sdelay $0x3  }
0x92: {  	_ =	strace s18  }
0x93: {  	s3 =	sld [smem:$0x3FFC];
	_ =	sdelay $0x3  }
0x94: {  	_ =	strace s3  }
0x95: {  	s3 =	sld [smem:$0x3FFD];
	_ =	sdelay $0x3  }
0x96: {  	_ =	strace s3  }
0x97: {  	_ =	strace $0x8FFFFFFF  }
0x98: {  	s19 =	sld [smem:$0x3FDB];
	_ =	sdelay $0x1  }
0x99: {  	s4 =	simm.s32 $_scs_section_size  }
0x9a: {  	s5 =	simm.s32 $_size__tile_overlayer_lowered;
	s6 =	simm.s32 $_tile_overlayer_lowered  }
0x9b: {  	s22 =	simm.s32 $0x1BFF;
	s21 =	sshll.u32 s6, $0x1;
	s3 =	sadd.s32 s4, s19  }
0x9c: {  	s7 =	simm.s32 $0x0;
	s20 =	sshll.u32 s5, $0x1;
	s5 =	sadd.s32 s21, s3  }
0x9d: {  	[timem:s7], [sflag:s22] =	dma.local [hbm:s5], s20  }
0x9e: {  	_ =	swait.ge [sflag:s22], s20  }
0x9f: {  	s4 =	ssub.s32 $0x0, s20;
	[sflag:s22] =	ssyncset.done $0x0  }
0xa0: {  	[sflag:s22] =	ssyncadd.s32 s4;
	_ =	sdelay $0x1  }
0xa1: {  	s23 =	simm.s32 $0x1B8B  }
0xa2: {  	_ =	swait.ge [sflag:s23], $0x1  }
0xa3: {  	[sflag:s23] =	ssyncset.done $0x0  }
0xa4: {  	s25 =	simm.s32 $0x1B8E;
	s24 =	sld [smem:$0x3FFE];
	[sflag:s23] =	ssyncadd.s32 $0xFFFFFFFF  }
0xa5: {  	s26 =	simm.s32 $execute0_lowered;
	[smem:$0x3FD2] =	sst s25  }
0xa6: {  	s5 =	sshll.u32 s26, $0x1;
	_ =	strace $0x80000049;
	[dreg:$0x1] =	wrdreg $0xFFFFFFFF  }
0xa7: {  	s28 =	simm.s32 $_size_execute0_lowered;
	s3 =	sadd.s32 s3, s5;
	[dreg:$0x0] =	wrdreg $0x0  }
0xa8: {  	s5 =	sshll.u32 s28, $0x1;
	[dreg:$0x2] =	wrdreg s3  }
0xa9: {  	[dreg:$0x3] =	wrdreg s5  }
0xaa: {  	[dreg:$0x4] =	wrdreg $0xC0  }
0xab: {  	_ =	task [dreg:s7], $0x5FFFF  }
0xac: {  	[dreg:$0x1] =	wrdreg $0xFFFFFFFF  }
0xad: {  	[dreg:$0x0] =	wrdreg $0x60  }
0xae: {  	[dreg:$0x2] =	wrdreg s24  }
0xaf: {  	[dreg:$0x3] =	wrdreg s2  }
0xb0: {  	[dreg:$0x4] =	wrdreg $0x0  }
0xb1: {  	[dreg:$0x5] =	wrdreg $0x9  }
0xb2: {  	_ =	task.clear_ibuf [dreg:s7], $0x6FFFF;
	_ =	strace $0x90000049  }
0xb3: {  	s29 =	simm.s32 $0x9;
	_ =	strace $0x8000004B  }
0xb4: {  	_ =	swait.ge [sflag:s29], $0x1  }
0xb5: {  	[sflag:s29] =	ssyncadd.s32 $0xFFFFFFFF  }
0xb6: {  	_ =	strace $0x9000004B  }
0xb7: {  	_ =	sfence  }
0xb8: {  	s30 =	sld [smem:$0x0];
	_ =	sdelay $0x2  }
0xb9: {  	s31 =	sshll.u32 s1, $0xD;
	s1 =	sshrl.u32 s1, $0x2  }
0xba: {  	s3 =	sand.u32 $0x4000, s31;
	s1 =	sadd.s32 s1, s30  }
0xbb: {  	s0 =	sor.u32 s3, s0;
	s1 =	sshll.u32 s1, $0x11  }
0xbc: {  	s0 =	sor.u32 s1, s0  }
0xbd: {  	s0 =	sadd.s32 $0x8F2B, s0  }
0xbe: {  	[sflag:s0] =	ssyncadd.remote.s32 $0x1  }
0xbf: {  	_ =	sfence.sel $0xFFFF  }
0xc0: {  	[dreg:$0x0] =	wrdreg $0xFFFFFFFF;
	(pc) =	sbr.abs _section_cstart, $3  }
0xc1: {  	[dreg:$0x1] =	wrdreg $0xFFFFFFFF  }
0xc2: {  	_ =	task.clear_ibuf [dreg:s7], $0x2FFFF;
	_ =	strace $0x9FFFFFFF  }
0xc3: {  	(tm) =	ssettm $0x7FFFFFFF  }
tec
execute0_lowered:
.L_overlay_start_1:
0x0: {  	(tag) =	ssettag $0x1  }
0x1: {  	s0 =	rddreg [dreg:$0x0]  }
0x2: {  	s30 =	rddreg [dreg:$0x1]  }
0x3: {  	s12 =	rddreg [dreg:$0x2];
	s4 =	simm.s32 $0x0  }
0x4: {  	s11 =	stileid.u32;
	s2 =	srdreg.scid;
	s17 =	simm.s32 $0x5  }
0x5: {  	s19 =	simm.s32 $0x16420;
	s20 =	simm.s32 $0x50;
	s28 =	simm.s32 $0x1  }
0x6: {  	s29 =	simm.s32 $0x3;
	s31 =	simm.s32 $0x2;
	[smem:$0x7FF] =	sst s4  }
0x7: {  	s1 =	smul.u32 $0x16380, s11;
	s5 =	sadd.s32 $0x1A00, s0;
	s2 =	sand.u32 $0x1, s2  }
0x8: {  	_ =	strace $0x8000004A;
	s8 =	smul.u32 $0x163800, s2;
	s9 =	sshll.u32 s2, $0x4  }
0x9: {  	s2 =	ssub.s32 $0x2, s2;
	s3 =	sshrl.u32 s1, $0x3;
	s9 =	sor.u32 s11, s9  }
0xa: {  	s10 =	sshrl.u32 s2, $0x1;
	s3 =	sadd.s32 s3, s0;
	s8 =	sadd.s32 s1, s8  }
0xb: {  	s9 =	smul.u32 $0x28F0, s9;
	s2 =	ssub.s32 s2, s10;
	s3 =	sadd.s32 $0x3D600, s3  }
0xc: {  	s1 =	sadd.s32 s1, s12;
	s26 =	smax.u32 s2, $0x1;
	[dreg:$0x4] =	wrdreg s3  }
0xd: {  	s6 =	sadd.s32 $0x2E200, s0;
	s2 =	sshrl.u32 s1, $0x3;
	[dreg:$0xb] =	wrdreg s26  }
0xe: {  	s7 =	sadd.s32 $0x33200, s0;
	s24 =	sadd.s32 $0x50, s9;
	[dreg:$0xc] =	wrdreg s2  }
0xf: {  	s21 =	sshll.u32 s11, $0x6;
	s25 =	sadd.s32 $0xA0, s9;
	[dreg:$0x8] =	wrdreg s24  }
0x10: {  	s22 =	sshrl.u32 s9, $0x3;
	s3 =	sor.u32 $0x1C05, s21;
	[dreg:$0x9] =	wrdreg s25  }
0x11: {  	s8 =	sshrl.u32 s8, $0x3;
	s23 =	sadd.s32 s30, s22;
	[dreg:$0x5] =	wrdreg s3  }
0x12: {  	s0 =	sadd.s32 s8, s0;
	s8 =	sadd.s32 s7, s22;
	[dreg:$0x6] =	wrdreg s23  }
0x13: {  	s0 =	sadd.s32 $0x69E00, s0;
	s24 =	simm.s32 $0x16470;
	[dreg:$0x7] =	wrdreg s8  }
0x14: {  	v0 =	vimm.s32 $0x0;
	[dreg:$0xa] =	wrdreg s0;
	s0 =	simm.s32 $0x4;
	s8 =	simm.s32 $0x0  }
.LBB2_1:
0x15: {  	[dreg:$0xd] =	wrdreg s8  }
0x16: {  	s1 =	rddreg [dreg:$0x4]  }
0x17: {  	[spmem:s2], [sflag:s3] =	dma.local [hbm:s1], $0x2C70  }
0x18: {  	_ =	swait.ge [sflag:s17], $0x2C70  }
0x19: {  	[sflag:s17] =	ssyncset.done $0x0  }
0x1a: {  	[sflag:s17] =	ssyncadd.s32 $0xFFFFD390  }
0x1b: {  	[bflag:$0x0] =	sbarrier.arrive $0xFFFF  }
0x1c: {  	s22 =	simm.s32 $0x16380;
	s21 =	rddreg [dreg:$0x6]  }
0x1d: {  	[tilespmem:s22], [sflag:$0x5] =	stream.linear.gather [hbm4b:s21+s4], $0x50, $0x38;
	[tilespmem:$0x1F5C0] =	vst v63  }
0x1e: {  	_ =	swait.ge [sflag:s17], $0x50  }
0x1f: {  	[sflag:s17] =	ssyncset.done $0x0  }
0x20: {  	s23 =	rddreg [dreg:$0x7];
	[sflag:s17] =	ssyncadd.s32 $0xFFFFFFB0  }
0x21: {  	[tilespmem:s19], [sflag:$0x5] =	stream.linear.gather [hbm4b:s23+s4], $0x50, $0x38;
	[tilespmem:$0x1F5C0] =	vst v63  }
0x22: {  	_ =	swait.ge [sflag:s17], $0x50  }
0x23: {  	[sflag:s17] =	ssyncset.done $0x0  }
0x24: {  	s25 =	simm.s32 $0x164C0;
	[sflag:s17] =	ssyncadd.s32 $0xFFFFFFB0  }
0x25: {  	[tilespmem:s25], [sflag:$0x1] =	stream.indirect.gather [hbm4b:s5+s20], $0x90, s22, s20, $0xb8;
	[tilespmem:$0x1F5C0] =	vst v63  }
0x26: {  	s26 =	simm.s32 $0x1BEC0;
	s8 =	simm.s32 $0x0  }
0x27: {  	[tilespmem:s26], [sflag:$0x3] =	stream.indirect.gather [hbm4b:s6+s20], $0x10, s19, s20, $0xb8;
	[tilespmem:$0x1F5C0] =	vst v63  }
.LBB2_2:
0x28: {  	s10 =	smul.u32 $0xA0, s8  }
0x29: {  	s1 =	rddreg [dreg:$0x8]  }
0x2a: {  	s1 =	sadd.s32 s10, s1  }
0x2b: {  	s1 =	sshrl.u32 s1, $0x3  }
0x2c: {  	s3 =	simm.s32 $0x163D0;
	s2 =	sadd.s32 s30, s1  }
0x2d: {  	[tilespmem:s3], [sflag:$0x5] =	stream.linear.gather [hbm4b:s2+s4], $0x50, $0x38;
	[tilespmem:$0x1F5C0] =	vst v63  }
0x2e: {  	_ =	swait.ge [sflag:s17], $0x50  }
0x2f: {  	[sflag:s17] =	ssyncset.done $0x0  }
0x30: {  	s1 =	sadd.s32 s7, s1;
	[sflag:s17] =	ssyncadd.s32 $0xFFFFFFB0  }
0x31: {  	[tilespmem:s24], [sflag:$0x5] =	stream.linear.gather [hbm4b:s1+s4], $0x50, $0x38;
	[tilespmem:$0x1F5C0] =	vst v63  }
0x32: {  	_ =	swait.ge [sflag:s17], $0x50  }
0x33: {  	[sflag:s17] =	ssyncset.done $0x0  }
0x34: {  	s13 =	simm.s32 $0x191C0;
	[sflag:s17] =	ssyncadd.s32 $0xFFFFFFB0  }
0x35: {  	[tilespmem:s13], [sflag:$0x2] =	stream.indirect.gather [hbm4b:s5+s20], $0x90, s3, s20, $0xb8;
	[tilespmem:$0x1F5C0] =	vst v63  }
0x36: {  	s14 =	simm.s32 $0x1C3C0  }
0x37: {  	[tilespmem:s14], [sflag:$0x4] =	stream.indirect.gather [hbm4b:s6+s20], $0x10, s24, s20, $0xb8;
	[tilespmem:$0x1F5C0] =	vst v63  }
0x38: {  	_ =	swait.ge [sflag:s28], $0x2D00  }
0x39: {  	[sflag:s28] =	ssyncset.done $0x0  }
0x3a: {  	[sflag:s28] =	ssyncadd.s32 $0xFFFFD300  }
0x3b: {  	_ =	swait.ge [sflag:s29], $0x500  }
0x3c: {  	[sflag:s29] =	ssyncset.done $0x0  }
0x3d: {  	s15 =	simm.s32 $0x1BED0;
	[sflag:s29] =	ssyncadd.s32 $0xFFFFFB00  }
0x3e: {  	s1 =	simm.s32 $0x16550;
	v1 =	vld [tilespmem:s15+$0x0]  }
0x3f: {  	v2 =	vld [tilespmem:s1+$0x80];
	_ =	sdelay $0x4  }
0x40: {  	v1 =	vadd.f32 v2, v1;
	_ =	sdelay $0x1  }
0x41: {  	v2 =	vmul.f32 $2.000000030e-01, v1;
	_ =	sdelay $0x1  }
0x42: {  	v1 =	vmax.f32 v1, v2  }
0x43: {  	v1 =	vmul.f32 $1.442695020e+00, v1  }
0x44: {  	v2 =	vld [tilespmem:s1+$0xFFFFFFF0]  }
0x45: {  	(erf) = vpow2.f32 v1;
	v1 =	vld [tilespmem:s15+$0xFFFFFFF0];
	_ =	sdelay $0x3  }
0x46: {  	s11 =	simm.s32 $0x16670  }
0x47: {  	s16 =	simm.s32 $0x1BEF0;
	v3 =	vld [tilespmem:s11+$0x80];
	v1 =	vadd.f32 v2, v1  }
0x48: {  	v2 =	vld [tilespmem:s16+$0x0]  }
0x49: {  	v4 =	vmul.f32 $2.000000030e-01, v1;
	_ =	sdelay $0x1  }
0x4a: {  	s9 =	simm.s32 $0x1C950;
	v5 =	vld [tilespmem:s11+$0xFFFFFFF0];
	v6 =	vpop (erf);
	v1 =	vmax.f32 v1, v4  }
0x4b: {  	v4 =	vld [tilespmem:s16+$0xFFFFFFF0];
	[tilespmem:s9+$0x80] =	vst v6;
	v1 =	vmul.f32 $1.442695020e+00, v1  }
0x4c: {  	v2 =	vadd.f32 v3, v2;
	v7 =	vld [tilespmem:s1+$0x0]  }
0x4d: {  	(erf) = vpow2.f32 v1  }
0x4e: {  	v1 =	vmul.f32 $2.000000030e-01, v2  }
0x4f: {  	v8 =	vperm.xlane v6, v0  }
0x50: {  	v3 =	vadd.f32 v5, v4;
	v1 =	vmax.f32 v2, v1  }
0x51: {  	v1 =	vmul.f32 $1.442695020e+00, v1;
	v4 =	vmul.f32 v8, v7  }
0x52: {  	v2 =	vmul.f32 $2.000000030e-01, v3  }
0x53: {  	(erf) = vpow2.f32 v1;
	[tilespmem:s9+$0x0] =	vst v4  }
0x54: {  	v4 =	vld [tilespmem:s1+$0x10]  }
0x55: {  	v1 =	vmax.f32 v3, v2  }
0x56: {  	s15 =	simm.s32 $0x16790;
	v1 =	vmul.f32 $1.442695020e+00, v1;
	v2 =	vpop (erf)  }
0x57: {  	v5 =	vld [tilespmem:s15+$0x80];
	[tilespmem:s9+$0xFFFFFFF0] =	vst v2  }
0x58: {  	s21 =	simm.s32 $0x1BF10;
	(erf) = vpow2.f32 v1;
	v1 =	vld [tilespmem:s1+$0xFFFFFF70]  }
0x59: {  	v3 =	vmul.f32 v4, v8;
	v4 =	vld [tilespmem:s21+$0x0];
	_ =	sdelay $0x1  }
0x5a: {  	v10 =	vld [tilespmem:s21+$0xFFFFFFF0];
	v2 =	vperm.xlane v2, v0;
	[tilespmem:s9+$0x10] =	vst v3  }
0x5b: {  	s14 =	simm.s32 $0x1CA70;
	v7 =	vpop (erf);
	v3 =	vld [tilespmem:s1+$0x20]  }
0x5c: {  	v6 =	vld [tilespmem:s15+$0xFFFFFFF0];
	[tilespmem:s14+$0x80] =	vst v7;
	v1 =	vmul.f32 v2, v1  }
0x5d: {  	v11 =	vld [tilespmem:s11+$0x0];
	v4 =	vadd.f32 v5, v4;
	_ =	sdelay $0x1  }
0x5e: {  	v9 =	vperm.xlane v7, v0;
	[tilespmem:s9+$0xFFFFFF70] =	vst v1;
	v7 =	vmul.f32 $2.000000030e-01, v4  }
0x5f: {  	v5 =	vld [tilespmem:s1+$0xFFFFFF80];
	v1 =	vpop (erf);
	v3 =	vmul.f32 v3, v8  }
0x60: {  	[tilespmem:s14+$0xFFFFFFF0] =	vst v1;
	v4 =	vmax.f32 v4, v7  }
0x61: {  	v12 =	vld [tilespmem:s11+$0xFFFFFF70];
	[tilespmem:s9+$0x20] =	vst v3;
	v3 =	vadd.f32 v6, v10;
	v6 =	vmul.f32 v9, v11;
	v4 =	vmul.f32 $1.442695020e+00, v4  }
0x62: {  	v10 =	vld [tilespmem:s1+$0x30]  }
0x63: {  	[tilespmem:s14+$0x0] =	vst v6;
	(erf) = vpow2.f32 v4  }
0x64: {  	v1 =	vperm.xlane v1, v0;
	v5 =	vmul.f32 v5, v2;
	v6 =	vld [tilespmem:s11+$0x10]  }
0x65: {  	v7 =	vmul.f32 $2.000000030e-01, v3  }
0x66: {  	[tilespmem:s9+$0xFFFFFF80] =	vst v5;
	v4 =	vmul.f32 v1, v12  }
0x67: {  	s22 =	simm.s32 $0x1BF30;
	v3 =	vmax.f32 v3, v7;
	v7 =	vld [tilespmem:s1+$0xFFFFFF90];
	v5 =	vmul.f32 v10, v8  }
0x68: {  	s2 =	simm.s32 $0x168B0;
	v13 =	vld [tilespmem:s22+$0xFFFFFFF0];
	v3 =	vmul.f32 $1.442695020e+00, v3;
	[tilespmem:s14+$0xFFFFFF70] =	vst v4  }
0x69: {  	v10 =	vld [tilespmem:s2+$0x80];
	[tilespmem:s9+$0x30] =	vst v5;
	v4 =	vmul.f32 v6, v9  }
0x6a: {  	(erf) = vpow2.f32 v3;
	v5 =	vld [tilespmem:s1+$0x40]  }
0x6b: {  	v6 =	vld [tilespmem:s22+$0x0];
	[tilespmem:s14+$0x10] =	vst v4  }
0x6c: {  	s16 =	simm.s32 $0x1CB90;
	v7 =	vmul.f32 v7, v2;
	v4 =	vld [tilespmem:s11+$0x20];
	v12 =	vpop (erf)  }
0x6d: {  	v11 =	vld [tilespmem:s2+$0xFFFFFFF0];
	[tilespmem:s16+$0x80] =	vst v12  }
0x6e: {  	[tilespmem:s9+$0xFFFFFF90] =	vst v7;
	v7 =	vld [tilespmem:s15+$0x0]  }
0x6f: {  	v3 =	vld [tilespmem:s11+$0xFFFFFF80];
	v5 =	vmul.f32 v5, v8;
	_ =	sdelay $0x1  }
0x70: {  	v14 =	vld [tilespmem:s1+$0xFFFFFFA0];
	v6 =	vadd.f32 v10, v6;
	v10 =	vperm.xlane v12, v0;
	[tilespmem:s9+$0x40] =	vst v5;
	v4 =	vmul.f32 v4, v9  }
0x71: {  	v5 =	vld [tilespmem:s1+$0x50]  }
0x72: {  	v15 =	vpop (erf);
	[tilespmem:s14+$0x20] =	vst v4;
	v4 =	vadd.f32 v11, v13;
	v11 =	vmul.f32 $2.000000030e-01, v6;
	v7 =	vmul.f32 v10, v7  }
0x73: {  	v12 =	vmul.f32 v3, v1;
	[tilespmem:s16+$0xFFFFFFF0] =	vst v15;
	v13 =	vld [tilespmem:s11+$0x30]  }
0x74: {  	v3 =	vperm.xlane v15, v0;
	v15 =	vmul.f32 $2.000000030e-01, v4;
	v6 =	vmax.f32 v6, v11;
	[tilespmem:s16+$0x0] =	vst v7  }
0x75: {  	[tilespmem:s14+$0xFFFFFF80] =	vst v12;
	v11 =	vmul.f32 v14, v2;
	v6 =	vmul.f32 $1.442695020e+00, v6;
	v12 =	vld [tilespmem:s15+$0x10]  }
0x76: {  	v16 =	vld [tilespmem:s15+$0xFFFFFF70];
	v5 =	vmul.f32 v5, v8;
	v4 =	vmax.f32 v4, v15  }
0x77: {  	s26 =	simm.s32 $0x169D0;
	[tilespmem:s9+$0xFFFFFFA0] =	vst v11;
	v11 =	vld [tilespmem:s11+$0xFFFFFF90];
	v4 =	vmul.f32 $1.442695020e+00, v4;
	(erf) = vpow2.f32 v6  }
0x78: {  	v14 =	vld [tilespmem:s26+$0x80];
	[tilespmem:s9+$0x50] =	vst v5;
	v5 =	vmul.f32 v13, v9  }
0x79: {  	v15 =	vld [tilespmem:s26+$0xFFFFFFF0];
	(erf) = vpow2.f32 v4  }
0x7a: {  	v6 =	vld [tilespmem:s1+$0xFFFFFFB0];
	[tilespmem:s14+$0x30] =	vst v5;
	v5 =	vmul.f32 v12, v10  }
0x7b: {  	s23 =	simm.s32 $0x1BF50;
	v12 =	vld [tilespmem:s11+$0x40]  }
0x7c: {  	v7 =	vmul.f32 v3, v16;
	v13 =	vld [tilespmem:s23+$0x0];
	[tilespmem:s16+$0x10] =	vst v5;
	v5 =	vmul.f32 v11, v1  }
0x7d: {  	v11 =	vld [tilespmem:s15+$0x20]  }
0x7e: {  	v16 =	vld [tilespmem:s23+$0xFFFFFFF0];
	[tilespmem:s16+$0xFFFFFF70] =	vst v7  }
0x7f: {  	v4 =	vld [tilespmem:s15+$0xFFFFFF80]  }
0x80: {  	s25 =	simm.s32 $0x1CCB0;
	v7 =	vld [tilespmem:s1+$0x60];
	[tilespmem:s14+$0xFFFFFF90] =	vst v5;
	v5 =	vpop (erf);
	v12 =	vmul.f32 v12, v9  }
0x81: {  	v17 =	vld [tilespmem:s11+$0xFFFFFFA0];
	[tilespmem:s25+$0x80] =	vst v5  }
0x82: {  	v13 =	vadd.f32 v14, v13;
	v18 =	vld [tilespmem:s2+$0x0];
	v19 =	vpop (erf);
	[tilespmem:s14+$0x40] =	vst v12;
	v11 =	vmul.f32 v11, v10  }
0x83: {  	[tilespmem:s25+$0xFFFFFFF0] =	vst v19  }
0x84: {  	v4 =	vmul.f32 v4, v3;
	v12 =	vld [tilespmem:s11+$0x50];
	[tilespmem:s16+$0x20] =	vst v11;
	v11 =	vadd.f32 v15, v16;
	v15 =	vmul.f32 $2.000000030e-01, v13  }
0x85: {  	v7 =	vmul.f32 v7, v8;
	v5 =	vperm.xlane v5, v0;
	v14 =	vld [tilespmem:s2+$0xFFFFFF70]  }
0x86: {  	v6 =	vmul.f32 v6, v2;
	[tilespmem:s16+$0xFFFFFF80] =	vst v4;
	v16 =	vmul.f32 v17, v1;
	v17 =	vld [tilespmem:s15+$0x30];
	v13 =	vmax.f32 v13, v15  }
0x87: {  	s18 =	smov.u32 s30;
	s30 =	simm.s32 $0x1BF70;
	[tilespmem:s9+$0x60] =	vst v7;
	v7 =	vld [tilespmem:s15+$0xFFFFFF90];
	v18 =	vmul.f32 v5, v18;
	v13 =	vmul.f32 $1.442695020e+00, v13  }
0x88: {  	v21 =	vld [tilespmem:s30+$0xFFFFFFF0];
	[tilespmem:s9+$0xFFFFFFB0] =	vst v6;
	v4 =	vperm.xlane v19, v0;
	v19 =	vmul.f32 $2.000000030e-01, v11  }
0x89: {  	v15 =	vld [tilespmem:s1+$0x70];
	v12 =	vmul.f32 v12, v9;
	[tilespmem:s25+$0x0] =	vst v18;
	(erf) = vpow2.f32 v13  }
0x8a: {  	[tilespmem:s14+$0xFFFFFFA0] =	vst v16;
	v11 =	vmax.f32 v11, v19;
	v14 =	vmul.f32 v4, v14;
	v6 =	vld [tilespmem:s2+$0x10]  }
0x8b: {  	s22 =	simm.s32 $0x16AF0;
	v16 =	vld [tilespmem:s11+$0xFFFFFFB0];
	v11 =	vmul.f32 $1.442695020e+00, v11;
	[tilespmem:s14+$0x50] =	vst v12;
	v12 =	vmul.f32 v17, v10  }
0x8c: {  	v7 =	vmul.f32 v7, v3;
	v18 =	vld [tilespmem:s22+$0x80];
	[tilespmem:s25+$0xFFFFFF70] =	vst v14  }
0x8d: {  	(erf) = vpow2.f32 v11;
	v11 =	vld [tilespmem:s2+$0xFFFFFF80];
	[tilespmem:s16+$0x30] =	vst v12  }
0x8e: {  	[tilespmem:s16+$0xFFFFFF90] =	vst v7;
	v7 =	vld [tilespmem:s15+$0x40]  }
0x8f: {  	v12 =	vld [tilespmem:s15+$0xFFFFFFA0];
	v6 =	vmul.f32 v6, v5  }
0x90: {  	v17 =	vld [tilespmem:s30+$0x0];
	v16 =	vmul.f32 v16, v1  }
0x91: {  	v14 =	vld [tilespmem:s11+$0x60];
	[tilespmem:s25+$0x10] =	vst v6  }
0x92: {  	s21 =	simm.s32 $0x1CDD0;
	[tilespmem:s14+$0xFFFFFFB0] =	vst v16;
	v11 =	vmul.f32 v11, v4;
	v6 =	vld [tilespmem:s2+$0x20];
	v20 =	vpop (erf)  }
0x93: {  	v19 =	vld [tilespmem:s22+$0xFFFFFFF0];
	v7 =	vmul.f32 v7, v10;
	[tilespmem:s21+$0x80] =	vst v20  }
0x94: {  	v13 =	vld [tilespmem:s1+$0xFFFFFFC0];
	v12 =	vmul.f32 v12, v3;
	[tilespmem:s25+$0xFFFFFF80] =	vst v11  }
0x95: {  	v22 =	vld [tilespmem:s26+$0x0];
	[tilespmem:s16+$0x40] =	vst v7  }
0x96: {  	[tilespmem:s16+$0xFFFFFFA0] =	vst v12;
	v23 =	vpop (erf);
	v7 =	vmul.f32 v14, v9;
	v14 =	vld [tilespmem:s15+$0x50]  }
0x97: {  	v11 =	vadd.f32 v18, v17;
	v18 =	vld [tilespmem:s2+$0xFFFFFF90];
	[tilespmem:s21+$0xFFFFFFF0] =	vst v23;
	v6 =	vmul.f32 v6, v5  }
0x98: {  	v19 =	vadd.f32 v19, v21;
	v17 =	vld [tilespmem:s26+$0xFFFFFF70];
	[tilespmem:s14+$0x60] =	vst v7;
	v7 =	vperm.xlane v20, v0  }
0x99: {  	v13 =	vmul.f32 v13, v2;
	v16 =	vld [tilespmem:s15+$0xFFFFFFB0];
	v55 =	vmul.f32 $2.000000030e-01, v11;
	[tilespmem:s25+$0x20] =	vst v6  }
0x9a: {  	v57 =	vmul.f32 $2.000000030e-01, v19;
	v12 =	vmul.f32 v7, v22;
	v56 =	vld [tilespmem:s2+$0x30]  }
0x9b: {  	[tilespmem:s9+$0xFFFFFFC0] =	vst v13;
	v20 =	vld [tilespmem:s11+$0x70];
	v11 =	vmax.f32 v11, v55;
	v6 =	vperm.xlane v23, v0;
	v14 =	vmul.f32 v14, v10  }
0x9c: {  	v11 =	vmul.f32 $1.442695020e+00, v11;
	v18 =	vmul.f32 v18, v4;
	[tilespmem:s21+$0x0] =	vst v12;
	v12 =	vld [tilespmem:s11+$0xFFFFFFC0]  }
0x9d: {  	v19 =	vmax.f32 v19, v57;
	v17 =	vmul.f32 v6, v17;
	v58 =	vld [tilespmem:s26+$0x10];
	[tilespmem:s16+$0x50] =	vst v14  }
0x9e: {  	s13 =	simm.s32 $0x1BF90;
	v13 =	vmul.f32 $1.442695020e+00, v19;
	(erf) = vpow2.f32 v11;
	[tilespmem:s25+$0xFFFFFF90] =	vst v18;
	v11 =	vld [tilespmem:s15+$0x60]  }
0x9f: {  	v18 =	vld [tilespmem:s13+$0x0];
	[tilespmem:s21+$0xFFFFFF70] =	vst v17;
	v17 =	vmul.f32 v56, v5  }
0xa0: {  	v8 =	vmul.f32 v15, v8;
	(erf) = vpow2.f32 v13;
	v14 =	vld [tilespmem:s1+$0xFFFFFFD0]  }
0xa1: {  	v13 =	vld [tilespmem:s2+$0xFFFFFFA0];
	v9 =	vmul.f32 v20, v9;
	[tilespmem:s25+$0x30] =	vst v17  }
0xa2: {  	[tilespmem:s9+$0x70] =	vst v8;
	v15 =	vmul.f32 v58, v7;
	v17 =	vld [tilespmem:s2+$0x40]  }
0xa3: {  	s3 =	simm.s32 $0x16C10;
	v19 =	vld [tilespmem:s26+$0xFFFFFF80];
	[tilespmem:s14+$0x70] =	vst v9;
	v8 =	vmul.f32 v11, v10  }
0xa4: {  	v12 =	vmul.f32 v12, v1;
	v11 =	vld [tilespmem:s3+$0x80];
	[tilespmem:s21+$0x10] =	vst v15  }
0xa5: {  	v15 =	vmul.f32 v16, v3;
	v16 =	vld [tilespmem:s26+$0x20];
	[tilespmem:s16+$0x60] =	vst v8  }
0xa6: {  	[tilespmem:s14+$0xFFFFFFC0] =	vst v12;
	v20 =	vld [tilespmem:s15+$0x70]  }
0xa7: {  	s12 =	simm.s32 $0x1CEF0;
	[tilespmem:s16+$0xFFFFFFB0] =	vst v15;
	v15 =	vld [tilespmem:s3+$0xFFFFFFF0];
	v8 =	vpop (erf);
	v9 =	vmul.f32 v17, v5  }
0xa8: {  	v17 =	vld [tilespmem:s13+$0xFFFFFFF0];
	[tilespmem:s12+$0x80] =	vst v8  }
0xa9: {  	v19 =	vmul.f32 v19, v6;
	v60 =	vpop (erf);
	v59 =	vld [tilespmem:s22+$0x0];
	[tilespmem:s25+$0x40] =	vst v9  }
0xaa: {  	v14 =	vmul.f32 v14, v2;
	[tilespmem:s12+$0xFFFFFFF0] =	vst v60;
	v9 =	vmul.f32 v13, v4;
	v13 =	vld [tilespmem:s2+$0x50]  }
0xab: {  	[tilespmem:s21+$0xFFFFFF80] =	vst v19;
	v11 =	vadd.f32 v11, v18;
	v16 =	vmul.f32 v16, v7;
	v19 =	vld [tilespmem:s22+$0xFFFFFF70]  }
0xac: {  	[tilespmem:s9+$0xFFFFFFD0] =	vst v14;
	v61 =	vld [tilespmem:s26+$0xFFFFFF90];
	v8 =	vperm.xlane v8, v0  }
0xad: {  	v63 =	vld [tilespmem:s11+$0xFFFFFFD0];
	v14 =	vmul.f32 $2.000000030e-01, v11;
	[tilespmem:s21+$0x20] =	vst v16;
	v12 =	vadd.f32 v15, v17  }
0xae: {  	[tilespmem:s25+$0xFFFFFFA0] =	vst v9;
	v9 =	vperm.xlane v60, v0;
	v17 =	vld [tilespmem:s26+$0x30];
	v15 =	vmul.f32 v8, v59  }
0xaf: {  	v11 =	vmax.f32 v11, v14;
	v16 =	vld [tilespmem:s2+$0xFFFFFFB0];
	v18 =	vmul.f32 $2.000000030e-01, v12;
	v13 =	vmul.f32 v13, v5  }
0xb0: {  	v62 =	vld [tilespmem:s15+$0xFFFFFFC0];
	v11 =	vmul.f32 $1.442695020e+00, v11;
	v19 =	vmul.f32 v9, v19;
	[tilespmem:s12+$0x0] =	vst v15  }
0xb1: {  	v10 =	vmul.f32 v20, v10;
	v24 =	vld [tilespmem:s22+$0x10];
	v12 =	vmax.f32 v12, v18;
	[tilespmem:s25+$0x50] =	vst v13;
	v13 =	vmul.f32 v61, v6  }
0xb2: {  	(erf) = vpow2.f32 v11;
	[tilespmem:s12+$0xFFFFFF70] =	vst v19;
	v12 =	vmul.f32 $1.442695020e+00, v12;
	v14 =	vld [tilespmem:s2+$0x60]  }
0xb3: {  	v18 =	vld [tilespmem:s22+$0xFFFFFF80];
	[tilespmem:s21+$0xFFFFFF90] =	vst v13;
	v13 =	vmul.f32 v17, v7  }
0xb4: {  	[tilespmem:s16+$0x70] =	vst v10;
	v10 =	vmul.f32 v16, v4;
	(erf) = vpow2.f32 v12;
	v15 =	vld [tilespmem:s26+$0xFFFFFFA0]  }
0xb5: {  	v17 =	vmul.f32 v62, v3;
	[tilespmem:s21+$0x30] =	vst v13;
	v13 =	vld [tilespmem:s1+$0xFFFFFFE0]  }
0xb6: {  	s23 =	simm.s32 $0x1BFB0;
	s13 =	simm.s32 $0xC;
	v12 =	vmul.f32 v63, v1;
	[tilespmem:s25+$0xFFFFFFB0] =	vst v10;
	v19 =	vmul.f32 v24, v8;
	s1 =	simm.s32 $0x1CEF0;
	v16 =	vld [tilespmem:s26+$0x40]  }
.LBB2_3:
0xb7: {  	v10 =	vld [tilespmem:s23+$0x0];
	v11 =	vmul.f32 v14, v5;
	[tilespmem:s16+$0xFFFFFFC0] =	vst v17;
	s30 =	smov.u32 s3;
	s3 =	sadd.s32 $0x120, s3  }
0xb8: {  	v14 =	vld [tilespmem:s3+$0x80];
	v17 =	vmul.f32 v18, v9;
	[tilespmem:s12+$0x10] =	vst v19  }
0xb9: {  	v18 =	vld [tilespmem:s22+$0x20];
	v15 =	vmul.f32 v15, v6;
	[tilespmem:s25+$0x60] =	vst v11  }
0xba: {  	[tilespmem:s12+$0xFFFFFF80] =	vst v17;
	v11 =	vld [tilespmem:s2+$0x70];
	v13 =	vmul.f32 v13, v2;
	v2 =	vmovc v1;
	v1 =	vmovc v3;
	v3 =	vmov v4;
	v4 =	vmov v6  }
0xbb: {  	s13 =	sadd.s32 $0x2, s13;
	s12 =	sadd.s32 $0x120, s12;
	v6 =	vmov v9;
	v17 =	vld [tilespmem:s3+$0xFFFFFFF0];
	v19 =	vpop (erf);
	[tilespmem:s21+$0xFFFFFFA0] =	vst v15;
	v15 =	vmul.f32 v16, v7  }
0xbc: {  	p0 =	slt.u32 s13, $0x4E;
	v16 =	vld [tilespmem:s23+$0xFFFFFFF0];
	[tilespmem:s12+$0x80] =	vst v19  }
0xbd: {  	v20 =	vld [tilespmem:s30+$0x0];
	v9 =	vpop (erf);
	[tilespmem:s21+$0x40] =	vst v15  }
0xbe: {  	[tilespmem:s12+$0xFFFFFFF0] =	vst v9;
	v9 =	vperm.xlane v9, v0;
	v15 =	vmul.f32 v18, v8;
	v18 =	vld [tilespmem:s26+$0x50]  }
0xbf: {  	v10 =	vadd.f32 v14, v10;
	v14 =	vld [tilespmem:s30+$0xFFFFFF70];
	v11 =	vmul.f32 v11, v5;
	[tilespmem:s14+$0xFFFFFFD0] =	vst v12;
	v5 =	vmovc v7;
	v7 =	vmov v8  }
0xc0: {  	v8 =	vperm.xlane v19, v0;
	v12 =	vld [tilespmem:s22+$0xFFFFFF90];
	[tilespmem:s1+$0x20] =	vst v15  }
0xc1: {  	v15 =	vadd.f32 v17, v16;
	v16 =	vmul.f32 $2.000000030e-01, v10;
	v17 =	vld [tilespmem:s26+$0xFFFFFFB0];
	[tilespmem:s25+$0x70] =	vst v11  }
0xc2: {  	v11 =	vmul.f32 v8, v20;
	v19 =	vld [tilespmem:s22+$0x30];
	[tilespmem:s9+$0xFFFFFFE0] =	vst v13;
	s9 =	smov.u32 s14;
	s14 =	smov.u32 s16;
	s16 =	smov.u32 s25  }
0xc3: {  	s25 =	smov.u32 s21;
	s21 =	smov.u32 s1;
	s1 =	smov.u32 s12;
	v13 =	vmul.f32 $2.000000030e-01, v15;
	v10 =	vmax.f32 v10, v16;
	v16 =	vmul.f32 v18, v5;
	v20 =	vld [tilespmem:s2+$0xFFFFFFC0]  }
0xc4: {  	v10 =	vmul.f32 $1.442695020e+00, v10;
	v14 =	vmul.f32 v9, v14;
	[tilespmem:s12+$0x0] =	vst v11;
	v11 =	vld [tilespmem:s15+$0xFFFFFFD0]  }
0xc5: {  	v13 =	vmax.f32 v15, v13;
	v21 =	vld [tilespmem:s30+$0x10];
	v12 =	vmul.f32 v12, v6;
	[tilespmem:s25+$0x50] =	vst v16  }
.Ltmp0:
0xc6: {  	v13 =	vmul.f32 $1.442695020e+00, v13;
	(erf) = vpow2.f32 v10;
	[tilespmem:s12+$0xFFFFFF70] =	vst v14;
	v14 =	vld [tilespmem:s26+$0x60];
	(pc) =	sbr.rel @p0 .LBB2_3-.Ltmp0, $4  }
0xc7: {  	v22 =	vmul.f32 v17, v4;
	v18 =	vld [tilespmem:s30+$0xFFFFFF80];
	[tilespmem:s21+$0xFFFFFF90] =	vst v12;
	v10 =	vmul.f32 v19, v7  }
0xc8: {  	(erf) = vpow2.f32 v13;
	v15 =	vld [tilespmem:s22+$0xFFFFFFA0];
	v17 =	vmul.f32 v20, v3  }
0xc9: {  	[tilespmem:s21+$0x30] =	vst v10;
	v12 =	vmul.f32 v11, v1;
	v13 =	vld [tilespmem:s11+$0xFFFFFFE0];
	s11 =	smov.u32 s15;
	s15 =	smov.u32 s2;
	s2 =	smov.u32 s26  }
0xca: {  	s23 =	sadd.s32 $0x20, s23;
	s26 =	smov.u32 s22;
	v19 =	vmul.f32 v21, v8;
	v16 =	vld [tilespmem:s22+$0x40];
	[tilespmem:s25+$0xFFFFFFB0] =	vst v22;
	s22 =	smov.u32 s30  }
0xcb: {  	_ =	sdelay $0x3  }
0xcc: {  	s13 =	sadd.s32 $0x120, s12;
	v10 =	vpop (erf)  }
0xcd: {  	[tilespmem:s13+$0x80] =	vst v10  }
0xce: {  	v20 =	vld [tilespmem:s3+$0x0];
	_ =	sdelay $0x1  }
0xcf: {  	v21 =	vpop (erf)  }
0xd0: {  	v11 =	vperm.xlane v10, v0;
	[tilespmem:s13+$0xFFFFFFF0] =	vst v21  }
0xd1: {  	v22 =	vld [tilespmem:s3+$0xFFFFFF70]  }
0xd2: {  	v20 =	vmul.f32 v11, v20;
	_ =	sdelay $0x1  }
0xd3: {  	v10 =	vperm.xlane v21, v0;
	[tilespmem:s13+$0x0] =	vst v20  }
0xd4: {  	v20 =	vld [tilespmem:s3+$0x10]  }
0xd5: {  	v21 =	vmul.f32 v10, v22;
	_ =	sdelay $0x1  }
0xd6: {  	[tilespmem:s13+$0xFFFFFF70] =	vst v21  }
0xd7: {  	v21 =	vld [tilespmem:s3+$0xFFFFFF80]  }
0xd8: {  	[tilespmem:s12+$0x10] =	vst v19;
	v19 =	vmul.f32 v20, v11  }
0xd9: {  	v20 =	vld [tilespmem:s22+$0x20]  }
0xda: {  	[tilespmem:s13+$0x10] =	vst v19  }
0xdb: {  	v18 =	vmul.f32 v18, v9;
	v19 =	vld [tilespmem:s3+$0x20]  }
0xdc: {  	v21 =	vmul.f32 v21, v10  }
0xdd: {  	[tilespmem:s12+$0xFFFFFF80] =	vst v18  }
0xde: {  	[tilespmem:s13+$0xFFFFFF80] =	vst v21;
	v18 =	vmul.f32 v20, v8;
	v20 =	vld [tilespmem:s22+$0xFFFFFF90]  }
0xdf: {  	v21 =	vld [tilespmem:s3+$0xFFFFFF90]  }
0xe0: {  	[tilespmem:s1+$0x20] =	vst v18;
	v18 =	vmul.f32 v19, v11  }
0xe1: {  	v19 =	vld [tilespmem:s22+$0x30]  }
0xe2: {  	[tilespmem:s13+$0x20] =	vst v18  }
0xe3: {  	v18 =	vmul.f32 v20, v9;
	v20 =	vld [tilespmem:s3+$0x30]  }
0xe4: {  	v21 =	vmul.f32 v21, v10  }
0xe5: {  	[tilespmem:s1+$0xFFFFFF90] =	vst v18  }
0xe6: {  	[tilespmem:s13+$0xFFFFFF90] =	vst v21;
	v18 =	vmul.f32 v19, v8;
	v19 =	vld [tilespmem:s22+$0xFFFFFFA0]  }
0xe7: {  	[tilespmem:s16+$0xFFFFFFC0] =	vst v17;
	v16 =	vmul.f32 v16, v7;
	v17 =	vld [tilespmem:s3+$0xFFFFFFA0]  }
0xe8: {  	[tilespmem:s1+$0x30] =	vst v18;
	v18 =	vmul.f32 v20, v11  }
0xe9: {  	v14 =	vmul.f32 v14, v5;
	[tilespmem:s21+$0x40] =	vst v16;
	v16 =	vld [tilespmem:s22+$0x40]  }
0xea: {  	v15 =	vmul.f32 v15, v6;
	v20 =	vld [tilespmem:s26+$0x50];
	[tilespmem:s13+$0x30] =	vst v18  }
0xeb: {  	[tilespmem:s25+$0x60] =	vst v14;
	v14 =	vmul.f32 v19, v9;
	v18 =	vld [tilespmem:s3+$0x40]  }
0xec: {  	[tilespmem:s21+$0xFFFFFFA0] =	vst v15;
	v19 =	vld [tilespmem:s2+$0x70];
	v15 =	vmul.f32 v17, v10  }
0xed: {  	v17 =	vld [tilespmem:s26+$0xFFFFFFB0];
	[tilespmem:s1+$0xFFFFFFA0] =	vst v14  }
0xee: {  	[tilespmem:s13+$0xFFFFFFA0] =	vst v15;
	v14 =	vmul.f32 v16, v8;
	v16 =	vld [tilespmem:s22+$0xFFFFFFB0]  }
0xef: {  	[tilespmem:s14+$0xFFFFFFD0] =	vst v12;
	v12 =	vmul.f32 v20, v7;
	v15 =	vld [tilespmem:s3+$0xFFFFFFB0]  }
0xf0: {  	[tilespmem:s1+$0x40] =	vst v14;
	v14 =	vmul.f32 v18, v11  }
0xf1: {  	v5 =	vmul.f32 v19, v5;
	[tilespmem:s21+$0x50] =	vst v12;
	v12 =	vld [tilespmem:s22+$0x50]  }
0xf2: {  	v17 =	vmul.f32 v17, v6;
	v18 =	vld [tilespmem:s26+$0x60];
	[tilespmem:s13+$0x40] =	vst v14  }
0xf3: {  	[tilespmem:s25+$0x70] =	vst v5;
	v5 =	vmul.f32 v16, v9;
	v14 =	vld [tilespmem:s3+$0x50]  }
0xf4: {  	[tilespmem:s21+$0xFFFFFFB0] =	vst v17;
	v16 =	vld [tilespmem:s2+$0xFFFFFFC0];
	v15 =	vmul.f32 v15, v10  }
0xf5: {  	v2 =	vmul.f32 v13, v2;
	v13 =	vld [tilespmem:s26+$0xFFFFFFC0];
	[tilespmem:s1+$0xFFFFFFB0] =	vst v5  }
0xf6: {  	[tilespmem:s13+$0xFFFFFFB0] =	vst v15;
	v5 =	vmul.f32 v12, v8;
	v12 =	vld [tilespmem:s22+$0xFFFFFFC0]  }
0xf7: {  	[tilespmem:s9+$0xFFFFFFE0] =	vst v2;
	v2 =	vmul.f32 v18, v7;
	v15 =	vld [tilespmem:s3+$0xFFFFFFC0]  }
0xf8: {  	v17 =	vld [tilespmem:s15+$0xFFFFFFD0];
	[tilespmem:s1+$0x50] =	vst v5;
	v5 =	vmul.f32 v14, v11  }
0xf9: {  	[tilespmem:s21+$0x60] =	vst v2;
	v14 =	vmul.f32 v16, v4;
	v2 =	vld [tilespmem:s22+$0x60]  }
0xfa: {  	v13 =	vmul.f32 v13, v6;
	v16 =	vld [tilespmem:s26+$0x70];
	[tilespmem:s13+$0x50] =	vst v5  }
0xfb: {  	[tilespmem:s25+$0xFFFFFFC0] =	vst v14;
	v12 =	vmul.f32 v12, v9;
	v5 =	vld [tilespmem:s3+$0x60]  }
0xfc: {  	[tilespmem:s21+$0xFFFFFFC0] =	vst v13;
	v13 =	vmul.f32 v15, v10;
	v14 =	vld [tilespmem:s2+$0xFFFFFFD0]  }
0xfd: {  	v15 =	vmul.f32 v17, v3;
	v17 =	vld [tilespmem:s26+$0xFFFFFFD0];
	[tilespmem:s1+$0xFFFFFFC0] =	vst v12  }
0xfe: {  	[tilespmem:s13+$0xFFFFFFC0] =	vst v13;
	v2 =	vmul.f32 v2, v8;
	v12 =	vld [tilespmem:s22+$0xFFFFFFD0]  }
0xff: {  	[tilespmem:s16+$0xFFFFFFD0] =	vst v15;
	v7 =	vmul.f32 v16, v7;
	v13 =	vld [tilespmem:s3+$0xFFFFFFD0]  }
0x100: {  	v15 =	vld [tilespmem:s11+$0xFFFFFFE0];
	[tilespmem:s1+$0x60] =	vst v2;
	v2 =	vmul.f32 v5, v11  }
0x101: {  	[tilespmem:s21+$0x70] =	vst v7;
	v5 =	vmul.f32 v14, v4;
	v7 =	vld [tilespmem:s22+$0x70]  }
0x102: {  	v16 =	vmul.f32 v17, v6;
	v14 =	vld [tilespmem:s15+$0xFFFFFFE0];
	[tilespmem:s13+$0x60] =	vst v2  }
0x103: {  	[tilespmem:s25+$0xFFFFFFD0] =	vst v5;
	v5 =	vmul.f32 v12, v9;
	v2 =	vld [tilespmem:s3+$0x70]  }
0x104: {  	[tilespmem:s21+$0xFFFFFFD0] =	vst v16;
	v13 =	vmul.f32 v13, v10;
	v12 =	vld [tilespmem:s2+$0xFFFFFFE0]  }
0x105: {  	v1 =	vmul.f32 v15, v1;
	v15 =	vld [tilespmem:s26+$0xFFFFFFE0];
	[tilespmem:s1+$0xFFFFFFD0] =	vst v5  }
0x106: {  	[tilespmem:s13+$0xFFFFFFD0] =	vst v13;
	v5 =	vmul.f32 v7, v8;
	v7 =	vld [tilespmem:s22+$0xFFFFFFE0]  }
0x107: {  	[tilespmem:s14+$0xFFFFFFE0] =	vst v1;
	v1 =	vmul.f32 v14, v3;
	v3 =	vld [tilespmem:s3+$0xFFFFFFE0]  }
0x108: {  	[tilespmem:s1+$0x70] =	vst v5;
	v2 =	vmul.f32 v2, v11  }
0x109: {  	[tilespmem:s16+$0xFFFFFFE0] =	vst v1;
	v1 =	vmul.f32 v12, v4  }
0x10a: {  	[tilespmem:s13+$0x70] =	vst v2;
	v2 =	vmul.f32 v15, v6  }
0x10b: {  	[tilespmem:s25+$0xFFFFFFE0] =	vst v1;
	v1 =	vmul.f32 v7, v9  }
0x10c: {  	[tilespmem:s21+$0xFFFFFFE0] =	vst v2;
	v2 =	vmul.f32 v3, v10  }
0x10d: {  	[tilespmem:s1+$0xFFFFFFE0] =	vst v1  }
0x10e: {  	s2 =	rddreg [dreg:$0x2];
	s3 =	simm.s32 $0x1C8C0;
	[tilespmem:s13+$0xFFFFFFE0] =	vst v2  }
0x10f: {  	[spmem:s2] =	stream.indirect.scatter.add.f32 [tilespmem:s3], [sflag:$0x5], $0x90, s19, s20, $0xb8;
	[tilespmem:$0x1F5C0] =	vst v63  }
0x110: {  	_ =	swait.ge [sflag:s17], $0x2D00  }
0x111: {  	s9 =	rddreg [dreg:$0x9]  }
0x112: {  	s1 =	sadd.s32 s10, s9  }
0x113: {  	[sflag:s17] =	ssyncset.done $0x0;
	s1 =	sshrl.u32 s1, $0x3  }
0x114: {  	s12 =	simm.s32 $0x16380;
	[sflag:s17] =	ssyncadd.s32 $0xFFFFD300;
	s11 =	sadd.s32 s18, s1  }
0x115: {  	[tilespmem:s12], [sflag:$0x5] =	stream.linear.gather [hbm4b:s11+s4], $0x50, $0x38;
	[tilespmem:$0x1F5C0] =	vst v63  }
0x116: {  	_ =	swait.ge [sflag:s17], $0x50  }
0x117: {  	[sflag:s17] =	ssyncset.done $0x0  }
0x118: {  	s1 =	sadd.s32 s7, s1;
	[sflag:s17] =	ssyncadd.s32 $0xFFFFFFB0  }
0x119: {  	[tilespmem:s19], [sflag:$0x5] =	stream.linear.gather [hbm4b:s1+s4], $0x50, $0x38;
	[tilespmem:$0x1F5C0] =	vst v63  }
0x11a: {  	_ =	swait.ge [sflag:s17], $0x50  }
0x11b: {  	[sflag:s17] =	ssyncset.done $0x0  }
0x11c: {  	s13 =	simm.s32 $0x164C0;
	[sflag:s17] =	ssyncadd.s32 $0xFFFFFFB0  }
0x11d: {  	[tilespmem:s13], [sflag:$0x1] =	stream.indirect.gather [hbm4b:s5+s20], $0x90, s12, s20, $0xb8;
	[tilespmem:$0x1F5C0] =	vst v63  }
0x11e: {  	s14 =	simm.s32 $0x1BEC0  }
0x11f: {  	[tilespmem:s14], [sflag:$0x3] =	stream.indirect.gather [hbm4b:s6+s20], $0x10, s19, s20, $0xb8;
	[tilespmem:$0x1F5C0] =	vst v63  }
0x120: {  	_ =	swait.ge [sflag:s31], $0x2D00  }
0x121: {  	[sflag:s31] =	ssyncset.done $0x0  }
0x122: {  	[sflag:s31] =	ssyncadd.s32 $0xFFFFD300  }
0x123: {  	_ =	swait.ge [sflag:s0], $0x500  }
0x124: {  	[sflag:s0] =	ssyncset.done $0x0  }
0x125: {  	s15 =	simm.s32 $0x1C3D0;
	[sflag:s0] =	ssyncadd.s32 $0xFFFFFB00  }
0x126: {  	s1 =	simm.s32 $0x19250;
	v1 =	vld [tilespmem:s15+$0x0]  }
0x127: {  	v2 =	vld [tilespmem:s1+$0x80];
	_ =	sdelay $0x4  }
0x128: {  	v1 =	vadd.f32 v2, v1;
	_ =	sdelay $0x1  }
0x129: {  	v2 =	vmul.f32 $2.000000030e-01, v1;
	_ =	sdelay $0x1  }
0x12a: {  	v1 =	vmax.f32 v1, v2  }
0x12b: {  	v1 =	vmul.f32 $1.442695020e+00, v1  }
0x12c: {  	v2 =	vld [tilespmem:s1+$0xFFFFFFF0]  }
0x12d: {  	(erf) = vpow2.f32 v1;
	v1 =	vld [tilespmem:s15+$0xFFFFFFF0];
	_ =	sdelay $0x3  }
0x12e: {  	s10 =	simm.s32 $0x19370  }
0x12f: {  	s16 =	simm.s32 $0x1C3F0;
	v3 =	vld [tilespmem:s10+$0x80];
	v1 =	vadd.f32 v2, v1  }
0x130: {  	v2 =	vld [tilespmem:s16+$0x0]  }
0x131: {  	v4 =	vmul.f32 $2.000000030e-01, v1;
	_ =	sdelay $0x1  }
0x132: {  	s9 =	simm.s32 $0x1C950;
	v5 =	vld [tilespmem:s10+$0xFFFFFFF0];
	v6 =	vpop (erf);
	v1 =	vmax.f32 v1, v4  }
0x133: {  	v4 =	vld [tilespmem:s16+$0xFFFFFFF0];
	[tilespmem:s9+$0x80] =	vst v6;
	v1 =	vmul.f32 $1.442695020e+00, v1  }
0x134: {  	v2 =	vadd.f32 v3, v2;
	v7 =	vld [tilespmem:s1+$0x0]  }
0x135: {  	(erf) = vpow2.f32 v1  }
0x136: {  	v1 =	vmul.f32 $2.000000030e-01, v2  }
0x137: {  	v8 =	vperm.xlane v6, v0  }
0x138: {  	v3 =	vadd.f32 v5, v4;
	v1 =	vmax.f32 v2, v1  }
0x139: {  	v1 =	vmul.f32 $1.442695020e+00, v1;
	v4 =	vmul.f32 v8, v7  }
0x13a: {  	v2 =	vmul.f32 $2.000000030e-01, v3  }
0x13b: {  	(erf) = vpow2.f32 v1;
	[tilespmem:s9+$0x0] =	vst v4  }
0x13c: {  	v4 =	vld [tilespmem:s1+$0x10]  }
0x13d: {  	v1 =	vmax.f32 v3, v2  }
0x13e: {  	s14 =	simm.s32 $0x19490;
	v1 =	vmul.f32 $1.442695020e+00, v1;
	v2 =	vpop (erf)  }
0x13f: {  	v5 =	vld [tilespmem:s14+$0x80];
	[tilespmem:s9+$0xFFFFFFF0] =	vst v2  }
0x140: {  	s30 =	smov.u32 s18;
	s18 =	simm.s32 $0x1C410;
	(erf) = vpow2.f32 v1;
	v1 =	vld [tilespmem:s1+$0xFFFFFF70]  }
0x141: {  	v3 =	vmul.f32 v4, v8;
	v4 =	vld [tilespmem:s18+$0x0];
	_ =	sdelay $0x1  }
0x142: {  	v10 =	vld [tilespmem:s18+$0xFFFFFFF0];
	v2 =	vperm.xlane v2, v0;
	[tilespmem:s9+$0x10] =	vst v3  }
0x143: {  	s11 =	simm.s32 $0x1CA70;
	v7 =	vpop (erf);
	v3 =	vld [tilespmem:s1+$0x20]  }
0x144: {  	v6 =	vld [tilespmem:s14+$0xFFFFFFF0];
	[tilespmem:s11+$0x80] =	vst v7;
	v1 =	vmul.f32 v2, v1  }
0x145: {  	v11 =	vld [tilespmem:s10+$0x0];
	v4 =	vadd.f32 v5, v4;
	_ =	sdelay $0x1  }
0x146: {  	v9 =	vperm.xlane v7, v0;
	[tilespmem:s9+$0xFFFFFF70] =	vst v1;
	v7 =	vmul.f32 $2.000000030e-01, v4  }
0x147: {  	v5 =	vld [tilespmem:s1+$0xFFFFFF80];
	v1 =	vpop (erf);
	v3 =	vmul.f32 v3, v8  }
0x148: {  	[tilespmem:s11+$0xFFFFFFF0] =	vst v1;
	v4 =	vmax.f32 v4, v7  }
0x149: {  	v12 =	vld [tilespmem:s10+$0xFFFFFF70];
	[tilespmem:s9+$0x20] =	vst v3;
	v3 =	vadd.f32 v6, v10;
	v6 =	vmul.f32 v9, v11;
	v4 =	vmul.f32 $1.442695020e+00, v4  }
0x14a: {  	v10 =	vld [tilespmem:s1+$0x30]  }
0x14b: {  	[tilespmem:s11+$0x0] =	vst v6;
	(erf) = vpow2.f32 v4  }
0x14c: {  	v1 =	vperm.xlane v1, v0;
	v5 =	vmul.f32 v5, v2;
	v6 =	vld [tilespmem:s10+$0x10]  }
0x14d: {  	v7 =	vmul.f32 $2.000000030e-01, v3  }
0x14e: {  	[tilespmem:s9+$0xFFFFFF80] =	vst v5;
	v4 =	vmul.f32 v1, v12  }
0x14f: {  	s21 =	simm.s32 $0x1C430;
	v3 =	vmax.f32 v3, v7;
	v7 =	vld [tilespmem:s1+$0xFFFFFF90];
	v5 =	vmul.f32 v10, v8  }
0x150: {  	s2 =	simm.s32 $0x195B0;
	v13 =	vld [tilespmem:s21+$0xFFFFFFF0];
	v3 =	vmul.f32 $1.442695020e+00, v3;
	[tilespmem:s11+$0xFFFFFF70] =	vst v4  }
0x151: {  	v10 =	vld [tilespmem:s2+$0x80];
	[tilespmem:s9+$0x30] =	vst v5;
	v4 =	vmul.f32 v6, v9  }
0x152: {  	(erf) = vpow2.f32 v3;
	v5 =	vld [tilespmem:s1+$0x40]  }
0x153: {  	v6 =	vld [tilespmem:s21+$0x0];
	[tilespmem:s11+$0x10] =	vst v4  }
0x154: {  	s15 =	simm.s32 $0x1CB90;
	v7 =	vmul.f32 v7, v2;
	v4 =	vld [tilespmem:s10+$0x20];
	v12 =	vpop (erf)  }
0x155: {  	v11 =	vld [tilespmem:s2+$0xFFFFFFF0];
	[tilespmem:s15+$0x80] =	vst v12  }
0x156: {  	[tilespmem:s9+$0xFFFFFF90] =	vst v7;
	v7 =	vld [tilespmem:s14+$0x0]  }
0x157: {  	v3 =	vld [tilespmem:s10+$0xFFFFFF80];
	v5 =	vmul.f32 v5, v8;
	_ =	sdelay $0x1  }
0x158: {  	v14 =	vld [tilespmem:s1+$0xFFFFFFA0];
	v6 =	vadd.f32 v10, v6;
	v10 =	vperm.xlane v12, v0;
	[tilespmem:s9+$0x40] =	vst v5;
	v4 =	vmul.f32 v4, v9  }
0x159: {  	v5 =	vld [tilespmem:s1+$0x50]  }
0x15a: {  	v15 =	vpop (erf);
	[tilespmem:s11+$0x20] =	vst v4;
	v4 =	vadd.f32 v11, v13;
	v11 =	vmul.f32 $2.000000030e-01, v6;
	v7 =	vmul.f32 v10, v7  }
0x15b: {  	v12 =	vmul.f32 v3, v1;
	[tilespmem:s15+$0xFFFFFFF0] =	vst v15;
	v13 =	vld [tilespmem:s10+$0x30]  }
0x15c: {  	v3 =	vperm.xlane v15, v0;
	v15 =	vmul.f32 $2.000000030e-01, v4;
	v6 =	vmax.f32 v6, v11;
	[tilespmem:s15+$0x0] =	vst v7  }
0x15d: {  	[tilespmem:s11+$0xFFFFFF80] =	vst v12;
	v11 =	vmul.f32 v14, v2;
	v6 =	vmul.f32 $1.442695020e+00, v6;
	v12 =	vld [tilespmem:s14+$0x10]  }
0x15e: {  	v16 =	vld [tilespmem:s14+$0xFFFFFF70];
	v5 =	vmul.f32 v5, v8;
	v4 =	vmax.f32 v4, v15  }
0x15f: {  	s25 =	simm.s32 $0x196D0;
	[tilespmem:s9+$0xFFFFFFA0] =	vst v11;
	v11 =	vld [tilespmem:s10+$0xFFFFFF90];
	v4 =	vmul.f32 $1.442695020e+00, v4;
	(erf) = vpow2.f32 v6  }
0x160: {  	v14 =	vld [tilespmem:s25+$0x80];
	[tilespmem:s9+$0x50] =	vst v5;
	v5 =	vmul.f32 v13, v9  }
0x161: {  	v15 =	vld [tilespmem:s25+$0xFFFFFFF0];
	(erf) = vpow2.f32 v4  }
0x162: {  	v6 =	vld [tilespmem:s1+$0xFFFFFFB0];
	[tilespmem:s11+$0x30] =	vst v5;
	v5 =	vmul.f32 v12, v10  }
0x163: {  	s22 =	simm.s32 $0x1C450;
	v12 =	vld [tilespmem:s10+$0x40]  }
0x164: {  	v7 =	vmul.f32 v3, v16;
	v13 =	vld [tilespmem:s22+$0x0];
	[tilespmem:s15+$0x10] =	vst v5;
	v5 =	vmul.f32 v11, v1  }
0x165: {  	v11 =	vld [tilespmem:s14+$0x20]  }
0x166: {  	v16 =	vld [tilespmem:s22+$0xFFFFFFF0];
	[tilespmem:s15+$0xFFFFFF70] =	vst v7  }
0x167: {  	v4 =	vld [tilespmem:s14+$0xFFFFFF80]  }
0x168: {  	s16 =	simm.s32 $0x1CCB0;
	v7 =	vld [tilespmem:s1+$0x60];
	[tilespmem:s11+$0xFFFFFF90] =	vst v5;
	v5 =	vpop (erf);
	v12 =	vmul.f32 v12, v9  }
0x169: {  	v17 =	vld [tilespmem:s10+$0xFFFFFFA0];
	[tilespmem:s16+$0x80] =	vst v5  }
0x16a: {  	v13 =	vadd.f32 v14, v13;
	v18 =	vld [tilespmem:s2+$0x0];
	v19 =	vpop (erf);
	[tilespmem:s11+$0x40] =	vst v12;
	v11 =	vmul.f32 v11, v10  }
0x16b: {  	[tilespmem:s16+$0xFFFFFFF0] =	vst v19  }
0x16c: {  	v4 =	vmul.f32 v4, v3;
	v12 =	vld [tilespmem:s10+$0x50];
	[tilespmem:s15+$0x20] =	vst v11;
	v11 =	vadd.f32 v15, v16;
	v15 =	vmul.f32 $2.000000030e-01, v13  }
0x16d: {  	v7 =	vmul.f32 v7, v8;
	v5 =	vperm.xlane v5, v0;
	v14 =	vld [tilespmem:s2+$0xFFFFFF70]  }
0x16e: {  	v6 =	vmul.f32 v6, v2;
	[tilespmem:s15+$0xFFFFFF80] =	vst v4;
	v16 =	vmul.f32 v17, v1;
	v17 =	vld [tilespmem:s14+$0x30];
	v13 =	vmax.f32 v13, v15  }
0x16f: {  	s23 =	simm.s32 $0x1C470;
	[tilespmem:s9+$0x60] =	vst v7;
	v7 =	vld [tilespmem:s14+$0xFFFFFF90];
	v18 =	vmul.f32 v5, v18;
	v13 =	vmul.f32 $1.442695020e+00, v13  }
0x170: {  	v53 =	vld [tilespmem:s23+$0xFFFFFFF0];
	[tilespmem:s9+$0xFFFFFFB0] =	vst v6;
	v4 =	vperm.xlane v19, v0;
	v19 =	vmul.f32 $2.000000030e-01, v11  }
0x171: {  	v15 =	vld [tilespmem:s1+$0x70];
	v12 =	vmul.f32 v12, v9;
	[tilespmem:s16+$0x0] =	vst v18;
	(erf) = vpow2.f32 v13  }
0x172: {  	[tilespmem:s11+$0xFFFFFFA0] =	vst v16;
	v11 =	vmax.f32 v11, v19;
	v14 =	vmul.f32 v4, v14;
	v6 =	vld [tilespmem:s2+$0x10]  }
0x173: {  	s22 =	simm.s32 $0x197F0;
	v16 =	vld [tilespmem:s10+$0xFFFFFFB0];
	v11 =	vmul.f32 $1.442695020e+00, v11;
	[tilespmem:s11+$0x50] =	vst v12;
	v12 =	vmul.f32 v17, v10  }
0x174: {  	v7 =	vmul.f32 v7, v3;
	v18 =	vld [tilespmem:s22+$0x80];
	[tilespmem:s16+$0xFFFFFF70] =	vst v14  }
0x175: {  	(erf) = vpow2.f32 v11;
	v11 =	vld [tilespmem:s2+$0xFFFFFF80];
	[tilespmem:s15+$0x30] =	vst v12  }
0x176: {  	[tilespmem:s15+$0xFFFFFF90] =	vst v7;
	v7 =	vld [tilespmem:s14+$0x40]  }
0x177: {  	v12 =	vld [tilespmem:s14+$0xFFFFFFA0];
	v6 =	vmul.f32 v6, v5  }
0x178: {  	v17 =	vld [tilespmem:s23+$0x0];
	v16 =	vmul.f32 v16, v1  }
0x179: {  	v14 =	vld [tilespmem:s10+$0x60];
	[tilespmem:s16+$0x10] =	vst v6  }
0x17a: {  	s21 =	simm.s32 $0x1CDD0;
	[tilespmem:s11+$0xFFFFFFB0] =	vst v16;
	v11 =	vmul.f32 v11, v4;
	v6 =	vld [tilespmem:s2+$0x20];
	v20 =	vpop (erf)  }
0x17b: {  	v19 =	vld [tilespmem:s22+$0xFFFFFFF0];
	v7 =	vmul.f32 v7, v10;
	[tilespmem:s21+$0x80] =	vst v20  }
0x17c: {  	v13 =	vld [tilespmem:s1+$0xFFFFFFC0];
	v12 =	vmul.f32 v12, v3;
	[tilespmem:s16+$0xFFFFFF80] =	vst v11  }
0x17d: {  	v54 =	vld [tilespmem:s25+$0x0];
	[tilespmem:s15+$0x40] =	vst v7  }
0x17e: {  	[tilespmem:s15+$0xFFFFFFA0] =	vst v12;
	v23 =	vpop (erf);
	v7 =	vmul.f32 v14, v9;
	v14 =	vld [tilespmem:s14+$0x50]  }
0x17f: {  	v11 =	vadd.f32 v18, v17;
	v18 =	vld [tilespmem:s2+$0xFFFFFF90];
	[tilespmem:s21+$0xFFFFFFF0] =	vst v23;
	v6 =	vmul.f32 v6, v5  }
0x180: {  	v19 =	vadd.f32 v19, v53;
	v17 =	vld [tilespmem:s25+$0xFFFFFF70];
	[tilespmem:s11+$0x60] =	vst v7;
	v7 =	vperm.xlane v20, v0  }
0x181: {  	v13 =	vmul.f32 v13, v2;
	v16 =	vld [tilespmem:s14+$0xFFFFFFB0];
	v55 =	vmul.f32 $2.000000030e-01, v11;
	[tilespmem:s16+$0x20] =	vst v6  }
0x182: {  	v57 =	vmul.f32 $2.000000030e-01, v19;
	v12 =	vmul.f32 v7, v54;
	v56 =	vld [tilespmem:s2+$0x30]  }
0x183: {  	[tilespmem:s9+$0xFFFFFFC0] =	vst v13;
	v20 =	vld [tilespmem:s10+$0x70];
	v11 =	vmax.f32 v11, v55;
	v6 =	vperm.xlane v23, v0;
	v14 =	vmul.f32 v14, v10  }
0x184: {  	v11 =	vmul.f32 $1.442695020e+00, v11;
	v18 =	vmul.f32 v18, v4;
	[tilespmem:s21+$0x0] =	vst v12;
	v12 =	vld [tilespmem:s10+$0xFFFFFFC0]  }
0x185: {  	v19 =	vmax.f32 v19, v57;
	v17 =	vmul.f32 v6, v17;
	v58 =	vld [tilespmem:s25+$0x10];
	[tilespmem:s15+$0x50] =	vst v14  }
0x186: {  	s26 =	simm.s32 $0x1C490;
	v13 =	vmul.f32 $1.442695020e+00, v19;
	(erf) = vpow2.f32 v11;
	[tilespmem:s16+$0xFFFFFF90] =	vst v18;
	v11 =	vld [tilespmem:s14+$0x60]  }
0x187: {  	v18 =	vld [tilespmem:s26+$0x0];
	[tilespmem:s21+$0xFFFFFF70] =	vst v17;
	v17 =	vmul.f32 v56, v5  }
0x188: {  	v8 =	vmul.f32 v15, v8;
	(erf) = vpow2.f32 v13;
	v14 =	vld [tilespmem:s1+$0xFFFFFFD0]  }
0x189: {  	v13 =	vld [tilespmem:s2+$0xFFFFFFA0];
	v9 =	vmul.f32 v20, v9;
	[tilespmem:s16+$0x30] =	vst v17  }
0x18a: {  	[tilespmem:s9+$0x70] =	vst v8;
	v15 =	vmul.f32 v58, v7;
	v17 =	vld [tilespmem:s2+$0x40]  }
0x18b: {  	s3 =	simm.s32 $0x19910;
	v19 =	vld [tilespmem:s25+$0xFFFFFF80];
	[tilespmem:s11+$0x70] =	vst v9;
	v8 =	vmul.f32 v11, v10  }
0x18c: {  	v12 =	vmul.f32 v12, v1;
	v11 =	vld [tilespmem:s3+$0x80];
	[tilespmem:s21+$0x10] =	vst v15  }
0x18d: {  	v15 =	vmul.f32 v16, v3;
	v16 =	vld [tilespmem:s25+$0x20];
	[tilespmem:s15+$0x60] =	vst v8  }
0x18e: {  	[tilespmem:s11+$0xFFFFFFC0] =	vst v12;
	v20 =	vld [tilespmem:s14+$0x70]  }
0x18f: {  	s12 =	simm.s32 $0x1CEF0;
	[tilespmem:s15+$0xFFFFFFB0] =	vst v15;
	v15 =	vld [tilespmem:s3+$0xFFFFFFF0];
	v8 =	vpop (erf);
	v9 =	vmul.f32 v17, v5  }
0x190: {  	v17 =	vld [tilespmem:s26+$0xFFFFFFF0];
	[tilespmem:s12+$0x80] =	vst v8  }
0x191: {  	v19 =	vmul.f32 v19, v6;
	v60 =	vpop (erf);
	v59 =	vld [tilespmem:s22+$0x0];
	[tilespmem:s16+$0x40] =	vst v9  }
0x192: {  	v14 =	vmul.f32 v14, v2;
	[tilespmem:s12+$0xFFFFFFF0] =	vst v60;
	v9 =	vmul.f32 v13, v4;
	v13 =	vld [tilespmem:s2+$0x50]  }
0x193: {  	[tilespmem:s21+$0xFFFFFF80] =	vst v19;
	v11 =	vadd.f32 v11, v18;
	v16 =	vmul.f32 v16, v7;
	v19 =	vld [tilespmem:s22+$0xFFFFFF70]  }
0x194: {  	[tilespmem:s9+$0xFFFFFFD0] =	vst v14;
	v61 =	vld [tilespmem:s25+$0xFFFFFF90];
	v8 =	vperm.xlane v8, v0  }
0x195: {  	v63 =	vld [tilespmem:s10+$0xFFFFFFD0];
	v14 =	vmul.f32 $2.000000030e-01, v11;
	[tilespmem:s21+$0x20] =	vst v16;
	v12 =	vadd.f32 v15, v17  }
0x196: {  	[tilespmem:s16+$0xFFFFFFA0] =	vst v9;
	v9 =	vperm.xlane v60, v0;
	v17 =	vld [tilespmem:s25+$0x30];
	v15 =	vmul.f32 v8, v59  }
0x197: {  	v11 =	vmax.f32 v11, v14;
	v16 =	vld [tilespmem:s2+$0xFFFFFFB0];
	v18 =	vmul.f32 $2.000000030e-01, v12;
	v13 =	vmul.f32 v13, v5  }
0x198: {  	v62 =	vld [tilespmem:s14+$0xFFFFFFC0];
	v11 =	vmul.f32 $1.442695020e+00, v11;
	v19 =	vmul.f32 v9, v19;
	[tilespmem:s12+$0x0] =	vst v15  }
0x199: {  	v10 =	vmul.f32 v20, v10;
	v24 =	vld [tilespmem:s22+$0x10];
	v12 =	vmax.f32 v12, v18;
	[tilespmem:s16+$0x50] =	vst v13;
	v13 =	vmul.f32 v61, v6  }
0x19a: {  	(erf) = vpow2.f32 v11;
	[tilespmem:s12+$0xFFFFFF70] =	vst v19;
	v12 =	vmul.f32 $1.442695020e+00, v12;
	v14 =	vld [tilespmem:s2+$0x60]  }
0x19b: {  	v18 =	vld [tilespmem:s22+$0xFFFFFF80];
	[tilespmem:s21+$0xFFFFFF90] =	vst v13;
	v13 =	vmul.f32 v17, v7  }
0x19c: {  	[tilespmem:s15+$0x70] =	vst v10;
	v10 =	vmul.f32 v16, v4;
	(erf) = vpow2.f32 v12;
	v15 =	vld [tilespmem:s25+$0xFFFFFFA0]  }
0x19d: {  	v17 =	vmul.f32 v62, v3;
	[tilespmem:s21+$0x30] =	vst v13;
	v13 =	vld [tilespmem:s1+$0xFFFFFFE0]  }
0x19e: {  	s13 =	simm.s32 $0xC;
	s23 =	simm.s32 $0x1C4B0;
	v12 =	vmul.f32 v63, v1;
	[tilespmem:s16+$0xFFFFFFB0] =	vst v10;
	v19 =	vmul.f32 v24, v8;
	s1 =	simm.s32 $0x1CEF0;
	v16 =	vld [tilespmem:s25+$0x40]  }
.LBB2_5:
0x19f: {  	v10 =	vld [tilespmem:s23+$0x0];
	v11 =	vmul.f32 v14, v5;
	[tilespmem:s15+$0xFFFFFFC0] =	vst v17;
	s26 =	smov.u32 s3;
	s3 =	sadd.s32 $0x120, s3  }
0x1a0: {  	v14 =	vld [tilespmem:s3+$0x80];
	v17 =	vmul.f32 v18, v9;
	[tilespmem:s12+$0x10] =	vst v19  }
0x1a1: {  	v18 =	vld [tilespmem:s22+$0x20];
	v15 =	vmul.f32 v15, v6;
	[tilespmem:s16+$0x60] =	vst v11  }
0x1a2: {  	[tilespmem:s12+$0xFFFFFF80] =	vst v17;
	v11 =	vld [tilespmem:s2+$0x70];
	v13 =	vmul.f32 v13, v2;
	v2 =	vmovc v1;
	v1 =	vmovc v3;
	v3 =	vmov v4;
	v4 =	vmov v6  }
0x1a3: {  	s13 =	sadd.s32 $0x2, s13;
	s12 =	sadd.s32 $0x120, s12;
	v6 =	vmov v9;
	v17 =	vld [tilespmem:s3+$0xFFFFFFF0];
	v19 =	vpop (erf);
	[tilespmem:s21+$0xFFFFFFA0] =	vst v15;
	v15 =	vmul.f32 v16, v7  }
0x1a4: {  	p0 =	slt.u32 s13, $0x4E;
	v16 =	vld [tilespmem:s23+$0xFFFFFFF0];
	[tilespmem:s12+$0x80] =	vst v19  }
0x1a5: {  	v20 =	vld [tilespmem:s26+$0x0];
	v9 =	vpop (erf);
	[tilespmem:s21+$0x40] =	vst v15  }
0x1a6: {  	[tilespmem:s12+$0xFFFFFFF0] =	vst v9;
	v9 =	vperm.xlane v9, v0;
	v15 =	vmul.f32 v18, v8;
	v18 =	vld [tilespmem:s25+$0x50]  }
0x1a7: {  	v10 =	vadd.f32 v14, v10;
	v14 =	vld [tilespmem:s26+$0xFFFFFF70];
	v11 =	vmul.f32 v11, v5;
	[tilespmem:s11+$0xFFFFFFD0] =	vst v12;
	v5 =	vmovc v7;
	v7 =	vmov v8  }
0x1a8: {  	v8 =	vperm.xlane v19, v0;
	v12 =	vld [tilespmem:s22+$0xFFFFFF90];
	[tilespmem:s1+$0x20] =	vst v15  }
0x1a9: {  	v15 =	vadd.f32 v17, v16;
	v16 =	vmul.f32 $2.000000030e-01, v10;
	v17 =	vld [tilespmem:s25+$0xFFFFFFB0];
	[tilespmem:s16+$0x70] =	vst v11  }
0x1aa: {  	v11 =	vmul.f32 v8, v20;
	v19 =	vld [tilespmem:s22+$0x30];
	[tilespmem:s9+$0xFFFFFFE0] =	vst v13;
	s9 =	smov.u32 s11;
	s11 =	smov.u32 s15;
	s15 =	smov.u32 s16  }
0x1ab: {  	s16 =	smov.u32 s21;
	s21 =	smov.u32 s1;
	s1 =	smov.u32 s12;
	v13 =	vmul.f32 $2.000000030e-01, v15;
	v10 =	vmax.f32 v10, v16;
	v16 =	vmul.f32 v18, v5;
	v20 =	vld [tilespmem:s2+$0xFFFFFFC0]  }
0x1ac: {  	v10 =	vmul.f32 $1.442695020e+00, v10;
	v14 =	vmul.f32 v9, v14;
	[tilespmem:s12+$0x0] =	vst v11;
	v11 =	vld [tilespmem:s14+$0xFFFFFFD0]  }
0x1ad: {  	v13 =	vmax.f32 v15, v13;
	v21 =	vld [tilespmem:s26+$0x10];
	v12 =	vmul.f32 v12, v6;
	[tilespmem:s16+$0x50] =	vst v16  }
.Ltmp1:
0x1ae: {  	v13 =	vmul.f32 $1.442695020e+00, v13;
	(erf) = vpow2.f32 v10;
	[tilespmem:s12+$0xFFFFFF70] =	vst v14;
	v14 =	vld [tilespmem:s25+$0x60];
	(pc) =	sbr.rel @p0 .LBB2_5-.Ltmp1, $4  }
0x1af: {  	v22 =	vmul.f32 v17, v4;
	v18 =	vld [tilespmem:s26+$0xFFFFFF80];
	[tilespmem:s21+$0xFFFFFF90] =	vst v12;
	v10 =	vmul.f32 v19, v7  }
0x1b0: {  	(erf) = vpow2.f32 v13;
	v15 =	vld [tilespmem:s22+$0xFFFFFFA0];
	v17 =	vmul.f32 v20, v3  }
0x1b1: {  	[tilespmem:s21+$0x30] =	vst v10;
	v12 =	vmul.f32 v11, v1;
	v13 =	vld [tilespmem:s10+$0xFFFFFFE0];
	s10 =	smov.u32 s14;
	s14 =	smov.u32 s2;
	s2 =	smov.u32 s25  }
0x1b2: {  	s23 =	sadd.s32 $0x20, s23;
	s25 =	smov.u32 s22;
	v19 =	vmul.f32 v21, v8;
	v16 =	vld [tilespmem:s22+$0x40];
	[tilespmem:s16+$0xFFFFFFB0] =	vst v22;
	s22 =	smov.u32 s26  }
0x1b3: {  	_ =	sdelay $0x3  }
0x1b4: {  	s13 =	sadd.s32 $0x120, s12;
	v10 =	vpop (erf)  }
0x1b5: {  	[tilespmem:s13+$0x80] =	vst v10  }
0x1b6: {  	v20 =	vld [tilespmem:s3+$0x0];
	_ =	sdelay $0x1  }
0x1b7: {  	v21 =	vpop (erf)  }
0x1b8: {  	v11 =	vperm.xlane v10, v0;
	[tilespmem:s13+$0xFFFFFFF0] =	vst v21  }
0x1b9: {  	v22 =	vld [tilespmem:s3+$0xFFFFFF70]  }
0x1ba: {  	v20 =	vmul.f32 v11, v20;
	_ =	sdelay $0x1  }
0x1bb: {  	v10 =	vperm.xlane v21, v0;
	[tilespmem:s13+$0x0] =	vst v20  }
0x1bc: {  	v20 =	vld [tilespmem:s3+$0x10]  }
0x1bd: {  	v21 =	vmul.f32 v10, v22;
	_ =	sdelay $0x1  }
0x1be: {  	[tilespmem:s13+$0xFFFFFF70] =	vst v21  }
0x1bf: {  	v21 =	vld [tilespmem:s3+$0xFFFFFF80]  }
0x1c0: {  	[tilespmem:s12+$0x10] =	vst v19;
	v56 =	vmul.f32 v20, v11  }
0x1c1: {  	v57 =	vld [tilespmem:s22+$0x20]  }
0x1c2: {  	[tilespmem:s13+$0x10] =	vst v56  }
0x1c3: {  	v18 =	vmul.f32 v18, v9;
	v19 =	vld [tilespmem:s3+$0x20]  }
0x1c4: {  	v21 =	vmul.f32 v21, v10  }
0x1c5: {  	[tilespmem:s12+$0xFFFFFF80] =	vst v18  }
0x1c6: {  	v59 =	vld [tilespmem:s22+$0xFFFFFF90];
	v58 =	vmul.f32 v57, v8;
	[tilespmem:s13+$0xFFFFFF80] =	vst v21  }
0x1c7: {  	v21 =	vld [tilespmem:s3+$0xFFFFFF90]  }
0x1c8: {  	[tilespmem:s1+$0x20] =	vst v58;
	v60 =	vmul.f32 v19, v11  }
0x1c9: {  	v61 =	vld [tilespmem:s22+$0x30]  }
0x1ca: {  	[tilespmem:s13+$0x20] =	vst v60  }
0x1cb: {  	v62 =	vmul.f32 v59, v9;
	v63 =	vld [tilespmem:s3+$0x30]  }
0x1cc: {  	v21 =	vmul.f32 v21, v10  }
0x1cd: {  	[tilespmem:s1+$0xFFFFFF90] =	vst v62  }
0x1ce: {  	v25 =	vld [tilespmem:s22+$0xFFFFFFA0];
	v24 =	vmul.f32 v61, v8;
	[tilespmem:s13+$0xFFFFFF90] =	vst v21  }
0x1cf: {  	[tilespmem:s15+$0xFFFFFFC0] =	vst v17;
	v16 =	vmul.f32 v16, v7;
	v26 =	vld [tilespmem:s3+$0xFFFFFFA0]  }
0x1d0: {  	[tilespmem:s1+$0x30] =	vst v24;
	v27 =	vmul.f32 v63, v11  }
0x1d1: {  	[tilespmem:s21+$0x40] =	vst v16;
	v28 =	vld [tilespmem:s22+$0x40]  }
0x1d2: {  	v15 =	vmul.f32 v15, v6;
	v29 =	vld [tilespmem:s25+$0x50];
	[tilespmem:s13+$0x30] =	vst v27  }
0x1d3: {  	[tilespmem:s11+$0xFFFFFFD0] =	vst v12;
	v30 =	vmul.f32 v25, v9;
	v31 =	vld [tilespmem:s3+$0x40]  }
0x1d4: {  	v42 =	vld [tilespmem:s2+$0xFFFFFFC0];
	[tilespmem:s21+$0xFFFFFFA0] =	vst v15;
	v17 =	vmul.f32 v26, v10  }
0x1d5: {  	v14 =	vmul.f32 v14, v5;
	v33 =	vld [tilespmem:s25+$0xFFFFFFB0];
	[tilespmem:s1+$0xFFFFFFA0] =	vst v30  }
0x1d6: {  	v34 =	vld [tilespmem:s22+$0xFFFFFFB0];
	v16 =	vmul.f32 v28, v8;
	[tilespmem:s13+$0xFFFFFFA0] =	vst v17  }
0x1d7: {  	[tilespmem:s16+$0x60] =	vst v14;
	v35 =	vmul.f32 v29, v7;
	v36 =	vld [tilespmem:s3+$0xFFFFFFB0]  }
0x1d8: {  	v47 =	vld [tilespmem:s14+$0xFFFFFFD0];
	[tilespmem:s1+$0x40] =	vst v16;
	v37 =	vmul.f32 v31, v11  }
0x1d9: {  	v2 =	vmul.f32 v13, v2;
	[tilespmem:s21+$0x50] =	vst v35;
	v39 =	vld [tilespmem:s22+$0x50]  }
0x1da: {  	v14 =	vmul.f32 v33, v6;
	v40 =	vld [tilespmem:s25+$0x60];
	[tilespmem:s13+$0x40] =	vst v37  }
0x1db: {  	[tilespmem:s9+$0xFFFFFFE0] =	vst v2;
	v41 =	vmul.f32 v34, v9;
	v16 =	vld [tilespmem:s3+$0x50]  }
0x1dc: {  	v32 =	vld [tilespmem:s2+$0x70];
	[tilespmem:s21+$0xFFFFFFB0] =	vst v14;
	v43 =	vmul.f32 v36, v10  }
0x1dd: {  	v49 =	vmul.f32 v42, v4;
	v44 =	vld [tilespmem:s25+$0xFFFFFFC0];
	[tilespmem:s1+$0xFFFFFFB0] =	vst v41  }
0x1de: {  	v46 =	vld [tilespmem:s22+$0xFFFFFFC0];
	v45 =	vmul.f32 v39, v8;
	[tilespmem:s13+$0xFFFFFFB0] =	vst v43  }
0x1df: {  	[tilespmem:s16+$0xFFFFFFC0] =	vst v49;
	v2 =	vmul.f32 v40, v7;
	v14 =	vld [tilespmem:s3+$0xFFFFFFC0]  }
0x1e0: {  	v55 =	vld [tilespmem:s10+$0xFFFFFFE0];
	[tilespmem:s1+$0x50] =	vst v45;
	v48 =	vmul.f32 v16, v11  }
0x1e1: {  	v52 =	vmul.f32 v47, v3;
	[tilespmem:s21+$0x60] =	vst v2;
	v2 =	vld [tilespmem:s22+$0x60]  }
0x1e2: {  	v13 =	vmul.f32 v44, v6;
	[tilespmem:s13+$0x50] =	vst v48  }
0x1e3: {  	v38 =	vmul.f32 v32, v5;
	[tilespmem:s15+$0xFFFFFFD0] =	vst v52;
	v12 =	vmul.f32 v46, v9;
	v5 =	vld [tilespmem:s3+$0x60]  }
0x1e4: {  	[tilespmem:s21+$0xFFFFFFC0] =	vst v13;
	v16 =	vld [tilespmem:s2+$0xFFFFFFD0];
	v51 =	vmul.f32 v14, v10  }
0x1e5: {  	v1 =	vmul.f32 v55, v1;
	v53 =	vld [tilespmem:s25+$0xFFFFFFD0];
	[tilespmem:s1+$0xFFFFFFC0] =	vst v12  }
0x1e6: {  	v12 =	vld [tilespmem:s22+$0xFFFFFFD0];
	v2 =	vmul.f32 v2, v8;
	[tilespmem:s13+$0xFFFFFFC0] =	vst v51  }
0x1e7: {  	[tilespmem:s11+$0xFFFFFFE0] =	vst v1;
	v13 =	vld [tilespmem:s3+$0xFFFFFFD0]  }
0x1e8: {  	v58 =	vld [tilespmem:s14+$0xFFFFFFE0];
	[tilespmem:s1+$0x60] =	vst v2;
	v2 =	vmul.f32 v5, v11  }
0x1e9: {  	[tilespmem:s16+$0x70] =	vst v38;
	v50 =	vld [tilespmem:s25+$0x70];
	v56 =	vmul.f32 v16, v4  }
0x1ea: {  	v15 =	vmul.f32 v53, v6;
	v57 =	vld [tilespmem:s22+$0x70];
	[tilespmem:s13+$0x60] =	vst v2  }
0x1eb: {  	v59 =	vmul.f32 v12, v9;
	[tilespmem:s16+$0xFFFFFFD0] =	vst v56;
	v2 =	vld [tilespmem:s3+$0x70]  }
0x1ec: {  	[tilespmem:s21+$0xFFFFFFD0] =	vst v15;
	v60 =	vld [tilespmem:s2+$0xFFFFFFE0];
	v13 =	vmul.f32 v13, v10  }
0x1ed: {  	v1 =	vmul.f32 v58, v3;
	v61 =	vld [tilespmem:s25+$0xFFFFFFE0];
	[tilespmem:s1+$0xFFFFFFD0] =	vst v59  }
0x1ee: {  	v54 =	vmul.f32 v50, v7;
	v63 =	vld [tilespmem:s22+$0xFFFFFFE0];
	[tilespmem:s13+$0xFFFFFFD0] =	vst v13  }
0x1ef: {  	[tilespmem:s15+$0xFFFFFFE0] =	vst v1;
	v62 =	vmul.f32 v57, v8;
	v3 =	vld [tilespmem:s3+$0xFFFFFFE0]  }
0x1f0: {  	[tilespmem:s21+$0x70] =	vst v54;
	v2 =	vmul.f32 v2, v11  }
0x1f1: {  	[tilespmem:s1+$0x70] =	vst v62;
	v1 =	vmul.f32 v60, v4  }
0x1f2: {  	[tilespmem:s13+$0x70] =	vst v2;
	v2 =	vmul.f32 v61, v6  }
0x1f3: {  	[tilespmem:s16+$0xFFFFFFE0] =	vst v1;
	v1 =	vmul.f32 v63, v9  }
0x1f4: {  	s8 =	sadd.s32 $0x1, s8;
	[tilespmem:s21+$0xFFFFFFE0] =	vst v2;
	v2 =	vmul.f32 v3, v10  }
0x1f5: {  	p0 =	sne.s32 s8, $0x41;
	[tilespmem:s1+$0xFFFFFFE0] =	vst v1  }
.Ltmp2:
0x1f6: {  	s26 =	simm.s32 $0x1C8C0;
	s25 =	rddreg [dreg:$0x2];
	[tilespmem:s13+$0xFFFFFFE0] =	vst v2;
	(pc) =	sbr.rel @p0 .LBB2_2-.Ltmp2, $4  }
0x1f7: {  	[spmem:s25] =	stream.indirect.scatter.add.f32 [tilespmem:s26], [sflag:$0x5], $0x90, s24, s20, $0xb8;
	[tilespmem:$0x1F5C0] =	vst v63  }
0x1f8: {  	_ =	swait.ge [sflag:s17], $0x2D00  }
0x1f9: {  	[sflag:s17] =	ssyncset.done $0x0  }
0x1fa: {  	[sflag:s17] =	ssyncadd.s32 $0xFFFFD300  }
0x1fb: {  	_ =	swait.ge [sflag:s28], $0x2D00  }
0x1fc: {  	[sflag:s28] =	ssyncset.done $0x0  }
0x1fd: {  	[sflag:s28] =	ssyncadd.s32 $0xFFFFD300  }
0x1fe: {  	_ =	swait.ge [sflag:s29], $0x500  }
0x1ff: {  	[sflag:s29] =	ssyncset.done $0x0  }
0x200: {  	[sflag:s29] =	ssyncadd.s32 $0xFFFFFB00  }
0x201: {  	[bflag:$0x0] =	sbarrier.arrive $0xFFFF  }
0x202: {  	s3 =	rddreg [dreg:$0x5]  }
0x203: {  	s1 =	rddreg [dreg:$0xa]  }
0x204: {  	s2 =	rddreg [dreg:$0xc]  }
0x205: {  	[hbm:s1], [sflag:s3] =	dma.local [spmem:s2], $0x2C70  }
0x206: {  	_ =	swait.ge [sflag:s17], $0x2C70  }
0x207: {  	s8 =	rddreg [dreg:$0xd]  }
0x208: {  	s26 =	rddreg [dreg:$0xb];
	s8 =	sadd.s32 $0x1, s8  }
0x209: {  	p0 =	sne.s32 s8, s26  }
.Ltmp3:
0x20a: {  	_ = 	snop;
	(pc) =	sbr.rel @p0 .LBB2_1-.Ltmp3, $3  }
0x20b: {  	_ =	sdelay $0x1  }
0x20c: {  	[sflag:s17] =	ssyncset.done $0x0  }
0x20d: {  	[sflag:s17] =	ssyncadd.s32 $0xFFFFD390  }
0x20e: {  	_ =	sfence.sel $0x180000  }
0x20f: {  	[bflag:$0x0] =	sbarrier.arrive $0xFFFF  }
0x210: {  	_ =	strace $0x9000004A  }
0x211: {  	s0 =	stileid.u32;
	[bflag:$0x2] =	sbarrier.arrive $0xFFFF  }
0x212: {  	p0 =	sne.s32 s0, $0x0;
	s0 =	rddreg [dreg:$0x3]  }
0x213: {  	s0 =	sadd.s32 @!p0 $0x100000, s0  }
0x214: {  	[sflag:s0] =	ssyncadd.tile.s32 @!p0 $0x1;
	_ =	shalt  }
.Lfunc_end2:
_tile_overlayer_lowered:
.L_overlay_start_2:
0x215: {  	(tag) =	ssettag $0x2  }
0x216: {  	s0 =	rddreg [dreg:$0x0];
	s2 =	stileid.u32  }
0x217: {  	s1 =	rddreg [dreg:$0x1];
	p0 =	sne.s32 s2, $0x0  }
0x218: {  	s3 =	rddreg [dreg:$0x2];
	[bflag:$0x3] =	sbarrier.arrive $0xFFFF;
	s2 =	simm.s32 @!p0 $0x1C05  }
0x219: {  	[timem:s3], [sflag:s2] =	dma.local @!p0 [hbm:s0], s1  }
0x21a: {  	s0 =	simm.s32 @!p0 $0x5  }
0x21b: {  	_ =	swait.ge @!p0 [sflag:s0], s1  }
0x21c: {  	s1 =	ssub.s32 @!p0 $0x0, s1;
	[sflag:s0] =	ssyncset.done @!p0 $0x0  }
0x21d: {  	[sflag:s0] =	ssyncadd.s32 @!p0 s1  }
0x21e: {  	[bflag:$0x3] =	sbarrier.arrive $0xFFFF  }
0x21f: {  	_ =	shalt  }

// kernel: kernel.7.cloned.1.call-start
scs
__scs_entry_jumppad:
0x0: {  	(pc) =	sbr.rel $0x88, $3  }
0x1: {  	(tag) =	ssettag $0x0;
	lr =	simm.s32 $0x1  }
0x2: {  	[smem:$0x3F99] =	sst lr;
	_ =	strace $0xD0000000  }
0x3: {  	_ = 	snop  }
0x4: {  	_ = 	snop  }
0x5: {  	_ = 	snop  }
0x6: {  	_ = 	snop  }
0x7: {  	_ = 	snop  }
__scs_overlays_trampoline_lowered:
0x8: {  	[smem:$0x3FA8] =	sst s0  }
0x9: {  	[smem:$0x3FA9] =	sst s1  }
0xa: {  	[smem:$0x3FAA] =	sst s2  }
0xb: {  	[smem:$0x3FAB] =	sst s3  }
0xc: {  	[smem:$0x3FAC] =	sst s4  }
0xd: {  	[smem:$0x3FAD] =	sst s5  }
0xe: {  	[smem:$0x3FAE] =	sst s6  }
0xf: {  	[smem:$0x3FAF] =	sst s7  }
0x10: {  	[smem:$0x3FB0] =	sst s8  }
0x11: {  	[smem:$0x3FB1] =	sst s9;
	s0 =	simm.s32 @!p0 $0x0  }
0x12: {  	s1 =	sld [smem:$0x3F97];
	s0 =	simm.s32 @p0 $0x1  }
0x13: {  	[smem:$0x3FB2] =	sst s0;
	s0 =	simm.s32 @!p1 $0x0  }
0x14: {  	s2 =	sld [smem:$0x3F96];
	s0 =	simm.s32 @p1 $0x1  }
0x15: {  	[smem:$0x3FB3] =	sst s0;
	s0 =	simm.s32 @!p2 $0x0  }
0x16: {  	s3 =	sld [smem:$0x3FDB];
	s0 =	simm.s32 @p2 $0x1  }
0x17: {  	s4 =	simm.s32 $0x1BF5;
	[smem:$0x3FB5] =	sst s0  }
0x18: {  	s0 =	sld [smem:$0x3F98];
	_ =	swait.ge [sflag:s4], $0x0  }
0x19: {  	s7 =	sld [smem:$0x3F99]  }
0x1a: {  	s8 =	sadd.s32 $0xFFFFE003, lr  }
0x1b: {  	s9 =	sadd.s32 $0xFFFFFEF7, lr;
	s5 =	simm.s32 $0xFFFFFFFF;
	p2 =	slt.u32 s8, $0xFFFFF086  }
0x1c: {  	p1 =	slt.u32 s9, $0xF7A;
	s5 =	simm.s32 @!p2 $0x0  }
0x1d: {  	s5 =	simm.s32 @p1 $0x1;
	p0 =	seq.s32 s7, s2  }
0x1e: {  	s7 =	smul.u32 @!p0 $0xF7A, s2;
	p2 =	seq.s32 @!p0 s5, $0x0  }
0x1f: {  	s9 =	smul.u32 $0xF7A, s1;
	s8 =	simm.s32 @!p0 $0x1BF5;
	p2 =	por !p2, p0  }
0x20: {  	[sflag:s8] =	ssyncset.s32 @!p0 $0xFFFFF086;
	s6 =	sadd.s32 @!p0 s3, s7;
	s7 =	simm.s32 @!p0 $0x108  }
0x21: {  	s3 =	sadd.s32 s3, s9;
	s6 =	sadd.s32 @!p0 $0x88, s6;
	s7 =	simm.s32 @p2 $0x1082  }
0x22: {  	[simem:s7], [sflag:s8] =	dma.local @!p0 [hbm:s6], $0xF7A  }
0x23: {  	s9 =	sor.u32 $0xD0000000, s2;
	s6 =	simm.s32 $0x108;
	_ =	swait.ge @!p0 [sflag:s8], $0x0  }
0x24: {  	s3 =	sadd.s32 $0x88, s3;
	s6 =	simm.s32 @!p1 $0x1082;
	[sflag:s4] =	ssyncset.s32 $0xFFFFF086  }
0x25: {  	[simem:s6], [sflag:s4] =	dma.local [hbm:s3], $0xF7A  }
0x26: {  	[smem:$0x3F99] =	sst s1;
	(tag) =	ssettag s2;
	_ =	strace s9  }
0x27: {  	s1 =	sld [smem:$0x3FA9]  }
0x28: {  	s2 =	sld [smem:$0x3FAA]  }
0x29: {  	s4 =	sld [smem:$0x3FAC]  }
0x2a: {  	p0 =	seq.s32 s5, $0x0;
	s5 =	sld [smem:$0x3FAD]  }
0x2b: {  	s6 =	sld [smem:$0x3FAE]  }
0x2c: {  	s7 =	sld [smem:$0x3FAF]  }
0x2d: {  	s3 =	simm.s32 $0x108;
	s8 =	sld [smem:$0x3FB0]  }
0x2e: {  	s3 =	simm.s32 @!p0 $0x1082;
	s9 =	sld [smem:$0x3FB1]  }
0x2f: {  	lr =	sadd.s32 s0, s3;
	s0 =	sld [smem:$0x3FA8]  }
0x30: {  	s3 =	sld [smem:$0x3FAB]  }
0x31: {  	[smem:$0x3FB4] =	sst s10  }
0x32: {  	s10 =	sld [smem:$0x3FB2];
	_ =	sdelay $0x3  }
0x33: {  	p0 =	seq.s32 s10, $0x1;
	s10 =	sld [smem:$0x3FB4];
	_ =	sdelay $0x3  }
0x34: {  	[smem:$0x3FB4] =	sst s10  }
0x35: {  	s10 =	sld [smem:$0x3FB3];
	_ =	sdelay $0x3  }
0x36: {  	p1 =	seq.s32 s10, $0x1;
	s10 =	sld [smem:$0x3FB4];
	_ =	sdelay $0x3  }
0x37: {  	[smem:$0x3FB4] =	sst s10  }
0x38: {  	s10 =	sld [smem:$0x3FB5]  }
0x39: {  	_ = 	snop;
	(pc) =	sbr.ind lr, $3  }
0x3a: {  	_ = 	snop  }
0x3b: {  	_ = 	snop  }
0x3c: {  	p2 =	seq.s32 s10, $0x1;
	s10 =	sld [smem:$0x3FB4]  }
0x3d: {  	_ =	shalt  }
0x3e: {  	_ =	shalt  }
0x3f: {  	_ =	shalt  }
0x40: {  	_ =	shalt  }
0x41: {  	_ =	shalt  }
0x42: {  	_ =	shalt  }
0x43: {  	_ =	shalt  }
0x44: {  	_ =	shalt  }
0x45: {  	_ =	shalt  }
0x46: {  	_ =	shalt  }
0x47: {  	_ =	shalt  }
0x48: {  	_ =	shalt  }
0x49: {  	_ =	shalt  }
0x4a: {  	_ =	shalt  }
0x4b: {  	_ =	shalt  }
0x4c: {  	_ =	shalt  }
0x4d: {  	_ =	shalt  }
0x4e: {  	_ =	shalt  }
0x4f: {  	_ =	shalt  }
0x50: {  	_ =	shalt  }
0x51: {  	_ =	shalt  }
0x52: {  	_ =	shalt  }
0x53: {  	_ =	shalt  }
0x54: {  	_ =	shalt  }
0x55: {  	_ =	shalt  }
0x56: {  	_ =	shalt  }
0x57: {  	_ =	shalt  }
0x58: {  	_ =	shalt  }
0x59: {  	_ =	shalt  }
0x5a: {  	_ =	shalt  }
0x5b: {  	_ =	shalt  }
0x5c: {  	_ =	shalt  }
0x5d: {  	_ =	shalt  }
0x5e: {  	_ =	shalt  }
0x5f: {  	_ =	shalt  }
0x60: {  	_ =	shalt  }
0x61: {  	_ =	shalt  }
0x62: {  	_ =	shalt  }
0x63: {  	_ =	shalt  }
0x64: {  	_ =	shalt  }
0x65: {  	_ =	shalt  }
0x66: {  	_ =	shalt  }
0x67: {  	_ =	shalt  }
0x68: {  	_ =	shalt  }
0x69: {  	_ =	shalt  }
0x6a: {  	_ =	shalt  }
0x6b: {  	_ =	shalt  }
0x6c: {  	_ =	shalt  }
0x6d: {  	_ =	shalt  }
0x6e: {  	_ =	shalt  }
0x6f: {  	_ =	shalt  }
0x70: {  	_ =	shalt  }
0x71: {  	_ =	shalt  }
0x72: {  	_ =	shalt  }
0x73: {  	_ =	shalt  }
0x74: {  	_ =	shalt  }
0x75: {  	_ =	shalt  }
0x76: {  	_ =	shalt  }
0x77: {  	_ =	shalt  }
0x78: {  	_ =	shalt  }
0x79: {  	_ =	shalt  }
0x7a: {  	_ =	shalt  }
0x7b: {  	_ =	shalt  }
0x7c: {  	_ =	shalt  }
0x7d: {  	_ =	shalt  }
0x7e: {  	_ =	shalt  }
0x7f: {  	_ =	shalt  }
0x80: {  	_ =	shalt  }
0x81: {  	_ =	shalt  }
0x82: {  	_ =	shalt  }
0x83: {  	_ =	shalt  }
0x84: {  	_ =	shalt  }
0x85: {  	_ =	shalt  }
0x86: {  	_ =	shalt  }
0x87: {  	_ =	shalt  }
.Lfunc_end0:
.L_simem_size_0:
called_computation_lowered:
.L_overlay_start_0:
0x88: {  	s2 =	sld [smem:$0x3FD9]  }
0x89: {  	s3 =	sld [smem:$0x3FFE];
	_ =	sdelay $0x1  }
0x8a: {  	s1 =	srdreg.scid  }
0x8b: {  	s0 =	sand.u32 $0x1, s1  }
0x8c: {  	s17 =	sshll.u32 s0, $0xA;
	s2 =	sadd.s32 s3, s2  }
0x8d: {  	s2 =	sadd.s32 s2, s17  }
0x8e: {  	[smem:$0x3FC0] =	sst s2  }
0x8f: {  	_ = 	snop  }
0x90: {  	s2 =	sld [smem:$0x3FD0];
	(tm) =	ssettm $0x1  }
0x91: {  	s18 =	sld [smem:$0x3FFB];
	_ =	sdelay $0x3  }
0x92: {  	_ =	strace s18  }
0x93: {  	s3 =	sld [smem:$0x3FFC];
	_ =	sdelay $0x3  }
0x94: {  	_ =	strace s3  }
0x95: {  	s3 =	sld [smem:$0x3FFD];
	_ =	sdelay $0x3  }
0x96: {  	_ =	strace s3  }
0x97: {  	_ =	strace $0x8FFFFFFF  }
0x98: {  	s19 =	sld [smem:$0x3FDB];
	_ =	sdelay $0x1  }
0x99: {  	s4 =	simm.s32 $_scs_section_size  }
0x9a: {  	s5 =	simm.s32 $_size__tile_overlayer_lowered;
	s6 =	simm.s32 $_tile_overlayer_lowered  }
0x9b: {  	s22 =	simm.s32 $0x1BFF;
	s21 =	sshll.u32 s6, $0x1;
	s3 =	sadd.s32 s4, s19  }
0x9c: {  	s7 =	simm.s32 $0x0;
	s20 =	sshll.u32 s5, $0x1;
	s5 =	sadd.s32 s21, s3  }
0x9d: {  	[timem:s7], [sflag:s22] =	dma.local [hbm:s5], s20  }
0x9e: {  	_ =	swait.ge [sflag:s22], s20  }
0x9f: {  	s4 =	ssub.s32 $0x0, s20;
	[sflag:s22] =	ssyncset.done $0x0  }
0xa0: {  	[sflag:s22] =	ssyncadd.s32 s4;
	_ =	sdelay $0x1  }
0xa1: {  	s23 =	simm.s32 $0x1B8B  }
0xa2: {  	_ =	swait.ge [sflag:s23], $0x1  }
0xa3: {  	[sflag:s23] =	ssyncset.done $0x0  }
0xa4: {  	s25 =	simm.s32 $0x1B8E;
	s24 =	sld [smem:$0x3FFE];
	[sflag:s23] =	ssyncadd.s32 $0xFFFFFFFF  }
0xa5: {  	s26 =	simm.s32 $execute0_lowered;
	[smem:$0x3FD2] =	sst s25  }
0xa6: {  	s5 =	sshll.u32 s26, $0x1;
	_ =	strace $0x80000046;
	[dreg:$0x1] =	wrdreg $0xFFFFFFFF  }
0xa7: {  	s28 =	simm.s32 $_size_execute0_lowered;
	s3 =	sadd.s32 s3, s5;
	[dreg:$0x0] =	wrdreg $0x0  }
0xa8: {  	s5 =	sshll.u32 s28, $0x1;
	[dreg:$0x2] =	wrdreg s3  }
0xa9: {  	[dreg:$0x3] =	wrdreg s5  }
0xaa: {  	[dreg:$0x4] =	wrdreg $0xC0  }
0xab: {  	_ =	task [dreg:s7], $0x5FFFF  }
0xac: {  	[dreg:$0x1] =	wrdreg $0xFFFFFFFF  }
0xad: {  	[dreg:$0x0] =	wrdreg $0x60  }
0xae: {  	[dreg:$0x2] =	wrdreg s24  }
0xaf: {  	[dreg:$0x3] =	wrdreg s2  }
0xb0: {  	[dreg:$0x4] =	wrdreg $0x0  }
0xb1: {  	[dreg:$0x5] =	wrdreg $0x9  }
0xb2: {  	_ =	task.clear_ibuf [dreg:s7], $0x6FFFF;
	_ =	strace $0x90000046  }
0xb3: {  	s29 =	simm.s32 $0x9;
	_ =	strace $0x80000048  }
0xb4: {  	_ =	swait.ge [sflag:s29], $0x1  }
0xb5: {  	[sflag:s29] =	ssyncadd.s32 $0xFFFFFFFF  }
0xb6: {  	_ =	strace $0x90000048  }
0xb7: {  	_ =	sfence  }
0xb8: {  	s30 =	sld [smem:$0x0];
	_ =	sdelay $0x2  }
0xb9: {  	s31 =	sshll.u32 s1, $0xD;
	s1 =	sshrl.u32 s1, $0x2  }
0xba: {  	s3 =	sand.u32 $0x4000, s31;
	s1 =	sadd.s32 s1, s30  }
0xbb: {  	s0 =	sor.u32 s3, s0;
	s1 =	sshll.u32 s1, $0x11  }
0xbc: {  	s0 =	sor.u32 s1, s0  }
0xbd: {  	s0 =	sadd.s32 $0x8F2B, s0  }
0xbe: {  	[sflag:s0] =	ssyncadd.remote.s32 $0x1  }
0xbf: {  	_ =	sfence.sel $0xFFFF  }
0xc0: {  	[dreg:$0x0] =	wrdreg $0xFFFFFFFF;
	(pc) =	sbr.abs _section_cstart, $3  }
0xc1: {  	[dreg:$0x1] =	wrdreg $0xFFFFFFFF  }
0xc2: {  	_ =	task.clear_ibuf [dreg:s7], $0x2FFFF;
	_ =	strace $0x9FFFFFFF  }
0xc3: {  	(tm) =	ssettm $0x7FFFFFFF  }
tec
execute0_lowered:
.L_overlay_start_1:
0x0: {  	(tag) =	ssettag $0x1  }
0x1: {  	s0 =	rddreg [dreg:$0x0]  }
0x2: {  	s30 =	rddreg [dreg:$0x1]  }
0x3: {  	s12 =	rddreg [dreg:$0x2];
	s4 =	simm.s32 $0x0  }
0x4: {  	s11 =	stileid.u32;
	s2 =	srdreg.scid;
	s17 =	simm.s32 $0x5  }
0x5: {  	s19 =	simm.s32 $0x16420;
	s20 =	simm.s32 $0x50;
	s28 =	simm.s32 $0x1  }
0x6: {  	s29 =	simm.s32 $0x3;
	s31 =	simm.s32 $0x2;
	[smem:$0x7FF] =	sst s4  }
0x7: {  	s1 =	smul.u32 $0x16380, s11;
	s5 =	sadd.s32 $0x1A00, s0;
	s2 =	sand.u32 $0x1, s2  }
0x8: {  	_ =	strace $0x80000047;
	s8 =	smul.u32 $0x163800, s2;
	s9 =	sshll.u32 s2, $0x4  }
0x9: {  	s2 =	ssub.s32 $0x2, s2;
	s3 =	sshrl.u32 s1, $0x3;
	s9 =	sor.u32 s11, s9  }
0xa: {  	s10 =	sshrl.u32 s2, $0x1;
	s3 =	sadd.s32 s3, s0;
	s8 =	sadd.s32 s1, s8  }
0xb: {  	s9 =	smul.u32 $0x28F0, s9;
	s2 =	ssub.s32 s2, s10;
	s3 =	sadd.s32 $0x3D600, s3  }
0xc: {  	s1 =	sadd.s32 s1, s12;
	s26 =	smax.u32 s2, $0x1;
	[dreg:$0x4] =	wrdreg s3  }
0xd: {  	s6 =	sadd.s32 $0x2E200, s0;
	s2 =	sshrl.u32 s1, $0x3;
	[dreg:$0xb] =	wrdreg s26  }
0xe: {  	s7 =	sadd.s32 $0x33200, s0;
	s24 =	sadd.s32 $0x50, s9;
	[dreg:$0xc] =	wrdreg s2  }
0xf: {  	s21 =	sshll.u32 s11, $0x6;
	s25 =	sadd.s32 $0xA0, s9;
	[dreg:$0x8] =	wrdreg s24  }
0x10: {  	s22 =	sshrl.u32 s9, $0x3;
	s3 =	sor.u32 $0x1C05, s21;
	[dreg:$0x9] =	wrdreg s25  }
0x11: {  	s8 =	sshrl.u32 s8, $0x3;
	s23 =	sadd.s32 s30, s22;
	[dreg:$0x5] =	wrdreg s3  }
0x12: {  	v0 =	vimm.s32 $0x0;
	v1 =	vimm.s32 $0x1;
	s0 =	sadd.s32 s8, s0;
	s8 =	sadd.s32 s7, s22;
	[dreg:$0x6] =	wrdreg s23  }
0x13: {  	v2 =	vimm.s32 $0x2;
	v3 =	vimm.s32 $0x3;
	v4 =	vimm.s32 $0x4;
	s0 =	sadd.s32 $0x69E00, s0;
	s24 =	simm.s32 $0x16470;
	[dreg:$0x7] =	wrdreg s8  }
0x14: {  	v5 =	vimm.s32 $0x5;
	v6 =	vimm.s32 $0x6;
	v7 =	vimm.s32 $0x7;
	[dreg:$0xa] =	wrdreg s0;
	s0 =	simm.s32 $0x4;
	s8 =	simm.s32 $0x0  }
.LBB2_1:
0x15: {  	[dreg:$0xd] =	wrdreg s8  }
0x16: {  	s1 =	rddreg [dreg:$0x4]  }
0x17: {  	[spmem:s2], [sflag:s3] =	dma.local [hbm:s1], $0x2C70  }
0x18: {  	_ =	swait.ge [sflag:s17], $0x2C70  }
0x19: {  	[sflag:s17] =	ssyncset.done $0x0  }
0x1a: {  	[sflag:s17] =	ssyncadd.s32 $0xFFFFD390  }
0x1b: {  	[bflag:$0x0] =	sbarrier.arrive $0xFFFF  }
0x1c: {  	s22 =	simm.s32 $0x16380;
	s21 =	rddreg [dreg:$0x6]  }
0x1d: {  	[tilespmem:s22], [sflag:$0x5] =	stream.linear.gather [hbm4b:s21+s4], $0x50, $0x38;
	[tilespmem:$0x1F5C0] =	vst v63  }
0x1e: {  	_ =	swait.ge [sflag:s17], $0x50  }
0x1f: {  	[sflag:s17] =	ssyncset.done $0x0  }
0x20: {  	s23 =	rddreg [dreg:$0x7];
	[sflag:s17] =	ssyncadd.s32 $0xFFFFFFB0  }
0x21: {  	[tilespmem:s19], [sflag:$0x5] =	stream.linear.gather [hbm4b:s23+s4], $0x50, $0x38;
	[tilespmem:$0x1F5C0] =	vst v63  }
0x22: {  	_ =	swait.ge [sflag:s17], $0x50  }
0x23: {  	[sflag:s17] =	ssyncset.done $0x0  }
0x24: {  	s25 =	simm.s32 $0x164C0;
	[sflag:s17] =	ssyncadd.s32 $0xFFFFFFB0  }
0x25: {  	[tilespmem:s25], [sflag:$0x1] =	stream.indirect.gather [hbm4b:s5+s20], $0x90, s22, s20, $0xb8;
	[tilespmem:$0x1F5C0] =	vst v63  }
0x26: {  	s26 =	simm.s32 $0x1BEC0;
	s8 =	simm.s32 $0x0  }
0x27: {  	[tilespmem:s26], [sflag:$0x3] =	stream.indirect.gather [hbm4b:s6+s20], $0x10, s19, s20, $0xb8;
	[tilespmem:$0x1F5C0] =	vst v63  }
.LBB2_2:
0x28: {  	s10 =	smul.u32 $0xA0, s8  }
0x29: {  	s1 =	rddreg [dreg:$0x8]  }
0x2a: {  	s1 =	sadd.s32 s10, s1  }
0x2b: {  	s1 =	sshrl.u32 s1, $0x3  }
0x2c: {  	s3 =	simm.s32 $0x163D0;
	s2 =	sadd.s32 s30, s1  }
0x2d: {  	[tilespmem:s3], [sflag:$0x5] =	stream.linear.gather [hbm4b:s2+s4], $0x50, $0x38;
	[tilespmem:$0x1F5C0] =	vst v63  }
0x2e: {  	_ =	swait.ge [sflag:s17], $0x50  }
0x2f: {  	[sflag:s17] =	ssyncset.done $0x0  }
0x30: {  	s1 =	sadd.s32 s7, s1;
	[sflag:s17] =	ssyncadd.s32 $0xFFFFFFB0  }
0x31: {  	[tilespmem:s24], [sflag:$0x5] =	stream.linear.gather [hbm4b:s1+s4], $0x50, $0x38;
	[tilespmem:$0x1F5C0] =	vst v63  }
0x32: {  	_ =	swait.ge [sflag:s17], $0x50  }
0x33: {  	[sflag:s17] =	ssyncset.done $0x0  }
0x34: {  	s13 =	simm.s32 $0x191C0;
	[sflag:s17] =	ssyncadd.s32 $0xFFFFFFB0  }
0x35: {  	[tilespmem:s13], [sflag:$0x2] =	stream.indirect.gather [hbm4b:s5+s20], $0x90, s3, s20, $0xb8;
	[tilespmem:$0x1F5C0] =	vst v63  }
0x36: {  	s14 =	simm.s32 $0x1C3C0  }
0x37: {  	[tilespmem:s14], [sflag:$0x4] =	stream.indirect.gather [hbm4b:s6+s20], $0x10, s24, s20, $0xb8;
	[tilespmem:$0x1F5C0] =	vst v63  }
0x38: {  	_ =	swait.ge [sflag:s28], $0x2D00  }
0x39: {  	[sflag:s28] =	ssyncset.done $0x0  }
0x3a: {  	[sflag:s28] =	ssyncadd.s32 $0xFFFFD300  }
0x3b: {  	_ =	swait.ge [sflag:s29], $0x500  }
0x3c: {  	[sflag:s29] =	ssyncset.done $0x0  }
0x3d: {  	s15 =	simm.s32 $0x1BED0;
	[sflag:s29] =	ssyncadd.s32 $0xFFFFFB00  }
0x3e: {  	s1 =	simm.s32 $0x16550;
	v8 =	vld [tilespmem:s15+$0x0]  }
0x3f: {  	v9 =	vld [tilespmem:s1+$0x80];
	_ =	sdelay $0x4  }
0x40: {  	v8 =	vadd.f32 v9, v8  }
0x41: {  	v10 =	vld [tilespmem:s1+$0xFFFFFFF0]  }
0x42: {  	v11 =	vld [tilespmem:s15+$0xFFFFFFF0];
	v9 =	vmul.f32 $2.000000030e-01, v8;
	_ =	sdelay $0x1  }
0x43: {  	v8 =	vmax.f32 v8, v9  }
0x44: {  	v8 =	vmul.f32 $1.442695020e+00, v8;
	_ =	sdelay $0x1  }
0x45: {  	v9 =	vadd.f32 v10, v11;
	(erf) = vpow2.f32 v8;
	_ =	sdelay $0x1  }
0x46: {  	v10 =	vmul.f32 $2.000000030e-01, v9;
	_ =	sdelay $0x1  }
0x47: {  	v8 =	vmax.f32 v9, v10  }
0x48: {  	s11 =	simm.s32 $0x16670;
	v8 =	vmul.f32 $1.442695020e+00, v8  }
0x49: {  	s16 =	simm.s32 $0x1BEF0;
	v9 =	vld [tilespmem:s11+$0x80]  }
0x4a: {  	(erf) = vpow2.f32 v8;
	v8 =	vld [tilespmem:s16+$0x0]  }
0x4b: {  	v11 =	vld [tilespmem:s16+$0xFFFFFFF0]  }
0x4c: {  	s9 =	simm.s32 $0x1C950;
	v10 =	vld [tilespmem:s11+$0xFFFFFFF0];
	v14 =	vpop (erf)  }
0x4d: {  	[tilespmem:s9+$0x80] =	vst v14  }
0x4e: {  	v12 =	vld [tilespmem:s1+$0x0]  }
0x4f: {  	v9 =	vadd.f32 v9, v8;
	_ =	sdelay $0x1  }
0x50: {  	v10 =	vadd.f32 v10, v11;
	v13 =	vperm.xlane v14, v0;
	v11 =	vmul.f32 $2.000000030e-01, v9;
	_ =	sdelay $0x1  }
0x51: {  	v9 =	vmax.f32 v9, v11;
	v12 =	vmul.f32 v13, v12  }
0x52: {  	v9 =	vmul.f32 $1.442695020e+00, v9;
	v13 =	vmul.f32 $2.000000030e-01, v10  }
0x53: {  	v8 =	vpop (erf);
	[tilespmem:s9+$0x0] =	vst v12  }
0x54: {  	[tilespmem:s9+$0xFFFFFFF0] =	vst v8;
	(erf) = vpow2.f32 v9;
	v10 =	vmax.f32 v10, v13;
	v12 =	vld [tilespmem:s1+$0x10]  }
0x55: {  	v15 =	vld [tilespmem:s1+$0xFFFFFF70];
	v10 =	vmul.f32 $1.442695020e+00, v10;
	_ =	sdelay $0x1  }
0x56: {  	(erf) = vpow2.f32 v10;
	v10 =	vperm.xlane v14, v1  }
0x57: {  	s15 =	simm.s32 $0x16790;
	v11 =	vperm.xlane v8, v0  }
0x58: {  	s21 =	simm.s32 $0x1BF10;
	v13 =	vld [tilespmem:s15+$0xFFFFFFF0];
	v10 =	vmul.f32 v10, v12  }
0x59: {  	v9 =	vmul.f32 v11, v15;
	v11 =	vld [tilespmem:s21+$0x0]  }
0x5a: {  	v12 =	vld [tilespmem:s15+$0x80];
	[tilespmem:s9+$0x10] =	vst v10  }
0x5b: {  	v10 =	vld [tilespmem:s1+$0x20]  }
0x5c: {  	s14 =	simm.s32 $0x1CA70;
	v15 =	vld [tilespmem:s21+$0xFFFFFFF0];
	[tilespmem:s9+$0xFFFFFF70] =	vst v9;
	v19 =	vpop (erf)  }
0x5d: {  	v9 =	vld [tilespmem:s1+$0xFFFFFF80];
	[tilespmem:s14+$0x80] =	vst v19  }
0x5e: {  	v16 =	vperm.xlane v14, v2;
	v18 =	vld [tilespmem:s11+$0x0]  }
0x5f: {  	v21 =	vpop (erf)  }
0x60: {  	v17 =	vperm.xlane v8, v1;
	v11 =	vadd.f32 v12, v11;
	[tilespmem:s14+$0xFFFFFFF0] =	vst v21;
	v10 =	vmul.f32 v16, v10  }
0x61: {  	v12 =	vld [tilespmem:s11+$0xFFFFFF70];
	v16 =	vperm.xlane v19, v0  }
0x62: {  	v9 =	vmul.f32 v17, v9;
	[tilespmem:s9+$0x20] =	vst v10;
	v10 =	vadd.f32 v13, v15;
	v13 =	vmul.f32 $2.000000030e-01, v11  }
0x63: {  	v16 =	vmul.f32 v16, v18;
	v15 =	vld [tilespmem:s1+$0x30]  }
0x64: {  	[tilespmem:s9+$0xFFFFFF80] =	vst v9;
	v9 =	vperm.xlane v21, v0;
	v18 =	vmul.f32 $2.000000030e-01, v10;
	v11 =	vmax.f32 v11, v13  }
0x65: {  	[tilespmem:s14+$0x0] =	vst v16;
	v11 =	vmul.f32 $1.442695020e+00, v11  }
0x66: {  	v9 =	vmul.f32 v9, v12;
	v12 =	vperm.xlane v14, v3;
	v16 =	vld [tilespmem:s11+$0x10];
	v10 =	vmax.f32 v10, v18  }
0x67: {  	v17 =	vld [tilespmem:s1+$0xFFFFFF90];
	v10 =	vmul.f32 $1.442695020e+00, v10;
	(erf) = vpow2.f32 v11  }
0x68: {  	[tilespmem:s14+$0xFFFFFF70] =	vst v9;
	v11 =	vmul.f32 v12, v15  }
0x69: {  	s2 =	simm.s32 $0x168B0;
	v9 =	vld [tilespmem:s11+$0xFFFFFF80];
	(erf) = vpow2.f32 v10;
	v10 =	vperm.xlane v19, v1  }
0x6a: {  	v13 =	vperm.xlane v8, v2;
	v18 =	vld [tilespmem:s2+$0xFFFFFFF0];
	[tilespmem:s9+$0x30] =	vst v11  }
0x6b: {  	s22 =	simm.s32 $0x1BF30;
	v11 =	vld [tilespmem:s1+$0x40];
	v10 =	vmul.f32 v10, v16  }
0x6c: {  	v12 =	vmul.f32 v13, v17;
	v13 =	vld [tilespmem:s22+$0x0];
	v17 =	vperm.xlane v21, v1  }
0x6d: {  	v15 =	vld [tilespmem:s2+$0x80];
	[tilespmem:s14+$0x10] =	vst v10  }
0x6e: {  	[tilespmem:s9+$0xFFFFFF90] =	vst v12;
	v10 =	vperm.xlane v14, v4;
	v9 =	vmul.f32 v17, v9;
	v16 =	vld [tilespmem:s11+$0x20]  }
0x6f: {  	v12 =	vld [tilespmem:s1+$0xFFFFFFA0]  }
0x70: {  	s16 =	simm.s32 $0x1CB90;
	[tilespmem:s14+$0xFFFFFF80] =	vst v9;
	v26 =	vpop (erf);
	v10 =	vmul.f32 v10, v11;
	v11 =	vld [tilespmem:s22+$0xFFFFFFF0]  }
0x71: {  	v36 =	vperm.xlane v14, v6;
	v17 =	vperm.xlane v19, v2;
	[tilespmem:s16+$0x80] =	vst v26  }
0x72: {  	v27 =	vperm.xlane v8, v6;
	v20 =	vld [tilespmem:s15+$0x0];
	v22 =	vpop (erf);
	[tilespmem:s9+$0x40] =	vst v10;
	v10 =	vperm.xlane v8, v3  }
0x73: {  	v54 =	vperm.xlane v19, v5;
	v13 =	vadd.f32 v15, v13;
	[tilespmem:s16+$0xFFFFFFF0] =	vst v22;
	v9 =	vmul.f32 v17, v16;
	v16 =	vld [tilespmem:s11+$0xFFFFFF90]  }
0x74: {  	v24 =	vperm.xlane v21, v2;
	v15 =	vld [tilespmem:s15+$0xFFFFFF70];
	v10 =	vmul.f32 v10, v12  }
0x75: {  	v12 =	vperm.xlane v26, v0;
	[tilespmem:s14+$0x20] =	vst v9;
	v9 =	vadd.f32 v18, v11;
	v11 =	vmul.f32 $2.000000030e-01, v13  }
0x76: {  	v23 =	vld [tilespmem:s1+$0x50];
	v17 =	vperm.xlane v14, v5;
	v31 =	vperm.xlane v22, v1  }
0x77: {  	v18 =	vperm.xlane v22, v0;
	v12 =	vmul.f32 v12, v20;
	v20 =	vld [tilespmem:s11+$0x30];
	v11 =	vmax.f32 v13, v11  }
0x78: {  	v25 =	vmul.f32 $2.000000030e-01, v9;
	v11 =	vmul.f32 $1.442695020e+00, v11  }
0x79: {  	v15 =	vmul.f32 v18, v15;
	[tilespmem:s16+$0x0] =	vst v12;
	v12 =	vmul.f32 v24, v16  }
0x7a: {  	s23 =	simm.s32 $0x1BF50;
	[tilespmem:s9+$0xFFFFFFA0] =	vst v10;
	v9 =	vmax.f32 v9, v25;
	v16 =	vperm.xlane v19, v3;
	v10 =	vld [tilespmem:s15+$0x10];
	(erf) = vpow2.f32 v11  }
0x7b: {  	v28 =	vld [tilespmem:s23+$0x0];
	v13 =	vmul.f32 v17, v23;
	v9 =	vmul.f32 $1.442695020e+00, v9;
	[tilespmem:s16+$0xFFFFFF70] =	vst v15  }
0x7c: {  	s26 =	simm.s32 $0x169D0;
	v23 =	vperm.xlane v8, v5;
	v11 =	vmul.f32 v16, v20;
	v16 =	vld [tilespmem:s15+$0xFFFFFF80]  }
0x7d: {  	v29 =	vld [tilespmem:s26+$0x80];
	[tilespmem:s14+$0xFFFFFF90] =	vst v12;
	v12 =	vperm.xlane v26, v1;
	(erf) = vpow2.f32 v9  }
0x7e: {  	v18 =	vperm.xlane v8, v4;
	v25 =	vperm.xlane v21, v4;
	v24 =	vld [tilespmem:s11+$0xFFFFFFA0];
	[tilespmem:s14+$0x30] =	vst v11  }
0x7f: {  	v9 =	vperm.xlane v8, v7;
	v8 =	vmul.f32 v12, v10;
	v10 =	vld [tilespmem:s11+$0x40]  }
0x80: {  	v17 =	vld [tilespmem:s1+$0xFFFFFFB0];
	[tilespmem:s9+$0x50] =	vst v13;
	v20 =	vperm.xlane v21, v5;
	v11 =	vperm.xlane v21, v6  }
0x81: {  	v15 =	vld [tilespmem:s1+$0x60];
	v12 =	vperm.xlane v21, v3;
	[tilespmem:s16+$0x10] =	vst v8;
	v16 =	vmul.f32 v31, v16  }
0x82: {  	v8 =	vperm.xlane v21, v7;
	v21 =	vperm.xlane v19, v4;
	v30 =	vld [tilespmem:s15+$0x20]  }
0x83: {  	s25 =	simm.s32 $0x1CCB0;
	v33 =	vld [tilespmem:s26+$0xFFFFFFF0];
	v39 =	vperm.xlane v19, v6;
	v12 =	vmul.f32 v12, v24;
	v13 =	vpop (erf);
	[tilespmem:s16+$0xFFFFFF80] =	vst v16  }
0x84: {  	v35 =	vld [tilespmem:s23+$0xFFFFFFF0];
	v28 =	vadd.f32 v29, v28;
	v37 =	vperm.xlane v26, v2;
	v10 =	vmul.f32 v21, v10;
	[tilespmem:s25+$0x80] =	vst v13  }
0x85: {  	v47 =	vperm.xlane v26, v5;
	v17 =	vmul.f32 v18, v17;
	[tilespmem:s14+$0xFFFFFFA0] =	vst v12;
	v18 =	vld [tilespmem:s2+$0x0]  }
0x86: {  	v31 =	vmul.f32 $2.000000030e-01, v28;
	v56 =	vld [tilespmem:s11+$0xFFFFFFB0];
	v38 =	vpop (erf);
	[tilespmem:s14+$0x40] =	vst v10;
	v10 =	vmul.f32 v36, v15  }
0x87: {  	v32 =	vperm.xlane v22, v2;
	[tilespmem:s25+$0xFFFFFFF0] =	vst v38;
	v15 =	vmul.f32 v37, v30;
	v30 =	vld [tilespmem:s11+$0x50]  }
0x88: {  	v34 =	vperm.xlane v22, v3;
	v28 =	vmax.f32 v28, v31;
	v29 =	vperm.xlane v13, v0;
	v24 =	vld [tilespmem:s2+$0xFFFFFF70];
	[tilespmem:s9+$0x60] =	vst v10  }
0x89: {  	v14 =	vperm.xlane v14, v7;
	v28 =	vmul.f32 $1.442695020e+00, v28;
	v10 =	vld [tilespmem:s15+$0xFFFFFF90];
	[tilespmem:s16+$0x20] =	vst v15  }
0x8a: {  	v16 =	vperm.xlane v38, v0;
	v15 =	vadd.f32 v33, v35;
	v55 =	vld [tilespmem:s15+$0x30];
	v18 =	vmul.f32 v29, v18  }
0x8b: {  	s22 =	simm.s32 $0x16AF0;
	(erf) = vpow2.f32 v28;
	v31 =	vld [tilespmem:s1+$0x70];
	v25 =	vmul.f32 v25, v56  }
0x8c: {  	v59 =	vld [tilespmem:s22+$0x80];
	v29 =	vmul.f32 $2.000000030e-01, v15;
	v12 =	vmul.f32 v54, v30;
	[tilespmem:s25+$0x0] =	vst v18  }
0x8d: {  	[tilespmem:s9+$0xFFFFFFB0] =	vst v17;
	v16 =	vmul.f32 v16, v24;
	v24 =	vperm.xlane v26, v3;
	v17 =	vld [tilespmem:s2+$0x10]  }
0x8e: {  	v21 =	vperm.xlane v22, v4;
	v28 =	vld [tilespmem:s1+$0xFFFFFFC0];
	[tilespmem:s14+$0xFFFFFFB0] =	vst v25;
	v18 =	vperm.xlane v22, v5  }
0x8f: {  	s18 =	smov.u32 s30;
	s30 =	simm.s32 $0x1BF70;
	v50 =	vld [tilespmem:s11+$0xFFFFFFC0];
	v15 =	vmax.f32 v15, v29;
	v29 =	vmul.f32 v32, v10;
	[tilespmem:s14+$0x50] =	vst v12;
	v24 =	vmul.f32 v24, v55  }
0x90: {  	[tilespmem:s25+$0xFFFFFF70] =	vst v16;
	v16 =	vperm.xlane v13, v1;
	v31 =	vmul.f32 v14, v31;
	v14 =	vld [tilespmem:s30+$0x0]  }
0x91: {  	v10 =	vperm.xlane v22, v7;
	v15 =	vmul.f32 $1.442695020e+00, v15;
	v57 =	vld [tilespmem:s11+$0x60];
	[tilespmem:s16+$0x30] =	vst v24  }
0x92: {  	v12 =	vperm.xlane v22, v6;
	v22 =	vld [tilespmem:s15+$0x40];
	v16 =	vmul.f32 v16, v17  }
0x93: {  	v19 =	vperm.xlane v19, v7;
	[tilespmem:s16+$0xFFFFFF90] =	vst v29;
	(erf) = vpow2.f32 v15;
	v15 =	vld [tilespmem:s2+$0xFFFFFF80]  }
0x94: {  	v41 =	vperm.xlane v13, v2;
	v52 =	vperm.xlane v13, v3;
	v29 =	vld [tilespmem:s15+$0xFFFFFFA0];
	[tilespmem:s25+$0x10] =	vst v16  }
0x95: {  	v58 =	vperm.xlane v38, v2;
	v17 =	vperm.xlane v26, v4;
	v40 =	vld [tilespmem:s2+$0x20]  }
0x96: {  	v61 =	vld [tilespmem:s30+$0xFFFFFFF0];
	s21 =	simm.s32 $0x1CDD0;
	v36 =	vperm.xlane v38, v3;
	v24 =	vperm.xlane v38, v1;
	v16 =	vpop (erf)  }
0x97: {  	v60 =	vld [tilespmem:s22+$0xFFFFFFF0];
	v30 =	vperm.xlane v38, v4;
	v22 =	vmul.f32 v17, v22;
	[tilespmem:s21+$0x80] =	vst v16  }
0x98: {  	s13 =	simm.s32 $0x1BF90;
	v33 =	vmul.f32 v20, v50;
	v24 =	vmul.f32 v24, v15;
	v42 =	vld [tilespmem:s26+$0x0]  }
0x99: {  	v56 =	vld [tilespmem:s13+$0x0];
	v32 =	vmul.f32 v39, v57;
	[tilespmem:s16+$0x40] =	vst v22;
	v22 =	vmul.f32 v23, v28  }
0x9a: {  	[tilespmem:s25+$0xFFFFFF80] =	vst v24;
	v28 =	vmul.f32 v34, v29;
	v29 =	vadd.f32 v59, v14;
	v23 =	vld [tilespmem:s15+$0x50];
	v24 =	vmul.f32 v41, v40  }
0x9b: {  	v15 =	vperm.xlane v38, v6;
	[tilespmem:s14+$0x60] =	vst v32;
	v63 =	vperm.xlane v16, v0;
	v44 =	vld [tilespmem:s2+$0xFFFFFF90]  }
0x9c: {  	v17 =	vperm.xlane v38, v5;
	v45 =	vld [tilespmem:s11+$0x70];
	v43 =	vpop (erf);
	v46 =	vmul.f32 $2.000000030e-01, v29;
	[tilespmem:s25+$0x20] =	vst v24;
	v24 =	vadd.f32 v60, v61  }
0x9d: {  	v14 =	vperm.xlane v38, v7;
	[tilespmem:s21+$0xFFFFFFF0] =	vst v43;
	v32 =	vmul.f32 v63, v42;
	v48 =	vld [tilespmem:s2+$0x30]  }
0x9e: {  	v53 =	vperm.xlane v43, v1;
	v62 =	vld [tilespmem:s26+$0xFFFFFF70];
	[tilespmem:s16+$0xFFFFFFA0] =	vst v28;
	v29 =	vmax.f32 v29, v46;
	v25 =	vmul.f32 $2.000000030e-01, v24  }
0x9f: {  	v49 =	vld [tilespmem:s15+$0xFFFFFFB0];
	v29 =	vmul.f32 $1.442695020e+00, v29;
	v23 =	vmul.f32 v47, v23;
	[tilespmem:s21+$0x0] =	vst v32  }
0xa0: {  	s3 =	simm.s32 $0x16C10;
	v37 =	vperm.xlane v43, v2;
	[tilespmem:s9+$0xFFFFFFC0] =	vst v22;
	v51 =	vmul.f32 v58, v44;
	v24 =	vmax.f32 v24, v25;
	v25 =	vld [tilespmem:s26+$0x10]  }
0xa1: {  	v61 =	vld [tilespmem:s3+$0xFFFFFFF0];
	(erf) = vpow2.f32 v29;
	[tilespmem:s16+$0x50] =	vst v23;
	v22 =	vmul.f32 $1.442695020e+00, v24  }
0xa2: {  	v28 =	vperm.xlane v43, v0;
	[tilespmem:s25+$0xFFFFFF90] =	vst v51;
	v23 =	vld [tilespmem:s15+$0x60];
	v24 =	vmul.f32 v52, v48  }
0xa3: {  	v54 =	vld [tilespmem:s2+$0xFFFFFFA0];
	(erf) = vpow2.f32 v22;
	v22 =	vperm.xlane v16, v1  }
0xa4: {  	v55 =	vmul.f32 v19, v45;
	v28 =	vmul.f32 v28, v62;
	v62 =	vld [tilespmem:s13+$0xFFFFFFF0];
	[tilespmem:s25+$0x30] =	vst v24  }
0xa5: {  	[tilespmem:s9+$0x70] =	vst v31;
	v24 =	vperm.xlane v26, v6;
	v19 =	vmul.f32 v22, v25;
	v22 =	vld [tilespmem:s2+$0x40]  }
0xa6: {  	v40 =	vperm.xlane v13, v6;
	v63 =	vperm.xlane v16, v2;
	v29 =	vld [tilespmem:s1+$0xFFFFFFD0];
	[tilespmem:s21+$0xFFFFFF70] =	vst v28  }
0xa7: {  	[tilespmem:s14+$0x70] =	vst v55;
	v58 =	vmul.f32 v21, v49;
	v28 =	vld [tilespmem:s26+$0xFFFFFF80];
	v23 =	vmul.f32 v24, v23  }
0xa8: {  	v57 =	vld [tilespmem:s3+$0x80];
	v21 =	vperm.xlane v43, v6;
	[tilespmem:s21+$0x10] =	vst v19;
	v19 =	vperm.xlane v13, v4  }
0xa9: {  	v26 =	vperm.xlane v26, v7;
	v25 =	vperm.xlane v43, v3;
	v59 =	vld [tilespmem:s26+$0x20];
	[tilespmem:s16+$0x60] =	vst v23  }
0xaa: {  	s12 =	simm.s32 $0x1CEF0;
	[tilespmem:s16+$0xFFFFFFB0] =	vst v58;
	v34 =	vmul.f32 v36, v54;
	v32 =	vadd.f32 v61, v62;
	v20 =	vpop (erf);
	v60 =	vld [tilespmem:s15+$0x70];
	v31 =	vmul.f32 v19, v22  }
0xab: {  	v45 =	vmul.f32 v27, v29;
	v24 =	vperm.xlane v43, v4;
	[tilespmem:s12+$0x80] =	vst v20  }
0xac: {  	v55 =	vmul.f32 $2.000000030e-01, v32;
	v28 =	vmul.f32 v53, v28;
	v44 =	vld [tilespmem:s22+$0x0];
	v22 =	vpop (erf);
	[tilespmem:s25+$0x40] =	vst v31  }
0xad: {  	v53 =	vperm.xlane v13, v5;
	v23 =	vperm.xlane v43, v5;
	[tilespmem:s12+$0xFFFFFFF0] =	vst v22;
	v29 =	vld [tilespmem:s2+$0x50]  }
0xae: {  	v19 =	vperm.xlane v43, v7;
	[tilespmem:s21+$0xFFFFFF80] =	vst v28;
	v28 =	vadd.f32 v57, v56;
	v41 =	vmul.f32 v63, v59;
	v48 =	vld [tilespmem:s22+$0xFFFFFF70]  }
0xaf: {  	[tilespmem:s25+$0xFFFFFFA0] =	vst v34;
	v50 =	vld [tilespmem:s26+$0xFFFFFF90];
	v49 =	vmul.f32 v26, v60;
	v26 =	vperm.xlane v20, v0  }
0xb0: {  	v34 =	vld [tilespmem:s15+$0xFFFFFFC0];
	v51 =	vmul.f32 $2.000000030e-01, v28;
	v47 =	vperm.xlane v22, v0;
	[tilespmem:s21+$0x20] =	vst v41  }
0xb1: {  	v31 =	vperm.xlane v22, v1;
	v54 =	vld [tilespmem:s26+$0x30];
	v26 =	vmul.f32 v26, v44  }
0xb2: {  	[tilespmem:s14+$0xFFFFFFC0] =	vst v33;
	v52 =	vld [tilespmem:s2+$0xFFFFFFB0];
	v27 =	vperm.xlane v22, v2;
	v28 =	vmax.f32 v28, v51;
	v56 =	vmul.f32 v53, v29  }
0xb3: {  	v57 =	vmul.f32 $1.442695020e+00, v28;
	v28 =	vld [tilespmem:s11+$0xFFFFFFD0];
	v35 =	vmul.f32 v47, v48;
	[tilespmem:s12+$0x0] =	vst v26  }
0xb4: {  	v60 =	vperm.xlane v16, v3;
	v59 =	vmul.f32 v37, v50;
	v26 =	vmax.f32 v32, v55;
	v58 =	vld [tilespmem:s22+$0x10];
	[tilespmem:s25+$0x50] =	vst v56  }
0xb5: {  	(erf) = vpow2.f32 v57;
	v61 =	vmul.f32 $1.442695020e+00, v26;
	[tilespmem:s12+$0xFFFFFF70] =	vst v35;
	v37 =	vld [tilespmem:s2+$0x60]  }
0xb6: {  	v63 =	vperm.xlane v20, v1;
	[tilespmem:s21+$0xFFFFFF90] =	vst v59;
	v62 =	vmul.f32 v60, v54;
	v39 =	vld [tilespmem:s22+$0xFFFFFF80]  }
0xb7: {  	[tilespmem:s9+$0xFFFFFFD0] =	vst v45;
	v41 =	vmul.f32 v30, v52;
	v36 =	vld [tilespmem:s26+$0xFFFFFFA0];
	(erf) = vpow2.f32 v61  }
0xb8: {  	v29 =	vperm.xlane v22, v3;
	v32 =	vld [tilespmem:s1+$0xFFFFFFE0];
	v26 =	vperm.xlane v22, v4;
	[tilespmem:s21+$0x30] =	vst v62  }
0xb9: {  	s23 =	simm.s32 $0x1BFB0;
	s13 =	simm.s32 $0xC;
	[tilespmem:s16+$0x70] =	vst v49;
	s1 =	simm.s32 $0x1CEF0;
	v35 =	vperm.xlane v22, v5;
	v38 =	vld [tilespmem:s26+$0x40];
	v42 =	vmul.f32 v63, v58  }
.LBB2_3:
0xba: {  	v30 =	vld [tilespmem:s23+$0x0];
	[tilespmem:s25+$0xFFFFFFB0] =	vst v41;
	v33 =	vmul.f32 v40, v37;
	v34 =	vmul.f32 v18, v34;
	v18 =	vmovc v17;
	v17 =	vmov v23;
	s30 =	smov.u32 s3;
	s3 =	sadd.s32 $0x120, s3  }
0xbb: {  	v37 =	vld [tilespmem:s3+$0x80];
	v31 =	vmul.f32 v31, v39;
	v39 =	vperm.xlane v22, v6;
	[tilespmem:s12+$0x10] =	vst v42;
	v23 =	vmov v35  }
0xbc: {  	v40 =	vperm.xlane v16, v4;
	v35 =	vld [tilespmem:s22+$0x20];
	v36 =	vmul.f32 v25, v36;
	[tilespmem:s25+$0x60] =	vst v33;
	v25 =	vmov v29  }
0xbd: {  	v28 =	vmul.f32 v11, v28;
	v11 =	vmovc v12;
	v12 =	vmov v15;
	v29 =	vperm.xlane v22, v7;
	[tilespmem:s12+$0xFFFFFF80] =	vst v31;
	v33 =	vld [tilespmem:s2+$0x70]  }
0xbe: {  	s13 =	sadd.s32 $0x2, s13;
	v15 =	vmov v21;
	s12 =	sadd.s32 $0x120, s12;
	v32 =	vmul.f32 v9, v32;
	v41 =	vld [tilespmem:s3+$0xFFFFFFF0];
	v42 =	vpop (erf);
	[tilespmem:s21+$0xFFFFFFA0] =	vst v36;
	v31 =	vmul.f32 v40, v38  }
0xbf: {  	p0 =	slt.u32 s13, $0x4E;
	v21 =	vmovc v39;
	v9 =	vmovc v8;
	v8 =	vmov v10;
	v10 =	vmov v14;
	v38 =	vperm.xlane v20, v2;
	v36 =	vld [tilespmem:s23+$0xFFFFFFF0];
	[tilespmem:s12+$0x80] =	vst v42  }
0xc0: {  	v14 =	vmov v19;
	v40 =	vperm.xlane v13, v7;
	v19 =	vmov v29;
	v39 =	vld [tilespmem:s30+$0x0];
	v22 =	vpop (erf);
	[tilespmem:s21+$0x40] =	vst v31  }
0xc1: {  	v13 =	vmovc v16;
	v16 =	vmov v20;
	[tilespmem:s12+$0xFFFFFFF0] =	vst v22;
	v43 =	vperm.xlane v22, v0;
	v29 =	vmul.f32 v38, v35;
	v35 =	vld [tilespmem:s26+$0x50]  }
0xc2: {  	v30 =	vadd.f32 v37, v30;
	v31 =	vperm.xlane v22, v1;
	v37 =	vld [tilespmem:s30+$0xFFFFFF70];
	v33 =	vmul.f32 v40, v33;
	[tilespmem:s16+$0xFFFFFFC0] =	vst v34  }
0xc3: {  	v20 =	vmov v42;
	v38 =	vperm.xlane v22, v2;
	v34 =	vperm.xlane v42, v0;
	v40 =	vld [tilespmem:s22+$0xFFFFFF90];
	[tilespmem:s1+$0x20] =	vst v29  }
0xc4: {  	v44 =	vperm.xlane v13, v5;
	v36 =	vadd.f32 v41, v36;
	v41 =	vmul.f32 $2.000000030e-01, v30;
	v42 =	vld [tilespmem:s26+$0xFFFFFFB0];
	[tilespmem:s25+$0x70] =	vst v33  }
0xc5: {  	v29 =	vperm.xlane v22, v3;
	v33 =	vmul.f32 v34, v39;
	v45 =	vld [tilespmem:s22+$0x30];
	[tilespmem:s14+$0xFFFFFFD0] =	vst v28  }
0xc6: {  	v39 =	vmul.f32 $2.000000030e-01, v36;
	v28 =	vmax.f32 v30, v41;
	v30 =	vmul.f32 v44, v35;
	v34 =	vld [tilespmem:s2+$0xFFFFFFC0];
	[tilespmem:s9+$0xFFFFFFE0] =	vst v32;
	s9 =	smov.u32 s14;
	s14 =	smov.u32 s16;
	s16 =	smov.u32 s25  }
0xc7: {  	s25 =	smov.u32 s21;
	s21 =	smov.u32 s1;
	s1 =	smov.u32 s12;
	v32 =	vmul.f32 $1.442695020e+00, v28;
	v35 =	vmul.f32 v43, v37;
	[tilespmem:s12+$0x0] =	vst v33;
	v28 =	vld [tilespmem:s15+$0xFFFFFFD0]  }
0xc8: {  	v33 =	vmax.f32 v36, v39;
	v43 =	vld [tilespmem:s30+$0x10];
	v36 =	vmul.f32 v27, v40;
	v40 =	vperm.xlane v16, v3;
	[tilespmem:s25+$0x50] =	vst v30  }
.Ltmp0:
0xc9: {  	v27 =	vmov v38;
	v30 =	vmul.f32 $1.442695020e+00, v33;
	(erf) = vpow2.f32 v32;
	[tilespmem:s12+$0xFFFFFF70] =	vst v35;
	v37 =	vld [tilespmem:s26+$0x60];
	(pc) =	sbr.rel @p0 .LBB2_3-.Ltmp0, $4  }
0xca: {  	v33 =	vperm.xlane v22, v4;
	v39 =	vld [tilespmem:s30+$0xFFFFFF80];
	[tilespmem:s21+$0xFFFFFF90] =	vst v36;
	v32 =	vmul.f32 v40, v45  }
0xcb: {  	(erf) = vpow2.f32 v30;
	v30 =	vperm.xlane v20, v1;
	v36 =	vld [tilespmem:s22+$0xFFFFFFA0]  }
0xcc: {  	v41 =	vmul.f32 v24, v42;
	v24 =	vmovc v26;
	v40 =	vperm.xlane v13, v6;
	v26 =	vmov v33;
	[tilespmem:s21+$0x30] =	vst v32;
	v32 =	vld [tilespmem:s11+$0xFFFFFFE0];
	s11 =	smov.u32 s15;
	s15 =	smov.u32 s2;
	s2 =	smov.u32 s26  }
0xcd: {  	s23 =	sadd.s32 $0x20, s23;
	v35 =	vperm.xlane v22, v5;
	s26 =	smov.u32 s22;
	v42 =	vmul.f32 v30, v43;
	v38 =	vld [tilespmem:s22+$0x40];
	s22 =	smov.u32 s30  }
0xce: {  	_ =	sdelay $0x3  }
0xcf: {  	s13 =	sadd.s32 $0x120, s12;
	v33 =	vpop (erf)  }
0xd0: {  	[tilespmem:s13+$0x80] =	vst v33  }
0xd1: {  	v43 =	vld [tilespmem:s3+$0x0];
	_ =	sdelay $0x1  }
0xd2: {  	v30 =	vpop (erf)  }
0xd3: {  	v44 =	vperm.xlane v33, v0;
	[tilespmem:s13+$0xFFFFFFF0] =	vst v30  }
0xd4: {  	v45 =	vld [tilespmem:s3+$0xFFFFFF70]  }
0xd5: {  	v43 =	vmul.f32 v44, v43;
	_ =	sdelay $0x1  }
0xd6: {  	v54 =	vperm.xlane v30, v0;
	[tilespmem:s13+$0x0] =	vst v43  }
0xd7: {  	v43 =	vld [tilespmem:s3+$0x10]  }
0xd8: {  	v44 =	vmul.f32 v54, v45;
	_ =	sdelay $0x1  }
0xd9: {  	v55 =	vperm.xlane v33, v1;
	[tilespmem:s13+$0xFFFFFF70] =	vst v44  }
0xda: {  	v56 =	vld [tilespmem:s3+$0xFFFFFF80]  }
0xdb: {  	[tilespmem:s12+$0x10] =	vst v42;
	v57 =	vmul.f32 v55, v43  }
0xdc: {  	v58 =	vld [tilespmem:s22+$0x20]  }
0xdd: {  	v59 =	vperm.xlane v30, v1;
	[tilespmem:s13+$0x10] =	vst v57  }
0xde: {  	v31 =	vmul.f32 v31, v39;
	v60 =	vld [tilespmem:s3+$0x20]  }
0xdf: {  	v61 =	vperm.xlane v20, v2;
	v42 =	vmul.f32 v59, v56  }
0xe0: {  	[tilespmem:s12+$0xFFFFFF80] =	vst v31  }
0xe1: {  	v62 =	vld [tilespmem:s22+$0xFFFFFF90];
	v63 =	vperm.xlane v33, v2;
	v31 =	vmul.f32 v61, v58;
	[tilespmem:s13+$0xFFFFFF80] =	vst v42  }
0xe2: {  	v48 =	vld [tilespmem:s3+$0xFFFFFF90]  }
0xe3: {  	[tilespmem:s1+$0x20] =	vst v31;
	v31 =	vmul.f32 v63, v60  }
0xe4: {  	v49 =	vld [tilespmem:s22+$0x30]  }
0xe5: {  	v50 =	vperm.xlane v30, v2;
	[tilespmem:s13+$0x20] =	vst v31  }
0xe6: {  	v27 =	vmul.f32 v27, v62;
	v31 =	vperm.xlane v16, v4;
	v51 =	vld [tilespmem:s3+$0x30]  }
0xe7: {  	[tilespmem:s25+$0xFFFFFFB0] =	vst v41;
	v52 =	vperm.xlane v20, v3;
	v42 =	vmul.f32 v50, v48  }
0xe8: {  	[tilespmem:s1+$0xFFFFFF90] =	vst v27;
	v31 =	vmul.f32 v31, v38  }
0xe9: {  	v53 =	vld [tilespmem:s22+$0xFFFFFFA0];
	v54 =	vperm.xlane v33, v3;
	v27 =	vmul.f32 v52, v49;
	[tilespmem:s13+$0xFFFFFF90] =	vst v42  }
0xea: {  	v37 =	vmul.f32 v40, v37;
	[tilespmem:s21+$0x40] =	vst v31;
	v31 =	vld [tilespmem:s3+$0xFFFFFFA0]  }
0xeb: {  	[tilespmem:s1+$0x30] =	vst v27;
	v55 =	vld [tilespmem:s26+$0x50];
	v27 =	vmul.f32 v54, v51  }
0xec: {  	v25 =	vmul.f32 v25, v36;
	[tilespmem:s25+$0x60] =	vst v37;
	v56 =	vld [tilespmem:s22+$0x40]  }
0xed: {  	v18 =	vmul.f32 v18, v34;
	v58 =	vperm.xlane v30, v3;
	v57 =	vld [tilespmem:s2+$0x70];
	[tilespmem:s13+$0x30] =	vst v27  }
0xee: {  	[tilespmem:s21+$0xFFFFFFA0] =	vst v25;
	v25 =	vperm.xlane v16, v5;
	v27 =	vmul.f32 v29, v53;
	v29 =	vld [tilespmem:s3+$0x40]  }
0xef: {  	[tilespmem:s16+$0xFFFFFFC0] =	vst v18;
	v18 =	vperm.xlane v20, v4;
	v31 =	vmul.f32 v58, v31  }
0xf0: {  	v13 =	vperm.xlane v13, v7;
	v59 =	vld [tilespmem:s26+$0xFFFFFFB0];
	v25 =	vmul.f32 v25, v55;
	[tilespmem:s1+$0xFFFFFFA0] =	vst v27  }
0xf1: {  	v18 =	vmul.f32 v18, v56;
	v60 =	vperm.xlane v33, v4;
	v27 =	vld [tilespmem:s22+$0xFFFFFFB0];
	[tilespmem:s13+$0xFFFFFFA0] =	vst v31  }
0xf2: {  	v13 =	vmul.f32 v13, v57;
	[tilespmem:s21+$0x50] =	vst v25;
	v25 =	vld [tilespmem:s3+$0xFFFFFFB0]  }
0xf3: {  	[tilespmem:s1+$0x40] =	vst v18;
	v31 =	vld [tilespmem:s26+$0x60];
	v18 =	vmul.f32 v60, v29  }
0xf4: {  	v11 =	vmul.f32 v11, v28;
	[tilespmem:s25+$0x70] =	vst v13;
	v13 =	vld [tilespmem:s22+$0x50]  }
0xf5: {  	v28 =	vperm.xlane v30, v4;
	v24 =	vmul.f32 v24, v59;
	[tilespmem:s13+$0x40] =	vst v18  }
0xf6: {  	[tilespmem:s14+$0xFFFFFFD0] =	vst v11;
	v11 =	vperm.xlane v16, v6;
	v18 =	vmul.f32 v26, v27;
	v26 =	vld [tilespmem:s3+$0x50]  }
0xf7: {  	[tilespmem:s21+$0xFFFFFFB0] =	vst v24;
	v24 =	vperm.xlane v20, v5;
	v27 =	vld [tilespmem:s2+$0xFFFFFFC0];
	v25 =	vmul.f32 v28, v25  }
0xf8: {  	v28 =	vld [tilespmem:s26+$0xFFFFFFC0];
	v11 =	vmul.f32 v11, v31;
	[tilespmem:s1+$0xFFFFFFB0] =	vst v18  }
0xf9: {  	v13 =	vmul.f32 v24, v13;
	v18 =	vperm.xlane v33, v5;
	v24 =	vld [tilespmem:s22+$0xFFFFFFC0];
	[tilespmem:s13+$0xFFFFFFB0] =	vst v25  }
0xfa: {  	v9 =	vmul.f32 v9, v32;
	[tilespmem:s21+$0x60] =	vst v11;
	v11 =	vld [tilespmem:s3+$0xFFFFFFC0]  }
0xfb: {  	[tilespmem:s1+$0x50] =	vst v13;
	v25 =	vld [tilespmem:s26+$0x70];
	v13 =	vmul.f32 v18, v26  }
0xfc: {  	[tilespmem:s9+$0xFFFFFFE0] =	vst v9;
	v9 =	vmul.f32 v17, v27;
	v17 =	vld [tilespmem:s22+$0x60]  }
0xfd: {  	v18 =	vld [tilespmem:s15+$0xFFFFFFD0];
	v26 =	vperm.xlane v30, v5;
	v23 =	vmul.f32 v23, v28;
	[tilespmem:s13+$0x50] =	vst v13  }
0xfe: {  	[tilespmem:s25+$0xFFFFFFC0] =	vst v9;
	v13 =	vperm.xlane v16, v7;
	v16 =	vmul.f32 v35, v24;
	v9 =	vld [tilespmem:s3+$0x60]  }
0xff: {  	v27 =	vperm.xlane v20, v6;
	v24 =	vld [tilespmem:s2+$0xFFFFFFD0];
	[tilespmem:s21+$0xFFFFFFC0] =	vst v23;
	v11 =	vmul.f32 v26, v11  }
0x100: {  	v23 =	vld [tilespmem:s26+$0xFFFFFFD0];
	v13 =	vmul.f32 v13, v25;
	[tilespmem:s1+$0xFFFFFFC0] =	vst v16  }
0x101: {  	v16 =	vmul.f32 v27, v17;
	v17 =	vperm.xlane v33, v6;
	v25 =	vld [tilespmem:s22+$0xFFFFFFD0];
	[tilespmem:s13+$0xFFFFFFC0] =	vst v11  }
0x102: {  	v11 =	vmul.f32 v12, v18;
	[tilespmem:s21+$0x70] =	vst v13;
	v12 =	vld [tilespmem:s3+$0xFFFFFFD0]  }
0x103: {  	v13 =	vld [tilespmem:s11+$0xFFFFFFE0];
	[tilespmem:s1+$0x60] =	vst v16;
	v9 =	vmul.f32 v17, v9  }
0x104: {  	v16 =	vperm.xlane v22, v6;
	[tilespmem:s16+$0xFFFFFFD0] =	vst v11;
	v11 =	vld [tilespmem:s22+$0x70];
	v15 =	vmul.f32 v15, v24  }
0x105: {  	v17 =	vperm.xlane v30, v6;
	v18 =	vld [tilespmem:s15+$0xFFFFFFE0];
	[tilespmem:s13+$0x60] =	vst v9;
	v9 =	vmul.f32 v21, v23  }
0x106: {  	[tilespmem:s25+$0xFFFFFFD0] =	vst v15;
	v16 =	vmul.f32 v16, v25;
	v15 =	vld [tilespmem:s3+$0x70]  }
0x107: {  	v20 =	vperm.xlane v20, v7;
	v21 =	vld [tilespmem:s2+$0xFFFFFFE0];
	[tilespmem:s21+$0xFFFFFFD0] =	vst v9;
	v9 =	vmul.f32 v17, v12  }
0x108: {  	v8 =	vmul.f32 v8, v13;
	[tilespmem:s1+$0xFFFFFFD0] =	vst v16;
	v12 =	vld [tilespmem:s26+$0xFFFFFFE0]  }
0x109: {  	v13 =	vperm.xlane v33, v7;
	v11 =	vmul.f32 v20, v11;
	v16 =	vld [tilespmem:s22+$0xFFFFFFE0];
	[tilespmem:s13+$0xFFFFFFD0] =	vst v9  }
0x10a: {  	[tilespmem:s14+$0xFFFFFFE0] =	vst v8;
	v8 =	vmul.f32 v10, v18;
	v9 =	vld [tilespmem:s3+$0xFFFFFFE0]  }
0x10b: {  	[tilespmem:s1+$0x70] =	vst v11;
	v10 =	vmul.f32 v13, v15  }
0x10c: {  	v11 =	vperm.xlane v22, v7;
	[tilespmem:s16+$0xFFFFFFE0] =	vst v8;
	v8 =	vmul.f32 v14, v21  }
0x10d: {  	v13 =	vperm.xlane v30, v7;
	[tilespmem:s13+$0x70] =	vst v10;
	v10 =	vmul.f32 v19, v12  }
0x10e: {  	[tilespmem:s25+$0xFFFFFFE0] =	vst v8;
	v8 =	vmul.f32 v11, v16  }
0x10f: {  	[tilespmem:s21+$0xFFFFFFE0] =	vst v10;
	v9 =	vmul.f32 v13, v9  }
0x110: {  	[tilespmem:s1+$0xFFFFFFE0] =	vst v8  }
0x111: {  	s2 =	rddreg [dreg:$0x2];
	s3 =	simm.s32 $0x1C8C0;
	[tilespmem:s13+$0xFFFFFFE0] =	vst v9  }
0x112: {  	[spmem:s2] =	stream.indirect.scatter.add.f32 [tilespmem:s3], [sflag:$0x5], $0x90, s19, s20, $0xb8;
	[tilespmem:$0x1F5C0] =	vst v63  }
0x113: {  	_ =	swait.ge [sflag:s17], $0x2D00  }
0x114: {  	s9 =	rddreg [dreg:$0x9]  }
0x115: {  	s1 =	sadd.s32 s10, s9  }
0x116: {  	[sflag:s17] =	ssyncset.done $0x0;
	s1 =	sshrl.u32 s1, $0x3  }
0x117: {  	s12 =	simm.s32 $0x16380;
	[sflag:s17] =	ssyncadd.s32 $0xFFFFD300;
	s11 =	sadd.s32 s18, s1  }
0x118: {  	[tilespmem:s12], [sflag:$0x5] =	stream.linear.gather [hbm4b:s11+s4], $0x50, $0x38;
	[tilespmem:$0x1F5C0] =	vst v63  }
0x119: {  	_ =	swait.ge [sflag:s17], $0x50  }
0x11a: {  	[sflag:s17] =	ssyncset.done $0x0  }
0x11b: {  	s1 =	sadd.s32 s7, s1;
	[sflag:s17] =	ssyncadd.s32 $0xFFFFFFB0  }
0x11c: {  	[tilespmem:s19], [sflag:$0x5] =	stream.linear.gather [hbm4b:s1+s4], $0x50, $0x38;
	[tilespmem:$0x1F5C0] =	vst v63  }
0x11d: {  	_ =	swait.ge [sflag:s17], $0x50  }
0x11e: {  	[sflag:s17] =	ssyncset.done $0x0  }
0x11f: {  	s13 =	simm.s32 $0x164C0;
	[sflag:s17] =	ssyncadd.s32 $0xFFFFFFB0  }
0x120: {  	[tilespmem:s13], [sflag:$0x1] =	stream.indirect.gather [hbm4b:s5+s20], $0x90, s12, s20, $0xb8;
	[tilespmem:$0x1F5C0] =	vst v63  }
0x121: {  	s14 =	simm.s32 $0x1BEC0  }
0x122: {  	[tilespmem:s14], [sflag:$0x3] =	stream.indirect.gather [hbm4b:s6+s20], $0x10, s19, s20, $0xb8;
	[tilespmem:$0x1F5C0] =	vst v63  }
0x123: {  	_ =	swait.ge [sflag:s31], $0x2D00  }
0x124: {  	[sflag:s31] =	ssyncset.done $0x0  }
0x125: {  	[sflag:s31] =	ssyncadd.s32 $0xFFFFD300  }
0x126: {  	_ =	swait.ge [sflag:s0], $0x500  }
0x127: {  	[sflag:s0] =	ssyncset.done $0x0  }
0x128: {  	s15 =	simm.s32 $0x1C3D0;
	[sflag:s0] =	ssyncadd.s32 $0xFFFFFB00  }
0x129: {  	s1 =	simm.s32 $0x19250;
	v8 =	vld [tilespmem:s15+$0x0]  }
0x12a: {  	v9 =	vld [tilespmem:s1+$0x80];
	_ =	sdelay $0x4  }
0x12b: {  	v8 =	vadd.f32 v9, v8  }
0x12c: {  	v10 =	vld [tilespmem:s1+$0xFFFFFFF0]  }
0x12d: {  	v11 =	vld [tilespmem:s15+$0xFFFFFFF0];
	v9 =	vmul.f32 $2.000000030e-01, v8;
	_ =	sdelay $0x1  }
0x12e: {  	v8 =	vmax.f32 v8, v9  }
0x12f: {  	v8 =	vmul.f32 $1.442695020e+00, v8;
	_ =	sdelay $0x1  }
0x130: {  	v9 =	vadd.f32 v10, v11;
	(erf) = vpow2.f32 v8;
	_ =	sdelay $0x1  }
0x131: {  	v10 =	vmul.f32 $2.000000030e-01, v9;
	_ =	sdelay $0x1  }
0x132: {  	v8 =	vmax.f32 v9, v10  }
0x133: {  	s10 =	simm.s32 $0x19370;
	v8 =	vmul.f32 $1.442695020e+00, v8  }
0x134: {  	s16 =	simm.s32 $0x1C3F0;
	v9 =	vld [tilespmem:s10+$0x80]  }
0x135: {  	(erf) = vpow2.f32 v8;
	v8 =	vld [tilespmem:s16+$0x0]  }
0x136: {  	v11 =	vld [tilespmem:s16+$0xFFFFFFF0]  }
0x137: {  	s9 =	simm.s32 $0x1C950;
	v10 =	vld [tilespmem:s10+$0xFFFFFFF0];
	v14 =	vpop (erf)  }
0x138: {  	[tilespmem:s9+$0x80] =	vst v14  }
0x139: {  	v12 =	vld [tilespmem:s1+$0x0]  }
0x13a: {  	v9 =	vadd.f32 v9, v8;
	_ =	sdelay $0x1  }
0x13b: {  	v10 =	vadd.f32 v10, v11;
	v13 =	vperm.xlane v14, v0;
	v11 =	vmul.f32 $2.000000030e-01, v9;
	_ =	sdelay $0x1  }
0x13c: {  	v9 =	vmax.f32 v9, v11;
	v12 =	vmul.f32 v13, v12  }
0x13d: {  	v9 =	vmul.f32 $1.442695020e+00, v9;
	v13 =	vmul.f32 $2.000000030e-01, v10  }
0x13e: {  	v8 =	vpop (erf);
	[tilespmem:s9+$0x0] =	vst v12  }
0x13f: {  	[tilespmem:s9+$0xFFFFFFF0] =	vst v8;
	(erf) = vpow2.f32 v9;
	v10 =	vmax.f32 v10, v13;
	v12 =	vld [tilespmem:s1+$0x10]  }
0x140: {  	v15 =	vld [tilespmem:s1+$0xFFFFFF70];
	v10 =	vmul.f32 $1.442695020e+00, v10;
	_ =	sdelay $0x1  }
0x141: {  	(erf) = vpow2.f32 v10;
	v10 =	vperm.xlane v14, v1  }
0x142: {  	s14 =	simm.s32 $0x19490;
	v11 =	vperm.xlane v8, v0  }
0x143: {  	s30 =	smov.u32 s18;
	s18 =	simm.s32 $0x1C410;
	v13 =	vld [tilespmem:s14+$0xFFFFFFF0];
	v10 =	vmul.f32 v10, v12  }
0x144: {  	v9 =	vmul.f32 v11, v15;
	v11 =	vld [tilespmem:s18+$0x0]  }
0x145: {  	v12 =	vld [tilespmem:s14+$0x80];
	[tilespmem:s9+$0x10] =	vst v10  }
0x146: {  	v10 =	vld [tilespmem:s1+$0x20]  }
0x147: {  	s11 =	simm.s32 $0x1CA70;
	v15 =	vld [tilespmem:s18+$0xFFFFFFF0];
	[tilespmem:s9+$0xFFFFFF70] =	vst v9;
	v19 =	vpop (erf)  }
0x148: {  	v9 =	vld [tilespmem:s1+$0xFFFFFF80];
	[tilespmem:s11+$0x80] =	vst v19  }
0x149: {  	v16 =	vperm.xlane v14, v2;
	v18 =	vld [tilespmem:s10+$0x0]  }
0x14a: {  	v21 =	vpop (erf)  }
0x14b: {  	v17 =	vperm.xlane v8, v1;
	v11 =	vadd.f32 v12, v11;
	[tilespmem:s11+$0xFFFFFFF0] =	vst v21;
	v10 =	vmul.f32 v16, v10  }
0x14c: {  	v12 =	vld [tilespmem:s10+$0xFFFFFF70];
	v16 =	vperm.xlane v19, v0  }
0x14d: {  	v9 =	vmul.f32 v17, v9;
	[tilespmem:s9+$0x20] =	vst v10;
	v10 =	vadd.f32 v13, v15;
	v13 =	vmul.f32 $2.000000030e-01, v11  }
0x14e: {  	v16 =	vmul.f32 v16, v18;
	v15 =	vld [tilespmem:s1+$0x30]  }
0x14f: {  	[tilespmem:s9+$0xFFFFFF80] =	vst v9;
	v9 =	vperm.xlane v21, v0;
	v18 =	vmul.f32 $2.000000030e-01, v10;
	v11 =	vmax.f32 v11, v13  }
0x150: {  	[tilespmem:s11+$0x0] =	vst v16;
	v11 =	vmul.f32 $1.442695020e+00, v11  }
0x151: {  	v9 =	vmul.f32 v9, v12;
	v12 =	vperm.xlane v14, v3;
	v16 =	vld [tilespmem:s10+$0x10];
	v10 =	vmax.f32 v10, v18  }
0x152: {  	v17 =	vld [tilespmem:s1+$0xFFFFFF90];
	v10 =	vmul.f32 $1.442695020e+00, v10;
	(erf) = vpow2.f32 v11  }
0x153: {  	[tilespmem:s11+$0xFFFFFF70] =	vst v9;
	v11 =	vmul.f32 v12, v15  }
0x154: {  	s2 =	simm.s32 $0x195B0;
	v9 =	vld [tilespmem:s10+$0xFFFFFF80];
	(erf) = vpow2.f32 v10;
	v10 =	vperm.xlane v19, v1  }
0x155: {  	v13 =	vperm.xlane v8, v2;
	v18 =	vld [tilespmem:s2+$0xFFFFFFF0];
	[tilespmem:s9+$0x30] =	vst v11  }
0x156: {  	s21 =	simm.s32 $0x1C430;
	v11 =	vld [tilespmem:s1+$0x40];
	v10 =	vmul.f32 v10, v16  }
0x157: {  	v12 =	vmul.f32 v13, v17;
	v13 =	vld [tilespmem:s21+$0x0];
	v17 =	vperm.xlane v21, v1  }
0x158: {  	v15 =	vld [tilespmem:s2+$0x80];
	[tilespmem:s11+$0x10] =	vst v10  }
0x159: {  	[tilespmem:s9+$0xFFFFFF90] =	vst v12;
	v10 =	vperm.xlane v14, v4;
	v9 =	vmul.f32 v17, v9;
	v16 =	vld [tilespmem:s10+$0x20]  }
0x15a: {  	v12 =	vld [tilespmem:s1+$0xFFFFFFA0]  }
0x15b: {  	s15 =	simm.s32 $0x1CB90;
	[tilespmem:s11+$0xFFFFFF80] =	vst v9;
	v26 =	vpop (erf);
	v10 =	vmul.f32 v10, v11;
	v11 =	vld [tilespmem:s21+$0xFFFFFFF0]  }
0x15c: {  	v45 =	vperm.xlane v14, v6;
	v17 =	vperm.xlane v19, v2;
	[tilespmem:s15+$0x80] =	vst v26  }
0x15d: {  	v27 =	vperm.xlane v8, v6;
	v20 =	vld [tilespmem:s14+$0x0];
	v22 =	vpop (erf);
	[tilespmem:s9+$0x40] =	vst v10;
	v10 =	vperm.xlane v8, v3  }
0x15e: {  	v48 =	vperm.xlane v19, v5;
	v13 =	vadd.f32 v15, v13;
	[tilespmem:s15+$0xFFFFFFF0] =	vst v22;
	v9 =	vmul.f32 v17, v16;
	v16 =	vld [tilespmem:s10+$0xFFFFFF90]  }
0x15f: {  	v54 =	vperm.xlane v19, v6;
	v15 =	vld [tilespmem:s14+$0xFFFFFF70];
	v10 =	vmul.f32 v10, v12  }
0x160: {  	v12 =	vperm.xlane v26, v0;
	[tilespmem:s11+$0x20] =	vst v9;
	v9 =	vadd.f32 v18, v11;
	v11 =	vmul.f32 $2.000000030e-01, v13  }
0x161: {  	v24 =	vperm.xlane v21, v2;
	v23 =	vld [tilespmem:s1+$0x50];
	v17 =	vperm.xlane v14, v5  }
0x162: {  	v18 =	vperm.xlane v22, v0;
	v12 =	vmul.f32 v12, v20;
	v20 =	vld [tilespmem:s10+$0x30];
	v11 =	vmax.f32 v13, v11  }
0x163: {  	v25 =	vmul.f32 $2.000000030e-01, v9;
	v11 =	vmul.f32 $1.442695020e+00, v11  }
0x164: {  	v15 =	vmul.f32 v18, v15;
	[tilespmem:s15+$0x0] =	vst v12;
	v12 =	vmul.f32 v24, v16  }
0x165: {  	s22 =	simm.s32 $0x1C450;
	[tilespmem:s9+$0xFFFFFFA0] =	vst v10;
	v9 =	vmax.f32 v9, v25;
	v16 =	vperm.xlane v19, v3;
	v10 =	vld [tilespmem:s14+$0x10];
	(erf) = vpow2.f32 v11  }
0x166: {  	s25 =	simm.s32 $0x196D0;
	v28 =	vld [tilespmem:s22+$0x0];
	v31 =	vperm.xlane v22, v1;
	v9 =	vmul.f32 $1.442695020e+00, v9  }
0x167: {  	v29 =	vld [tilespmem:s25+$0x80];
	v13 =	vmul.f32 v17, v23;
	[tilespmem:s15+$0xFFFFFF70] =	vst v15;
	v11 =	vmul.f32 v16, v20  }
0x168: {  	v62 =	vld [tilespmem:s25+$0xFFFFFFF0];
	[tilespmem:s11+$0xFFFFFF90] =	vst v12;
	v12 =	vperm.xlane v26, v1;
	(erf) = vpow2.f32 v9  }
0x169: {  	v23 =	vperm.xlane v8, v5;
	v18 =	vperm.xlane v8, v4;
	v16 =	vld [tilespmem:s14+$0xFFFFFF80];
	[tilespmem:s11+$0x30] =	vst v11  }
0x16a: {  	v9 =	vperm.xlane v8, v7;
	v8 =	vmul.f32 v12, v10;
	v10 =	vld [tilespmem:s10+$0x40]  }
0x16b: {  	v17 =	vld [tilespmem:s1+$0xFFFFFFB0];
	v25 =	vperm.xlane v21, v4;
	[tilespmem:s9+$0x50] =	vst v13;
	v20 =	vperm.xlane v21, v5  }
0x16c: {  	v15 =	vld [tilespmem:s1+$0x60];
	v11 =	vperm.xlane v21, v6;
	v12 =	vperm.xlane v21, v3;
	[tilespmem:s15+$0x10] =	vst v8  }
0x16d: {  	v8 =	vperm.xlane v21, v7;
	v21 =	vperm.xlane v19, v4;
	v30 =	vld [tilespmem:s14+$0x20]  }
0x16e: {  	s16 =	simm.s32 $0x1CCB0;
	v46 =	vperm.xlane v26, v2;
	v24 =	vld [tilespmem:s10+$0xFFFFFFA0];
	v16 =	vmul.f32 v31, v16;
	v13 =	vpop (erf)  }
0x16f: {  	v44 =	vld [tilespmem:s22+$0xFFFFFFF0];
	v28 =	vadd.f32 v29, v28;
	v61 =	vperm.xlane v22, v2;
	v10 =	vmul.f32 v21, v10;
	[tilespmem:s16+$0x80] =	vst v13  }
0x170: {  	s23 =	simm.s32 $0x1C470;
	v63 =	vperm.xlane v22, v3;
	v17 =	vmul.f32 v18, v17;
	[tilespmem:s15+$0xFFFFFF80] =	vst v16;
	v18 =	vld [tilespmem:s2+$0x0]  }
0x171: {  	v57 =	vld [tilespmem:s23+$0xFFFFFFF0];
	v31 =	vmul.f32 $2.000000030e-01, v28;
	v47 =	vpop (erf);
	[tilespmem:s11+$0x40] =	vst v10;
	v10 =	vmul.f32 v45, v15  }
0x172: {  	v14 =	vperm.xlane v14, v7;
	[tilespmem:s16+$0xFFFFFFF0] =	vst v47;
	v15 =	vmul.f32 v46, v30;
	v30 =	vld [tilespmem:s10+$0x50]  }
0x173: {  	v12 =	vmul.f32 v12, v24;
	v28 =	vmax.f32 v28, v31;
	v29 =	vperm.xlane v13, v0;
	v24 =	vld [tilespmem:s2+$0xFFFFFF70];
	[tilespmem:s9+$0x60] =	vst v10  }
0x174: {  	v19 =	vperm.xlane v19, v7;
	v28 =	vmul.f32 $1.442695020e+00, v28;
	v10 =	vld [tilespmem:s14+$0xFFFFFF90];
	[tilespmem:s15+$0x20] =	vst v15  }
0x175: {  	v21 =	vperm.xlane v22, v4;
	v15 =	vadd.f32 v62, v44;
	v49 =	vld [tilespmem:s14+$0x30];
	v18 =	vmul.f32 v29, v18  }
0x176: {  	s22 =	simm.s32 $0x197F0;
	[tilespmem:s11+$0xFFFFFFA0] =	vst v12;
	v16 =	vperm.xlane v47, v0;
	(erf) = vpow2.f32 v28;
	v31 =	vld [tilespmem:s1+$0x70]  }
0x177: {  	v53 =	vld [tilespmem:s22+$0x80];
	v29 =	vmul.f32 $2.000000030e-01, v15;
	v12 =	vmul.f32 v48, v30;
	[tilespmem:s16+$0x0] =	vst v18  }
0x178: {  	[tilespmem:s9+$0xFFFFFFB0] =	vst v17;
	v16 =	vmul.f32 v16, v24;
	v24 =	vperm.xlane v26, v3;
	v17 =	vld [tilespmem:s2+$0x10]  }
0x179: {  	v50 =	vld [tilespmem:s10+$0xFFFFFFB0];
	v58 =	vperm.xlane v13, v2;
	v18 =	vperm.xlane v22, v5  }
0x17a: {  	v28 =	vld [tilespmem:s1+$0xFFFFFFC0];
	v15 =	vmax.f32 v15, v29;
	v29 =	vmul.f32 v61, v10;
	[tilespmem:s11+$0x50] =	vst v12;
	v24 =	vmul.f32 v24, v49  }
0x17b: {  	[tilespmem:s16+$0xFFFFFF70] =	vst v16;
	v16 =	vperm.xlane v13, v1;
	v31 =	vmul.f32 v14, v31;
	v14 =	vld [tilespmem:s23+$0x0]  }
0x17c: {  	v10 =	vperm.xlane v22, v7;
	v15 =	vmul.f32 $1.442695020e+00, v15;
	v51 =	vld [tilespmem:s10+$0x60];
	[tilespmem:s15+$0x30] =	vst v24  }
0x17d: {  	v12 =	vperm.xlane v22, v6;
	v22 =	vld [tilespmem:s14+$0x40];
	v16 =	vmul.f32 v16, v17  }
0x17e: {  	v25 =	vmul.f32 v25, v50;
	[tilespmem:s15+$0xFFFFFF90] =	vst v29;
	(erf) = vpow2.f32 v15;
	v15 =	vld [tilespmem:s2+$0xFFFFFF80]  }
0x17f: {  	v40 =	vperm.xlane v13, v6;
	v52 =	vperm.xlane v47, v2;
	v29 =	vld [tilespmem:s14+$0xFFFFFFA0];
	[tilespmem:s16+$0x10] =	vst v16  }
0x180: {  	v36 =	vperm.xlane v47, v3;
	[tilespmem:s11+$0xFFFFFFB0] =	vst v25;
	v17 =	vperm.xlane v26, v4;
	v55 =	vld [tilespmem:s2+$0x20]  }
0x181: {  	s21 =	simm.s32 $0x1CDD0;
	v45 =	vperm.xlane v26, v5;
	v48 =	vld [tilespmem:s10+$0xFFFFFFC0];
	v24 =	vperm.xlane v47, v1;
	v16 =	vpop (erf)  }
0x182: {  	v56 =	vld [tilespmem:s22+$0xFFFFFFF0];
	v50 =	vperm.xlane v13, v3;
	v22 =	vmul.f32 v17, v22;
	[tilespmem:s21+$0x80] =	vst v16  }
0x183: {  	s26 =	simm.s32 $0x1C490;
	v30 =	vperm.xlane v47, v4;
	v24 =	vmul.f32 v24, v15;
	v59 =	vld [tilespmem:s25+$0x0]  }
0x184: {  	v32 =	vmul.f32 v54, v51;
	v54 =	vld [tilespmem:s26+$0x0];
	[tilespmem:s15+$0x40] =	vst v22;
	v22 =	vmul.f32 v23, v28  }
0x185: {  	[tilespmem:s16+$0xFFFFFF80] =	vst v24;
	v28 =	vmul.f32 v63, v29;
	v29 =	vadd.f32 v53, v14;
	v23 =	vld [tilespmem:s14+$0x50];
	v24 =	vmul.f32 v58, v55  }
0x186: {  	v33 =	vmul.f32 v20, v48;
	[tilespmem:s11+$0x60] =	vst v32;
	v61 =	vperm.xlane v16, v0;
	v62 =	vld [tilespmem:s2+$0xFFFFFF90]  }
0x187: {  	v15 =	vperm.xlane v47, v6;
	v43 =	vpop (erf);
	v63 =	vld [tilespmem:s10+$0x70];
	v44 =	vmul.f32 $2.000000030e-01, v29;
	[tilespmem:s16+$0x20] =	vst v24;
	v24 =	vadd.f32 v56, v57  }
0x188: {  	v17 =	vperm.xlane v47, v5;
	[tilespmem:s21+$0xFFFFFFF0] =	vst v43;
	v32 =	vmul.f32 v61, v59;
	v46 =	vld [tilespmem:s2+$0x30]  }
0x189: {  	v14 =	vperm.xlane v47, v7;
	v60 =	vld [tilespmem:s25+$0xFFFFFF70];
	[tilespmem:s15+$0xFFFFFFA0] =	vst v28;
	v29 =	vmax.f32 v29, v44;
	v25 =	vmul.f32 $2.000000030e-01, v24  }
0x18a: {  	v47 =	vld [tilespmem:s14+$0xFFFFFFB0];
	v29 =	vmul.f32 $1.442695020e+00, v29;
	v23 =	vmul.f32 v45, v23;
	[tilespmem:s21+$0x0] =	vst v32  }
0x18b: {  	s3 =	simm.s32 $0x19910;
	v51 =	vperm.xlane v43, v1;
	[tilespmem:s9+$0xFFFFFFC0] =	vst v22;
	v49 =	vmul.f32 v52, v62;
	v24 =	vmax.f32 v24, v25;
	v25 =	vld [tilespmem:s25+$0x10]  }
0x18c: {  	v59 =	vld [tilespmem:s3+$0xFFFFFFF0];
	(erf) = vpow2.f32 v29;
	[tilespmem:s15+$0x50] =	vst v23;
	v22 =	vmul.f32 $1.442695020e+00, v24  }
0x18d: {  	v28 =	vperm.xlane v43, v0;
	v23 =	vld [tilespmem:s14+$0x60];
	v24 =	vmul.f32 v50, v46  }
0x18e: {  	[tilespmem:s16+$0xFFFFFF90] =	vst v49;
	v29 =	vld [tilespmem:s1+$0xFFFFFFD0];
	(erf) = vpow2.f32 v22;
	v22 =	vperm.xlane v16, v1  }
0x18f: {  	v53 =	vmul.f32 v19, v63;
	v28 =	vmul.f32 v28, v60;
	v52 =	vld [tilespmem:s2+$0xFFFFFFA0];
	[tilespmem:s16+$0x30] =	vst v24  }
0x190: {  	[tilespmem:s9+$0x70] =	vst v31;
	v24 =	vperm.xlane v26, v6;
	v19 =	vmul.f32 v22, v25;
	v22 =	vld [tilespmem:s2+$0x40]  }
0x191: {  	v37 =	vperm.xlane v43, v2;
	v61 =	vperm.xlane v16, v2;
	v60 =	vld [tilespmem:s26+$0xFFFFFFF0];
	[tilespmem:s21+$0xFFFFFF70] =	vst v28  }
0x192: {  	[tilespmem:s11+$0x70] =	vst v53;
	v53 =	vperm.xlane v13, v5;
	v28 =	vld [tilespmem:s25+$0xFFFFFF80];
	v23 =	vmul.f32 v24, v23  }
0x193: {  	v55 =	vld [tilespmem:s3+$0x80];
	v56 =	vmul.f32 v21, v47;
	[tilespmem:s21+$0x10] =	vst v19;
	v19 =	vperm.xlane v13, v4  }
0x194: {  	v21 =	vperm.xlane v43, v6;
	v26 =	vperm.xlane v26, v7;
	v57 =	vld [tilespmem:s25+$0x20];
	[tilespmem:s15+$0x60] =	vst v23  }
0x195: {  	s12 =	simm.s32 $0x1CEF0;
	[tilespmem:s15+$0xFFFFFFB0] =	vst v56;
	v25 =	vperm.xlane v43, v3;
	v20 =	vpop (erf);
	v58 =	vld [tilespmem:s14+$0x70];
	v31 =	vmul.f32 v19, v22  }
0x196: {  	v34 =	vmul.f32 v36, v52;
	v63 =	vmul.f32 v27, v29;
	[tilespmem:s12+$0x80] =	vst v20  }
0x197: {  	v32 =	vadd.f32 v59, v60;
	v60 =	vperm.xlane v16, v3;
	v28 =	vmul.f32 v51, v28;
	v62 =	vld [tilespmem:s22+$0x0];
	v22 =	vpop (erf);
	[tilespmem:s16+$0x40] =	vst v31  }
0x198: {  	v24 =	vperm.xlane v43, v4;
	v23 =	vperm.xlane v43, v5;
	[tilespmem:s12+$0xFFFFFFF0] =	vst v22;
	v29 =	vld [tilespmem:s2+$0x50]  }
0x199: {  	v19 =	vperm.xlane v43, v7;
	[tilespmem:s21+$0xFFFFFF80] =	vst v28;
	v28 =	vadd.f32 v55, v54;
	v41 =	vmul.f32 v61, v57;
	v48 =	vld [tilespmem:s22+$0xFFFFFF70]  }
0x19a: {  	[tilespmem:s16+$0xFFFFFFA0] =	vst v34;
	v50 =	vld [tilespmem:s25+$0xFFFFFF90];
	v49 =	vmul.f32 v26, v58;
	v26 =	vperm.xlane v20, v0  }
0x19b: {  	v34 =	vld [tilespmem:s14+$0xFFFFFFC0];
	v55 =	vmul.f32 $2.000000030e-01, v32;
	v51 =	vmul.f32 $2.000000030e-01, v28;
	[tilespmem:s21+$0x20] =	vst v41  }
0x19c: {  	[tilespmem:s11+$0xFFFFFFC0] =	vst v33;
	v47 =	vperm.xlane v22, v0;
	v54 =	vld [tilespmem:s25+$0x30];
	v26 =	vmul.f32 v26, v62  }
0x19d: {  	[tilespmem:s9+$0xFFFFFFD0] =	vst v63;
	v52 =	vld [tilespmem:s2+$0xFFFFFFB0];
	v63 =	vperm.xlane v20, v1;
	v28 =	vmax.f32 v28, v51;
	v56 =	vmul.f32 v53, v29  }
0x19e: {  	v57 =	vmul.f32 $1.442695020e+00, v28;
	v28 =	vld [tilespmem:s10+$0xFFFFFFD0];
	v35 =	vmul.f32 v47, v48;
	[tilespmem:s12+$0x0] =	vst v26  }
0x19f: {  	v31 =	vperm.xlane v22, v1;
	v59 =	vmul.f32 v37, v50;
	v26 =	vmax.f32 v32, v55;
	v58 =	vld [tilespmem:s22+$0x10];
	[tilespmem:s16+$0x50] =	vst v56  }
0x1a0: {  	(erf) = vpow2.f32 v57;
	v61 =	vmul.f32 $1.442695020e+00, v26;
	[tilespmem:s12+$0xFFFFFF70] =	vst v35;
	v37 =	vld [tilespmem:s2+$0x60]  }
0x1a1: {  	v27 =	vperm.xlane v22, v2;
	[tilespmem:s21+$0xFFFFFF90] =	vst v59;
	v62 =	vmul.f32 v60, v54;
	v39 =	vld [tilespmem:s22+$0xFFFFFF80]  }
0x1a2: {  	v41 =	vmul.f32 v30, v52;
	v36 =	vld [tilespmem:s25+$0xFFFFFFA0];
	(erf) = vpow2.f32 v61  }
0x1a3: {  	v29 =	vperm.xlane v22, v3;
	v32 =	vld [tilespmem:s1+$0xFFFFFFE0];
	v26 =	vperm.xlane v22, v4;
	[tilespmem:s21+$0x30] =	vst v62  }
0x1a4: {  	s13 =	simm.s32 $0xC;
	s23 =	simm.s32 $0x1C4B0;
	[tilespmem:s15+$0x70] =	vst v49;
	s1 =	simm.s32 $0x1CEF0;
	v35 =	vperm.xlane v22, v5;
	v38 =	vld [tilespmem:s25+$0x40];
	v42 =	vmul.f32 v63, v58  }
.LBB2_5:
0x1a5: {  	v30 =	vld [tilespmem:s23+$0x0];
	[tilespmem:s16+$0xFFFFFFB0] =	vst v41;
	v33 =	vmul.f32 v40, v37;
	v34 =	vmul.f32 v18, v34;
	v18 =	vmovc v17;
	v17 =	vmov v23;
	s26 =	smov.u32 s3;
	s3 =	sadd.s32 $0x120, s3  }
0x1a6: {  	v37 =	vld [tilespmem:s3+$0x80];
	v31 =	vmul.f32 v31, v39;
	v39 =	vperm.xlane v22, v6;
	[tilespmem:s12+$0x10] =	vst v42;
	v23 =	vmov v35  }
0x1a7: {  	v40 =	vperm.xlane v16, v4;
	v35 =	vld [tilespmem:s22+$0x20];
	v36 =	vmul.f32 v25, v36;
	[tilespmem:s16+$0x60] =	vst v33;
	v25 =	vmov v29  }
0x1a8: {  	v28 =	vmul.f32 v11, v28;
	v11 =	vmovc v12;
	v12 =	vmov v15;
	v29 =	vperm.xlane v22, v7;
	[tilespmem:s12+$0xFFFFFF80] =	vst v31;
	v33 =	vld [tilespmem:s2+$0x70]  }
0x1a9: {  	s13 =	sadd.s32 $0x2, s13;
	v15 =	vmov v21;
	s12 =	sadd.s32 $0x120, s12;
	v32 =	vmul.f32 v9, v32;
	v41 =	vld [tilespmem:s3+$0xFFFFFFF0];
	v42 =	vpop (erf);
	[tilespmem:s21+$0xFFFFFFA0] =	vst v36;
	v31 =	vmul.f32 v40, v38  }
0x1aa: {  	p0 =	slt.u32 s13, $0x4E;
	v21 =	vmovc v39;
	v9 =	vmovc v8;
	v8 =	vmov v10;
	v10 =	vmov v14;
	v38 =	vperm.xlane v20, v2;
	v36 =	vld [tilespmem:s23+$0xFFFFFFF0];
	[tilespmem:s12+$0x80] =	vst v42  }
0x1ab: {  	v14 =	vmov v19;
	v40 =	vperm.xlane v13, v7;
	v19 =	vmov v29;
	v39 =	vld [tilespmem:s26+$0x0];
	v22 =	vpop (erf);
	[tilespmem:s21+$0x40] =	vst v31  }
0x1ac: {  	v13 =	vmovc v16;
	v16 =	vmov v20;
	[tilespmem:s12+$0xFFFFFFF0] =	vst v22;
	v43 =	vperm.xlane v22, v0;
	v29 =	vmul.f32 v38, v35;
	v35 =	vld [tilespmem:s25+$0x50]  }
0x1ad: {  	v30 =	vadd.f32 v37, v30;
	v31 =	vperm.xlane v22, v1;
	v37 =	vld [tilespmem:s26+$0xFFFFFF70];
	v33 =	vmul.f32 v40, v33;
	[tilespmem:s15+$0xFFFFFFC0] =	vst v34  }
0x1ae: {  	v20 =	vmov v42;
	v38 =	vperm.xlane v22, v2;
	v34 =	vperm.xlane v42, v0;
	v40 =	vld [tilespmem:s22+$0xFFFFFF90];
	[tilespmem:s1+$0x20] =	vst v29  }
0x1af: {  	v44 =	vperm.xlane v13, v5;
	v36 =	vadd.f32 v41, v36;
	v41 =	vmul.f32 $2.000000030e-01, v30;
	v42 =	vld [tilespmem:s25+$0xFFFFFFB0];
	[tilespmem:s16+$0x70] =	vst v33  }
0x1b0: {  	v29 =	vperm.xlane v22, v3;
	v33 =	vmul.f32 v34, v39;
	v45 =	vld [tilespmem:s22+$0x30];
	[tilespmem:s11+$0xFFFFFFD0] =	vst v28  }
0x1b1: {  	v39 =	vmul.f32 $2.000000030e-01, v36;
	v28 =	vmax.f32 v30, v41;
	v30 =	vmul.f32 v44, v35;
	v34 =	vld [tilespmem:s2+$0xFFFFFFC0];
	[tilespmem:s9+$0xFFFFFFE0] =	vst v32;
	s9 =	smov.u32 s11;
	s11 =	smov.u32 s15;
	s15 =	smov.u32 s16  }
0x1b2: {  	s16 =	smov.u32 s21;
	s21 =	smov.u32 s1;
	s1 =	smov.u32 s12;
	v32 =	vmul.f32 $1.442695020e+00, v28;
	v35 =	vmul.f32 v43, v37;
	[tilespmem:s12+$0x0] =	vst v33;
	v28 =	vld [tilespmem:s14+$0xFFFFFFD0]  }
0x1b3: {  	v33 =	vmax.f32 v36, v39;
	v43 =	vld [tilespmem:s26+$0x10];
	v36 =	vmul.f32 v27, v40;
	v40 =	vperm.xlane v16, v3;
	[tilespmem:s16+$0x50] =	vst v30  }
.Ltmp1:
0x1b4: {  	v27 =	vmov v38;
	v30 =	vmul.f32 $1.442695020e+00, v33;
	(erf) = vpow2.f32 v32;
	[tilespmem:s12+$0xFFFFFF70] =	vst v35;
	v37 =	vld [tilespmem:s25+$0x60];
	(pc) =	sbr.rel @p0 .LBB2_5-.Ltmp1, $4  }
0x1b5: {  	v33 =	vperm.xlane v22, v4;
	v39 =	vld [tilespmem:s26+$0xFFFFFF80];
	[tilespmem:s21+$0xFFFFFF90] =	vst v36;
	v32 =	vmul.f32 v40, v45  }
0x1b6: {  	(erf) = vpow2.f32 v30;
	v30 =	vperm.xlane v20, v1;
	v36 =	vld [tilespmem:s22+$0xFFFFFFA0]  }
0x1b7: {  	v41 =	vmul.f32 v24, v42;
	v24 =	vmovc v26;
	v40 =	vperm.xlane v13, v6;
	v26 =	vmov v33;
	[tilespmem:s21+$0x30] =	vst v32;
	v32 =	vld [tilespmem:s10+$0xFFFFFFE0];
	s10 =	smov.u32 s14;
	s14 =	smov.u32 s2;
	s2 =	smov.u32 s25  }
0x1b8: {  	s23 =	sadd.s32 $0x20, s23;
	v35 =	vperm.xlane v22, v5;
	s25 =	smov.u32 s22;
	v42 =	vmul.f32 v30, v43;
	v38 =	vld [tilespmem:s22+$0x40];
	s22 =	smov.u32 s26  }
0x1b9: {  	_ =	sdelay $0x4  }
0x1ba: {  	s13 =	sadd.s32 $0x120, s12;
	v33 =	vpop (erf)  }
0x1bb: {  	[tilespmem:s13+$0x80] =	vst v33;
	v30 =	vpop (erf)  }
0x1bc: {  	v43 =	vld [tilespmem:s3+$0x0];
	[tilespmem:s13+$0xFFFFFFF0] =	vst v30  }
0x1bd: {  	v45 =	vld [tilespmem:s3+$0xFFFFFF70];
	_ =	sdelay $0x1  }
0x1be: {  	v44 =	vperm.xlane v33, v0  }
0x1bf: {  	v56 =	vperm.xlane v30, v0  }
0x1c0: {  	v43 =	vmul.f32 v44, v43  }
0x1c1: {  	v44 =	vmul.f32 v56, v45  }
0x1c2: {  	[tilespmem:s13+$0x0] =	vst v43  }
0x1c3: {  	v43 =	vld [tilespmem:s3+$0x10];
	[tilespmem:s13+$0xFFFFFF70] =	vst v44  }
0x1c4: {  	v58 =	vld [tilespmem:s3+$0xFFFFFF80];
	_ =	sdelay $0x1  }
0x1c5: {  	v31 =	vmul.f32 v31, v39;
	v57 =	vperm.xlane v33, v1  }
0x1c6: {  	[tilespmem:s12+$0x10] =	vst v42;
	v61 =	vperm.xlane v30, v1  }
0x1c7: {  	v60 =	vld [tilespmem:s22+$0x20];
	[tilespmem:s12+$0xFFFFFF80] =	vst v31;
	v59 =	vmul.f32 v57, v43  }
0x1c8: {  	v49 =	vld [tilespmem:s22+$0xFFFFFF90];
	v42 =	vmul.f32 v61, v58  }
0x1c9: {  	[tilespmem:s13+$0x10] =	vst v59  }
0x1ca: {  	v63 =	vperm.xlane v20, v2;
	v62 =	vld [tilespmem:s3+$0x20];
	[tilespmem:s13+$0xFFFFFF80] =	vst v42  }
0x1cb: {  	v51 =	vld [tilespmem:s3+$0xFFFFFF90]  }
0x1cc: {  	v48 =	vmul.f32 v63, v60  }
0x1cd: {  	v50 =	vperm.xlane v33, v2;
	v27 =	vmul.f32 v27, v49  }
0x1ce: {  	v54 =	vperm.xlane v30, v2;
	[tilespmem:s1+$0x20] =	vst v48  }
0x1cf: {  	v53 =	vld [tilespmem:s22+$0x30];
	[tilespmem:s1+$0xFFFFFF90] =	vst v27;
	v52 =	vmul.f32 v50, v62  }
0x1d0: {  	[tilespmem:s16+$0xFFFFFFB0] =	vst v41;
	v60 =	vld [tilespmem:s22+$0xFFFFFFA0];
	v57 =	vmul.f32 v54, v51  }
0x1d1: {  	v37 =	vmul.f32 v40, v37;
	[tilespmem:s13+$0x20] =	vst v52  }
0x1d2: {  	v18 =	vmul.f32 v18, v34;
	v58 =	vperm.xlane v20, v3;
	v56 =	vld [tilespmem:s3+$0x30];
	[tilespmem:s13+$0xFFFFFF90] =	vst v57  }
0x1d3: {  	v25 =	vmul.f32 v25, v36;
	[tilespmem:s16+$0x60] =	vst v37;
	v62 =	vld [tilespmem:s3+$0xFFFFFFA0]  }
0x1d4: {  	v55 =	vperm.xlane v16, v4;
	[tilespmem:s15+$0xFFFFFFC0] =	vst v18;
	v59 =	vmul.f32 v58, v53  }
0x1d5: {  	[tilespmem:s21+$0xFFFFFFA0] =	vst v25;
	v29 =	vmul.f32 v29, v60;
	v61 =	vperm.xlane v33, v3  }
0x1d6: {  	v31 =	vmul.f32 v55, v38;
	v46 =	vld [tilespmem:s25+$0xFFFFFFB0];
	v42 =	vperm.xlane v30, v3;
	[tilespmem:s1+$0x30] =	vst v59  }
0x1d7: {  	[tilespmem:s1+$0xFFFFFFA0] =	vst v29;
	v40 =	vld [tilespmem:s22+$0x40];
	v39 =	vmul.f32 v61, v56  }
0x1d8: {  	[tilespmem:s21+$0x40] =	vst v31;
	v47 =	vld [tilespmem:s22+$0xFFFFFFB0];
	v31 =	vmul.f32 v42, v62  }
0x1d9: {  	v11 =	vmul.f32 v11, v28;
	v63 =	vld [tilespmem:s25+$0x50];
	[tilespmem:s13+$0x30] =	vst v39  }
0x1da: {  	v9 =	vmul.f32 v9, v32;
	v45 =	vperm.xlane v20, v4;
	v44 =	vld [tilespmem:s3+$0x40];
	[tilespmem:s13+$0xFFFFFFA0] =	vst v31  }
0x1db: {  	[tilespmem:s11+$0xFFFFFFD0] =	vst v11;
	v24 =	vmul.f32 v24, v46;
	v49 =	vld [tilespmem:s3+$0xFFFFFFB0]  }
0x1dc: {  	v41 =	vld [tilespmem:s2+$0x70];
	[tilespmem:s9+$0xFFFFFFE0] =	vst v9;
	v43 =	vperm.xlane v16, v5;
	v18 =	vmul.f32 v45, v40  }
0x1dd: {  	v48 =	vperm.xlane v33, v4;
	[tilespmem:s21+$0xFFFFFFB0] =	vst v24;
	v55 =	vmul.f32 v26, v47;
	v57 =	vld [tilespmem:s2+$0xFFFFFFC0]  }
0x1de: {  	v25 =	vmul.f32 v43, v63;
	v53 =	vperm.xlane v30, v4;
	v59 =	vld [tilespmem:s25+$0xFFFFFFC0];
	[tilespmem:s1+$0x40] =	vst v18  }
0x1df: {  	v13 =	vperm.xlane v13, v7;
	[tilespmem:s1+$0xFFFFFFB0] =	vst v55;
	v52 =	vld [tilespmem:s22+$0x50];
	v51 =	vmul.f32 v48, v44  }
0x1e0: {  	[tilespmem:s21+$0x50] =	vst v25;
	v61 =	vld [tilespmem:s22+$0xFFFFFFC0];
	v25 =	vmul.f32 v53, v49  }
0x1e1: {  	v13 =	vmul.f32 v13, v41;
	v50 =	vld [tilespmem:s25+$0x60];
	[tilespmem:s13+$0x40] =	vst v51  }
0x1e2: {  	v58 =	vperm.xlane v20, v5;
	v32 =	vmul.f32 v17, v57;
	v56 =	vld [tilespmem:s3+$0x50];
	[tilespmem:s13+$0xFFFFFFB0] =	vst v25  }
0x1e3: {  	[tilespmem:s16+$0x70] =	vst v13;
	v23 =	vmul.f32 v23, v59;
	v62 =	vld [tilespmem:s3+$0xFFFFFFC0]  }
0x1e4: {  	v36 =	vld [tilespmem:s14+$0xFFFFFFD0];
	v54 =	vperm.xlane v16, v6;
	[tilespmem:s16+$0xFFFFFFC0] =	vst v32;
	v13 =	vmul.f32 v58, v52  }
0x1e5: {  	v60 =	vperm.xlane v33, v5;
	[tilespmem:s21+$0xFFFFFFC0] =	vst v23;
	v41 =	vld [tilespmem:s2+$0xFFFFFFD0];
	v40 =	vmul.f32 v35, v61  }
0x1e6: {  	v37 =	vperm.xlane v30, v5;
	v11 =	vmul.f32 v54, v50;
	v23 =	vld [tilespmem:s25+$0xFFFFFFD0];
	[tilespmem:s1+$0x50] =	vst v13  }
0x1e7: {  	v34 =	vld [tilespmem:s22+$0x60];
	[tilespmem:s1+$0xFFFFFFC0] =	vst v40;
	v31 =	vmul.f32 v60, v56  }
0x1e8: {  	[tilespmem:s21+$0x60] =	vst v11;
	v45 =	vld [tilespmem:s22+$0xFFFFFFD0];
	v11 =	vmul.f32 v37, v62  }
0x1e9: {  	v46 =	vmul.f32 v12, v36;
	v48 =	vld [tilespmem:s10+$0xFFFFFFE0];
	[tilespmem:s13+$0x50] =	vst v31  }
0x1ea: {  	v42 =	vperm.xlane v20, v6;
	v15 =	vmul.f32 v15, v41;
	v39 =	vld [tilespmem:s3+$0x60];
	[tilespmem:s13+$0xFFFFFFC0] =	vst v11  }
0x1eb: {  	[tilespmem:s15+$0xFFFFFFD0] =	vst v46;
	v49 =	vperm.xlane v22, v6;
	v53 =	vmul.f32 v21, v23;
	v47 =	vld [tilespmem:s3+$0xFFFFFFD0]  }
0x1ec: {  	v38 =	vperm.xlane v16, v7;
	v63 =	vld [tilespmem:s25+$0x70];
	[tilespmem:s16+$0xFFFFFFD0] =	vst v15;
	v43 =	vmul.f32 v42, v34  }
0x1ed: {  	v52 =	vld [tilespmem:s14+$0xFFFFFFE0];
	v44 =	vperm.xlane v33, v6;
	[tilespmem:s21+$0xFFFFFFD0] =	vst v53;
	v16 =	vmul.f32 v49, v45  }
0x1ee: {  	v51 =	vperm.xlane v30, v6;
	v8 =	vmul.f32 v8, v48;
	v58 =	vld [tilespmem:s25+$0xFFFFFFE0];
	[tilespmem:s1+$0x60] =	vst v43  }
0x1ef: {  	[tilespmem:s1+$0xFFFFFFD0] =	vst v16;
	v56 =	vld [tilespmem:s2+$0xFFFFFFE0];
	v9 =	vmul.f32 v44, v39  }
0x1f0: {  	v50 =	vld [tilespmem:s22+$0x70];
	[tilespmem:s11+$0xFFFFFFE0] =	vst v8;
	v57 =	vmul.f32 v51, v47  }
0x1f1: {  	v13 =	vmul.f32 v38, v63;
	v16 =	vld [tilespmem:s22+$0xFFFFFFE0];
	[tilespmem:s13+$0x60] =	vst v9  }
0x1f2: {  	v8 =	vmul.f32 v10, v52;
	v54 =	vld [tilespmem:s3+$0x70];
	[tilespmem:s13+$0xFFFFFFD0] =	vst v57  }
0x1f3: {  	v55 =	vperm.xlane v20, v7;
	[tilespmem:s21+$0x70] =	vst v13;
	v63 =	vmul.f32 v19, v58;
	v9 =	vld [tilespmem:s3+$0xFFFFFFE0]  }
0x1f4: {  	v61 =	vperm.xlane v22, v7;
	[tilespmem:s15+$0xFFFFFFE0] =	vst v8;
	v8 =	vmul.f32 v14, v56  }
0x1f5: {  	v59 =	vperm.xlane v33, v7;
	v11 =	vmul.f32 v55, v50;
	[tilespmem:s21+$0xFFFFFFE0] =	vst v63  }
0x1f6: {  	v62 =	vperm.xlane v30, v7;
	[tilespmem:s16+$0xFFFFFFE0] =	vst v8;
	v8 =	vmul.f32 v61, v16  }
0x1f7: {  	[tilespmem:s1+$0x70] =	vst v11;
	v60 =	vmul.f32 v59, v54  }
0x1f8: {  	s8 =	sadd.s32 $0x1, s8;
	[tilespmem:s1+$0xFFFFFFE0] =	vst v8;
	v9 =	vmul.f32 v62, v9  }
0x1f9: {  	p0 =	sne.s32 s8, $0x41;
	[tilespmem:s13+$0x70] =	vst v60  }
.Ltmp2:
0x1fa: {  	s26 =	simm.s32 $0x1C8C0;
	s25 =	rddreg [dreg:$0x2];
	[tilespmem:s13+$0xFFFFFFE0] =	vst v9;
	(pc) =	sbr.rel @p0 .LBB2_2-.Ltmp2, $4  }
0x1fb: {  	[spmem:s25] =	stream.indirect.scatter.add.f32 [tilespmem:s26], [sflag:$0x5], $0x90, s24, s20, $0xb8;
	[tilespmem:$0x1F5C0] =	vst v63  }
0x1fc: {  	_ =	swait.ge [sflag:s17], $0x2D00  }
0x1fd: {  	[sflag:s17] =	ssyncset.done $0x0  }
0x1fe: {  	[sflag:s17] =	ssyncadd.s32 $0xFFFFD300  }
0x1ff: {  	_ =	swait.ge [sflag:s28], $0x2D00  }
0x200: {  	[sflag:s28] =	ssyncset.done $0x0  }
0x201: {  	[sflag:s28] =	ssyncadd.s32 $0xFFFFD300  }
0x202: {  	_ =	swait.ge [sflag:s29], $0x500  }
0x203: {  	[sflag:s29] =	ssyncset.done $0x0  }
0x204: {  	[sflag:s29] =	ssyncadd.s32 $0xFFFFFB00  }
0x205: {  	[bflag:$0x0] =	sbarrier.arrive $0xFFFF  }
0x206: {  	s3 =	rddreg [dreg:$0x5]  }
0x207: {  	s1 =	rddreg [dreg:$0xa]  }
0x208: {  	s2 =	rddreg [dreg:$0xc]  }
0x209: {  	[hbm:s1], [sflag:s3] =	dma.local [spmem:s2], $0x2C70  }
0x20a: {  	_ =	swait.ge [sflag:s17], $0x2C70  }
0x20b: {  	s8 =	rddreg [dreg:$0xd]  }
0x20c: {  	s26 =	rddreg [dreg:$0xb];
	s8 =	sadd.s32 $0x1, s8  }
0x20d: {  	p0 =	sne.s32 s8, s26  }
.Ltmp3:
0x20e: {  	_ = 	snop;
	(pc) =	sbr.rel @p0 .LBB2_1-.Ltmp3, $3  }
0x20f: {  	_ =	sdelay $0x1  }
0x210: {  	[sflag:s17] =	ssyncset.done $0x0  }
0x211: {  	[sflag:s17] =	ssyncadd.s32 $0xFFFFD390  }
0x212: {  	_ =	sfence.sel $0x180000  }
0x213: {  	[bflag:$0x0] =	sbarrier.arrive $0xFFFF  }
0x214: {  	_ =	strace $0x90000047  }
0x215: {  	s0 =	stileid.u32;
	[bflag:$0x2] =	sbarrier.arrive $0xFFFF  }
0x216: {  	p0 =	sne.s32 s0, $0x0;
	s0 =	rddreg [dreg:$0x3]  }
0x217: {  	s0 =	sadd.s32 @!p0 $0x100000, s0  }
0x218: {  	[sflag:s0] =	ssyncadd.tile.s32 @!p0 $0x1;
	_ =	shalt  }
.Lfunc_end2:
_tile_overlayer_lowered:
.L_overlay_start_2:
0x219: {  	(tag) =	ssettag $0x2  }
0x21a: {  	s0 =	rddreg [dreg:$0x0];
	s2 =	stileid.u32  }
0x21b: {  	s1 =	rddreg [dreg:$0x1];
	p0 =	sne.s32 s2, $0x0  }
0x21c: {  	s3 =	rddreg [dreg:$0x2];
	[bflag:$0x3] =	sbarrier.arrive $0xFFFF;
	s2 =	simm.s32 @!p0 $0x1C05  }
0x21d: {  	[timem:s3], [sflag:s2] =	dma.local @!p0 [hbm:s0], s1  }
0x21e: {  	s0 =	simm.s32 @!p0 $0x5  }
0x21f: {  	_ =	swait.ge @!p0 [sflag:s0], s1  }
0x220: {  	s1 =	ssub.s32 @!p0 $0x0, s1;
	[sflag:s0] =	ssyncset.done @!p0 $0x0  }
0x221: {  	[sflag:s0] =	ssyncadd.s32 @!p0 s1  }
0x222: {  	[bflag:$0x3] =	sbarrier.arrive $0xFFFF  }
0x223: {  	_ =	shalt  }

</sc_bundles>
